<compile_context>
chip_gen: v7x
topology: tpu7x:2x2x1
jax: 0.10.2.dev20260603
libtpu: 0.0.44.dev20260713+nightly
codegen_flags: <defaults>
</compile_context>

<pallas_src>
import functools

import jax
import jax.numpy as jnp
from jax import lax
from jax.experimental import pallas as pl
from jax.experimental.pallas import tpu as pltpu
from jax.experimental.pallas import tpu_sc as plsc

_N = 8192
_D = 16
_P = 256
_Q_MIN = 0.01
_REP = 10.0

_NW = 16
_CH = _N // _NW
_PW = _P // _NW
_BIGN = 1 << 30

_N_BLK = 2048
_NB = _N // _N_BLK


@functools.partial(
    pl.kernel,
    mesh=plsc.VectorSubcoreMesh(
        core_axis_name="c", subcore_axis_name="s", num_cores=1),
    compiler_params=pltpu.CompilerParams(needs_layout_passes=False, use_tc_tiling_on_sc=False),
    out_type=[
        jax.ShapeDtypeStruct((_P, _D), jnp.float32),
        jax.ShapeDtypeStruct((_P,), jnp.float32),
    ],
    scratch_types=[
        pltpu.VMEM((_CH,), jnp.float32),
        pltpu.VMEM((_CH,), jnp.int32),
        pltpu.VMEM((_P,), jnp.float32),
        pltpu.VMEM((_P,), jnp.int32),
        pltpu.VMEM_SHARED((_NW, _P), jnp.float32),
        pltpu.VMEM_SHARED((_NW, _P), jnp.int32),
        pltpu.VMEM((_NW, _P), jnp.float32),
        pltpu.VMEM((_NW, _P), jnp.int32),
        pltpu.VMEM((_PW,), jnp.int32),
        pltpu.VMEM((_PW, _D), jnp.float32),
        pltpu.VMEM((_PW,), jnp.float32),
        pltpu.SemaphoreType.DMA,
    ],
)
def _sc_select(beta_hbm, pid_hbm, x_hbm, xa_out, bb_out,
               bbuf, pbuf, tb, tn, sh_b, sh_n, mb, mn, idxv, rows, bbv, sem):
    wid = lax.axis_index("s")
    base = wid * _CH
    lane16 = jnp.arange(16, dtype=jnp.int32)

    pltpu.sync_copy(beta_hbm.at[pl.ds(base, _CH)], bbuf)
    pltpu.sync_copy(pid_hbm.at[pl.ds(base, _CH)], pbuf)

    for k in range(_P // 16):
        tb[pl.ds(k * 16, 16)] = jnp.full((16,), -1.0, jnp.float32)
        tn[pl.ds(k * 16, 16)] = jnp.full((16,), _BIGN, jnp.int32)

    for j in range(_CH // 16):
        bvec = bbuf[pl.ds(j * 16, 16)]
        pvec = pbuf[pl.ds(j * 16, 16)]
        gidx = base + j * 16 + lane16
        valid = pvec >= 1
        pm1 = jnp.where(valid, pvec - 1, 0)

        def _want(_, bvec=bvec, gidx=gidx, valid=valid, pm1=pm1):
            cur = plsc.load_gather(tb, [pm1])
            curn = plsc.load_gather(tn, [pm1])
            better = jnp.logical_or(
                bvec > cur,
                jnp.logical_and(bvec == cur, gidx < curn))
            return jnp.logical_and(valid, better)

        def _body(want, bvec=bvec, gidx=gidx, pm1=pm1, _want=_want):
            plsc.store_scatter(tb, [pm1], bvec, mask=want)
            plsc.store_scatter(tn, [pm1], gidx, mask=want)
            return _want(None)

        lax.while_loop(lambda w: jnp.any(w), _body, _want(None))

    pltpu.sync_copy(tb, sh_b.at[wid])
    pltpu.sync_copy(tn, sh_n.at[wid])
    plsc.subcore_barrier()

    pltpu.sync_copy(sh_b, mb)
    pltpu.sync_copy(sh_n, mn)

    merged_b = jnp.full((16,), -1.0, jnp.float32)
    merged_n = jnp.full((16,), _BIGN, jnp.int32)
    col = wid * _PW
    for t in range(_NW):
        b_t = mb[t, pl.ds(col, _PW)]
        n_t = mn[t, pl.ds(col, _PW)]
        better = jnp.logical_or(
            b_t > merged_b,
            jnp.logical_and(b_t == merged_b, n_t < merged_n))
        merged_b = jnp.where(better, b_t, merged_b)
        merged_n = jnp.where(better, n_t, merged_n)

    idxv[...] = jnp.where(merged_b >= 0.0, merged_n, 0)
    bbv[...] = merged_b
    pltpu.async_copy(x_hbm.at[idxv], rows, sem).wait()

    pltpu.sync_copy(rows, xa_out.at[pl.ds(wid * _PW, _PW)])
    pltpu.sync_copy(bbv, bb_out.at[pl.ds(wid * _PW, _PW)])


def _dense_kernel(beta_ref, pid_ref, x_ref, xa_ref, bb_ref, out_ref, acc):
    b = pl.program_id(0)

    @pl.when(b == 0)
    def _init():
        acc[...] = jnp.zeros((1, _P), jnp.float32)

    beta_col = beta_ref[...]
    at = 0.5 * jnp.log((1.0 + beta_col) / (1.0 - beta_col))
    q_col = at * at + _Q_MIN

    x_blk = x_ref[...]
    xa = xa_ref[...]
    xa2 = jnp.sum(xa * xa, axis=1, keepdims=True)
    xaug = jnp.concatenate(
        [-2.0 * xa, xa2, jnp.ones((_P, 1), jnp.float32)], axis=1)
    xn2 = jnp.sum(x_blk * x_blk, axis=1, keepdims=True)
    x_ext = jnp.concatenate(
        [x_blk, jnp.ones((_N_BLK, 1), jnp.float32), xn2], axis=1)

    d2 = jnp.maximum(jax.lax.dot_general(
        x_ext, xaug, (((1,), (1,)), ((), ())),
        preferred_element_type=jnp.float32), 0.0)
    hinge10 = jnp.maximum(_REP - _REP * jnp.sqrt(d2), 0.0)

    lane = jax.lax.broadcasted_iota(jnp.int32, (_N_BLK, _P), 1)
    mask = pid_ref[...] == (lane + 1)
    comb = jnp.where(mask, d2, hinge10)
    acc[...] += jax.lax.dot_general(
        q_col, comb, (((0,), (0,)), ((), ())),
        preferred_element_type=jnp.float32)

    @pl.when(b == _NB - 1)
    def _final():
        bb = bb_ref[...]
        present = (bb >= 0.0).astype(jnp.float32)
        bbg = jnp.where(bb >= 0.0, bb, 0.0)
        ata = 0.5 * jnp.log((1.0 + bbg) / (1.0 - bbg))
        qa = ata * ata + _Q_MIN
        s = qa * acc[...] * present
        out_ref[...] = jnp.sum(s, axis=(0, 1), keepdims=True) / _N


@functools.partial(jax.jit)
def _potential_loss(beta, x, particle_id):
    xa, bb = _sc_select(beta, particle_id, x)

    out = pl.pallas_call(
        _dense_kernel,
        grid=(_NB,),
        in_specs=[
            pl.BlockSpec((_N_BLK, 1), lambda b: (b, 0)),
            pl.BlockSpec((_N_BLK, 1), lambda b: (b, 0)),
            pl.BlockSpec((_N_BLK, _D), lambda b: (b, 0)),
            pl.BlockSpec((_P, _D), lambda b: (0, 0)),
            pl.BlockSpec((1, _P), lambda b: (0, 0)),
        ],
        out_specs=pl.BlockSpec((1, 1), lambda b: (0, 0)),
        out_shape=jax.ShapeDtypeStruct((1, 1), jnp.float32),
        scratch_shapes=[
            pltpu.VMEM((1, _P), jnp.float32),
        ],
        compiler_params=pltpu.CompilerParams(
            dimension_semantics=("arbitrary",),
        ),
    )(beta.reshape(_N, 1), particle_id.reshape(_N, 1), x,
      xa, bb.reshape(1, _P))
    return out[0, 0]


def kernel(w, beta, x, y, particle_id):
    return _potential_loss(beta, x, particle_id)

# --- scband reference (transcript-rebuilt; emitter-appended) ---
"""Pipeline reference for scband-potential-loss-68521908240886 (READ-ONLY COPY).

The authoritative reference and input builder live on the scoring server;
editing this copy changes nothing except your own understanding.
"""

import jax, jax.numpy as jnp
import numpy as np

N = 8192
D = 16
N_PIDS = 256

Q_MIN = 0.01
REPULSION_SCALING = 10.0
RADIUS_THRESHOLD = 1.0


def setup_inputs(seed: int = 0) -> dict:
    key = jax.random.key(seed)
    k1, k2, k3, k4, k5 = jax.random.split(key, 5)
    w = jax.random.normal(k1, (N,), dtype=jnp.float32)
    beta = jax.random.uniform(k2, (N,), dtype=jnp.float32, minval=0.0, maxval=1.0)
    x = jax.random.normal(k3, (N, D), dtype=jnp.float32)
    y = jax.random.normal(k4, (N,), dtype=jnp.float32)
    particle_id = jax.random.randint(k5, (N,), 0, N_PIDS, dtype=jnp.int32)
    return {"w": w, "beta": beta, "x": x, "y": y, "particle_id": particle_id}


def reference(w, beta, x, y, particle_id):
    # condensation_loss(beta, x, particle_id); w and y are unused (as in torch forward)
    pids = jnp.arange(1, N_PIDS, dtype=particle_id.dtype)  # sorted candidate positive ids
    pid_masks = particle_id[:, None] == pids[None, :]  # [N, P] bool
    present = jnp.any(pid_masks, axis=0)  # [P] which candidate ids actually occur
    q = jnp.arctanh(beta) ** 2 + Q_MIN  # [N]
    alphas = jnp.argmax(q[:, None] * pid_masks, axis=0)  # [P]
    x_alphas = x[alphas].T  # [D, P]
    q_alphas = q[alphas][None, None, :]  # [1, 1, P]
    diff = x[:, :, None] - x_alphas[None, :, :]  # [N, D, P]
    norm_sq = jnp.sum(diff ** 2, axis=1)  # [N, P]
    va = jnp.squeeze(norm_sq * q_alphas, axis=0)  # [N, P]
    vr = jnp.squeeze(jax.nn.relu(RADIUS_THRESHOLD - jnp.sqrt(norm_sq)) * q_alphas, axis=0)  # [N, P]
    loss = q[:, None] * (pid_masks * va + REPULSION_SCALING * (~pid_masks) * vr)
    per_pid = jnp.mean(loss, axis=0)  # [P]
    return jnp.sum(jnp.where(present, per_pid, jnp.zeros_like(per_pid)))

if __name__ == "__main__":
    import jax
    _d = setup_inputs()
    print(jax.jit(kernel)(*tuple(_d.values())))

</pallas_src>

<mosaic_0001>
#map = affine_map<(d0, d1) -> (0)>
#map1 = affine_map<(d0, d1) -> (0, 0)>
module attributes {stable_mosaic.version = 14 : i64} {
  func.func @_sc_select(%arg0: i32, %arg1: i32, %arg2: memref<8192xf32, #tpu.memory_space<hbm>>, %arg3: memref<8192xi32, #tpu.memory_space<hbm>>, %arg4: memref<8192x16xf32, #tpu.memory_space<hbm>>, %arg5: memref<256x16xf32, #tpu.memory_space<hbm>>, %arg6: memref<256xf32, #tpu.memory_space<hbm>>, %arg7: memref<512xf32, #tpu.memory_space<vmem>>, %arg8: memref<512xi32, #tpu.memory_space<vmem>>, %arg9: memref<256xf32, #tpu.memory_space<vmem>>, %arg10: memref<256xi32, #tpu.memory_space<vmem>>, %arg11: memref<16x256xf32, #tpu.memory_space<vmem_shared>>, %arg12: memref<16x256xi32, #tpu.memory_space<vmem_shared>>, %arg13: memref<16x256xf32, #tpu.memory_space<vmem>>, %arg14: memref<16x256xi32, #tpu.memory_space<vmem>>, %arg15: memref<16xi32, #tpu.memory_space<vmem>>, %arg16: memref<16x16xf32, #tpu.memory_space<vmem>>, %arg17: memref<16xf32, #tpu.memory_space<vmem>>, %arg18: memref<!tpu.dma_semaphore, #tpu.memory_space<semaphore_mem>>) attributes {dimension_semantics = [#tpu.dimension_semantics<core_parallel>, #tpu.dimension_semantics<subcore_parallel>], iteration_bounds = array<i64: 1, 16>, scalar_prefetch = 0 : i64, scratch_operands = 12 : i64, tpu.core_type = #tpu.core_type<sc_vector_subcore>, window_params = [{transform_indices = #map}, {transform_indices = #map}, {transform_indices = #map1}, {transform_indices = #map1}, {transform_indices = #map}]} {
    %mul3A = arith.constant 512 : i32
    %mul3A_0 = arith.muli %arg1, %mul3A : i32
    %iota3A = tpu.iota {dimensions = array<i32: 0>} : vector<16xi32>
    "tpu.region"() ({
      %run_scoped3A = tpu.sem_alloc : memref<!tpu.dma_semaphore, #tpu.memory_space<semaphore_mem>>
      %dma_start3A_1210 = tpu.memref_slice %arg2[%mul3A_0] : memref<8192xf32, #tpu.memory_space<hbm>> -> memref<512xf32, #tpu.memory_space<hbm>>
      %dma_start3A_1211 = tpu.memref_slice %arg2[%mul3A_0] : memref<8192xf32, #tpu.memory_space<hbm>> -> memref<512xf32, #tpu.memory_space<hbm>>
      tpu.enqueue_dma source(%dma_start3A_1211 : memref<512xf32, #tpu.memory_space<hbm>>) target(%arg7 : memref<512xf32, #tpu.memory_space<vmem>>) target_semaphore(%run_scoped3A : memref<!tpu.dma_semaphore, #tpu.memory_space<semaphore_mem>>)
      %dma_wait3A_1212 = tpu.memref_slice %arg2[%mul3A_0] : memref<8192xf32, #tpu.memory_space<hbm>> -> memref<512xf32, #tpu.memory_space<hbm>>
      %dma_wait3A_1213 = tpu.memref_slice %arg2[%mul3A_0] : memref<8192xf32, #tpu.memory_space<hbm>> -> memref<512xf32, #tpu.memory_space<hbm>>
      tpu.wait_dma2 semaphore(%run_scoped3A : memref<!tpu.dma_semaphore, #tpu.memory_space<semaphore_mem>>) src(%dma_wait3A_1213 : memref<512xf32, #tpu.memory_space<hbm>>) dst(%arg7 : memref<512xf32, #tpu.memory_space<vmem>>)
      tpu.yield
    }) : () -> ()
    "tpu.region"() ({
      %run_scoped3A = tpu.sem_alloc : memref<!tpu.dma_semaphore, #tpu.memory_space<semaphore_mem>>
      %dma_start3A_1210 = tpu.memref_slice %arg3[%mul3A_0] : memref<8192xi32, #tpu.memory_space<hbm>> -> memref<512xi32, #tpu.memory_space<hbm>>
      %dma_start3A_1211 = tpu.memref_slice %arg3[%mul3A_0] : memref<8192xi32, #tpu.memory_space<hbm>> -> memref<512xi32, #tpu.memory_space<hbm>>
      tpu.enqueue_dma source(%dma_start3A_1211 : memref<512xi32, #tpu.memory_space<hbm>>) target(%arg8 : memref<512xi32, #tpu.memory_space<vmem>>) target_semaphore(%run_scoped3A : memref<!tpu.dma_semaphore, #tpu.memory_space<semaphore_mem>>)
      %dma_wait3A_1212 = tpu.memref_slice %arg3[%mul3A_0] : memref<8192xi32, #tpu.memory_space<hbm>> -> memref<512xi32, #tpu.memory_space<hbm>>
      %dma_wait3A_1213 = tpu.memref_slice %arg3[%mul3A_0] : memref<8192xi32, #tpu.memory_space<hbm>> -> memref<512xi32, #tpu.memory_space<hbm>>
      tpu.wait_dma2 semaphore(%run_scoped3A : memref<!tpu.dma_semaphore, #tpu.memory_space<semaphore_mem>>) src(%dma_wait3A_1213 : memref<512xi32, #tpu.memory_space<hbm>>) dst(%arg8 : memref<512xi32, #tpu.memory_space<vmem>>)
      tpu.yield
    }) : () -> ()
    %broadcast_in_dim3A = arith.constant -1.000000e+00 : f32
    %broadcast_in_dim3A_1 = vector.broadcast %broadcast_in_dim3A : f32 to vector<16xf32>
    %swap3A = arith.constant 0 : index
    %swap3A_2 = tpu.vector_load %arg9[%swap3A] {strides = array<i32>} : memref<256xf32, #tpu.memory_space<vmem>>, vector<16xf32>,
    tpu.vector_store %arg9[%swap3A], %broadcast_in_dim3A_1 {strides = array<i32>} : memref<256xf32, #tpu.memory_space<vmem>>, vector<16xf32>,
    %broadcast_in_dim3A_3 = arith.constant 1073741824 : i32
    %broadcast_in_dim3A_4 = vector.broadcast %broadcast_in_dim3A_3 : i32 to vector<16xi32>
    %swap3A_5 = arith.constant 0 : index
    %swap3A_6 = tpu.vector_load %arg10[%swap3A_5] {strides = array<i32>} : memref<256xi32, #tpu.memory_space<vmem>>, vector<16xi32>,
    tpu.vector_store %arg10[%swap3A_5], %broadcast_in_dim3A_4 {strides = array<i32>} : memref<256xi32, #tpu.memory_space<vmem>>, vector<16xi32>,
    %broadcast_in_dim3A_7 = arith.constant -1.000000e+00 : f32
    %broadcast_in_dim3A_8 = vector.broadcast %broadcast_in_dim3A_7 : f32 to vector<16xf32>
    %swap3A_9 = arith.constant 16 : index
    %swap3A_10 = tpu.vector_load %arg9[%swap3A_9] {strides = array<i32>} : memref<256xf32, #tpu.memory_space<vmem>>, vector<16xf32>,
    tpu.vector_store %arg9[%swap3A_9], %broadcast_in_dim3A_8 {strides = array<i32>} : memref<256xf32, #tpu.memory_space<vmem>>, vector<16xf32>,
    %broadcast_in_dim3A_11 = arith.constant 1073741824 : i32
    %broadcast_in_dim3A_12 = vector.broadcast %broadcast_in_dim3A_11 : i32 to vector<16xi32>
    %swap3A_13 = arith.constant 16 : index
    %swap3A_14 = tpu.vector_load %arg10[%swap3A_13] {strides = array<i32>} : memref<256xi32, #tpu.memory_space<vmem>>, vector<16xi32>,
    tpu.vector_store %arg10[%swap3A_13], %broadcast_in_dim3A_12 {strides = array<i32>} : memref<256xi32, #tpu.memory_space<vmem>>, vector<16xi32>,
    %broadcast_in_dim3A_15 = arith.constant -1.000000e+00 : f32
    %broadcast_in_dim3A_16 = vector.broadcast %broadcast_in_dim3A_15 : f32 to vector<16xf32>
    %swap3A_17 = arith.constant 32 : index
    %swap3A_18 = tpu.vector_load %arg9[%swap3A_17] {strides = array<i32>} : memref<256xf32, #tpu.memory_space<vmem>>, vector<16xf32>,
    tpu.vector_store %arg9[%swap3A_17], %broadcast_in_dim3A_16 {strides = array<i32>} : memref<256xf32, #tpu.memory_space<vmem>>, vector<16xf32>,
    %broadcast_in_dim3A_19 = arith.constant 1073741824 : i32
    %broadcast_in_dim3A_20 = vector.broadcast %broadcast_in_dim3A_19 : i32 to vector<16xi32>
    %swap3A_21 = arith.constant 32 : index
    %swap3A_22 = tpu.vector_load %arg10[%swap3A_21] {strides = array<i32>} : memref<256xi32, #tpu.memory_space<vmem>>, vector<16xi32>,
    tpu.vector_store %arg10[%swap3A_21], %broadcast_in_dim3A_20 {strides = array<i32>} : memref<256xi32, #tpu.memory_space<vmem>>, vector<16xi32>,
    %broadcast_in_dim3A_23 = arith.constant -1.000000e+00 : f32
    %broadcast_in_dim3A_24 = vector.broadcast %broadcast_in_dim3A_23 : f32 to vector<16xf32>
    %swap3A_25 = arith.constant 48 : index
    %swap3A_26 = tpu.vector_load %arg9[%swap3A_25] {strides = array<i32>} : memref<256xf32, #tpu.memory_space<vmem>>, vector<16xf32>,
    tpu.vector_store %arg9[%swap3A_25], %broadcast_in_dim3A_24 {strides = array<i32>} : memref<256xf32, #tpu.memory_space<vmem>>, vector<16xf32>,
    %broadcast_in_dim3A_27 = arith.constant 1073741824 : i32
    %broadcast_in_dim3A_28 = vector.broadcast %broadcast_in_dim3A_27 : i32 to vector<16xi32>
    %swap3A_29 = arith.constant 48 : index
    %swap3A_30 = tpu.vector_load %arg10[%swap3A_29] {strides = array<i32>} : memref<256xi32, #tpu.memory_space<vmem>>, vector<16xi32>,
    tpu.vector_store %arg10[%swap3A_29], %broadcast_in_dim3A_28 {strides = array<i32>} : memref<256xi32, #tpu.memory_space<vmem>>, vector<16xi32>,
    %broadcast_in_dim3A_31 = arith.constant -1.000000e+00 : f32
    %broadcast_in_dim3A_32 = vector.broadcast %broadcast_in_dim3A_31 : f32 to vector<16xf32>
    %swap3A_33 = arith.constant 64 : index
    %swap3A_34 = tpu.vector_load %arg9[%swap3A_33] {strides = array<i32>} : memref<256xf32, #tpu.memory_space<vmem>>, vector<16xf32>,
    tpu.vector_store %arg9[%swap3A_33], %broadcast_in_dim3A_32 {strides = array<i32>} : memref<256xf32, #tpu.memory_space<vmem>>, vector<16xf32>,
    %broadcast_in_dim3A_35 = arith.constant 1073741824 : i32
    %broadcast_in_dim3A_36 = vector.broadcast %broadcast_in_dim3A_35 : i32 to vector<16xi32>
    %swap3A_37 = arith.constant 64 : index
    %swap3A_38 = tpu.vector_load %arg10[%swap3A_37] {strides = array<i32>} : memref<256xi32, #tpu.memory_space<vmem>>, vector<16xi32>,
    tpu.vector_store %arg10[%swap3A_37], %broadcast_in_dim3A_36 {strides = array<i32>} : memref<256xi32, #tpu.memory_space<vmem>>, vector<16xi32>,
    %broadcast_in_dim3A_39 = arith.constant -1.000000e+00 : f32
    %broadcast_in_dim3A_40 = vector.broadcast %broadcast_in_dim3A_39 : f32 to vector<16xf32>
    %swap3A_41 = arith.constant 80 : index
    %swap3A_42 = tpu.vector_load %arg9[%swap3A_41] {strides = array<i32>} : memref<256xf32, #tpu.memory_space<vmem>>, vector<16xf32>,
    tpu.vector_store %arg9[%swap3A_41], %broadcast_in_dim3A_40 {strides = array<i32>} : memref<256xf32, #tpu.memory_space<vmem>>, vector<16xf32>,
    %broadcast_in_dim3A_43 = arith.constant 1073741824 : i32
    %broadcast_in_dim3A_44 = vector.broadcast %broadcast_in_dim3A_43 : i32 to vector<16xi32>
    %swap3A_45 = arith.constant 80 : index
    %swap3A_46 = tpu.vector_load %arg10[%swap3A_45] {strides = array<i32>} : memref<256xi32, #tpu.memory_space<vmem>>, vector<16xi32>,
    tpu.vector_store %arg10[%swap3A_45], %broadcast_in_dim3A_44 {strides = array<i32>} : memref<256xi32, #tpu.memory_space<vmem>>, vector<16xi32>,
    %broadcast_in_dim3A_47 = arith.constant -1.000000e+00 : f32
    %broadcast_in_dim3A_48 = vector.broadcast %broadcast_in_dim3A_47 : f32 to vector<16xf32>
    %swap3A_49 = arith.constant 96 : index
    %swap3A_50 = tpu.vector_load %arg9[%swap3A_49] {strides = array<i32>} : memref<256xf32, #tpu.memory_space<vmem>>, vector<16xf32>,
    tpu.vector_store %arg9[%swap3A_49], %broadcast_in_dim3A_48 {strides = array<i32>} : memref<256xf32, #tpu.memory_space<vmem>>, vector<16xf32>,
    %broadcast_in_dim3A_51 = arith.constant 1073741824 : i32
    %broadcast_in_dim3A_52 = vector.broadcast %broadcast_in_dim3A_51 : i32 to vector<16xi32>
    %swap3A_53 = arith.constant 96 : index
    %swap3A_54 = tpu.vector_load %arg10[%swap3A_53] {strides = array<i32>} : memref<256xi32, #tpu.memory_space<vmem>>, vector<16xi32>,
    tpu.vector_store %arg10[%swap3A_53], %broadcast_in_dim3A_52 {strides = array<i32>} : memref<256xi32, #tpu.memory_space<vmem>>, vector<16xi32>,
    %broadcast_in_dim3A_55 = arith.constant -1.000000e+00 : f32
    %broadcast_in_dim3A_56 = vector.broadcast %broadcast_in_dim3A_55 : f32 to vector<16xf32>
    %swap3A_57 = arith.constant 112 : index
    %swap3A_58 = tpu.vector_load %arg9[%swap3A_57] {strides = array<i32>} : memref<256xf32, #tpu.memory_space<vmem>>, vector<16xf32>,
    tpu.vector_store %arg9[%swap3A_57], %broadcast_in_dim3A_56 {strides = array<i32>} : memref<256xf32, #tpu.memory_space<vmem>>, vector<16xf32>,
    %broadcast_in_dim3A_59 = arith.constant 1073741824 : i32
    %broadcast_in_dim3A_60 = vector.broadcast %broadcast_in_dim3A_59 : i32 to vector<16xi32>
    %swap3A_61 = arith.constant 112 : index
    %swap3A_62 = tpu.vector_load %arg10[%swap3A_61] {strides = array<i32>} : memref<256xi32, #tpu.memory_space<vmem>>, vector<16xi32>,
    tpu.vector_store %arg10[%swap3A_61], %broadcast_in_dim3A_60 {strides = array<i32>} : memref<256xi32, #tpu.memory_space<vmem>>, vector<16xi32>,
    %broadcast_in_dim3A_63 = arith.constant -1.000000e+00 : f32
    %broadcast_in_dim3A_64 = vector.broadcast %broadcast_in_dim3A_63 : f32 to vector<16xf32>
    %swap3A_65 = arith.constant 128 : index
    %swap3A_66 = tpu.vector_load %arg9[%swap3A_65] {strides = array<i32>} : memref<256xf32, #tpu.memory_space<vmem>>, vector<16xf32>,
    tpu.vector_store %arg9[%swap3A_65], %broadcast_in_dim3A_64 {strides = array<i32>} : memref<256xf32, #tpu.memory_space<vmem>>, vector<16xf32>,
    %broadcast_in_dim3A_67 = arith.constant 1073741824 : i32
    %broadcast_in_dim3A_68 = vector.broadcast %broadcast_in_dim3A_67 : i32 to vector<16xi32>
    %swap3A_69 = arith.constant 128 : index
    %swap3A_70 = tpu.vector_load %arg10[%swap3A_69] {strides = array<i32>} : memref<256xi32, #tpu.memory_space<vmem>>, vector<16xi32>,
    tpu.vector_store %arg10[%swap3A_69], %broadcast_in_dim3A_68 {strides = array<i32>} : memref<256xi32, #tpu.memory_space<vmem>>, vector<16xi32>,
    %broadcast_in_dim3A_71 = arith.constant -1.000000e+00 : f32
    %broadcast_in_dim3A_72 = vector.broadcast %broadcast_in_dim3A_71 : f32 to vector<16xf32>
    %swap3A_73 = arith.constant 144 : index
    %swap3A_74 = tpu.vector_load %arg9[%swap3A_73] {strides = array<i32>} : memref<256xf32, #tpu.memory_space<vmem>>, vector<16xf32>,
    tpu.vector_store %arg9[%swap3A_73], %broadcast_in_dim3A_72 {strides = array<i32>} : memref<256xf32, #tpu.memory_space<vmem>>, vector<16xf32>,
    %broadcast_in_dim3A_75 = arith.constant 1073741824 : i32
    %broadcast_in_dim3A_76 = vector.broadcast %broadcast_in_dim3A_75 : i32 to vector<16xi32>
    %swap3A_77 = arith.constant 144 : index
    %swap3A_78 = tpu.vector_load %arg10[%swap3A_77] {strides = array<i32>} : memref<256xi32, #tpu.memory_space<vmem>>, vector<16xi32>,
    tpu.vector_store %arg10[%swap3A_77], %broadcast_in_dim3A_76 {strides = array<i32>} : memref<256xi32, #tpu.memory_space<vmem>>, vector<16xi32>,
    %broadcast_in_dim3A_79 = arith.constant -1.000000e+00 : f32
    %broadcast_in_dim3A_80 = vector.broadcast %broadcast_in_dim3A_79 : f32 to vector<16xf32>
    %swap3A_81 = arith.constant 160 : index
    %swap3A_82 = tpu.vector_load %arg9[%swap3A_81] {strides = array<i32>} : memref<256xf32, #tpu.memory_space<vmem>>, vector<16xf32>,
    tpu.vector_store %arg9[%swap3A_81], %broadcast_in_dim3A_80 {strides = array<i32>} : memref<256xf32, #tpu.memory_space<vmem>>, vector<16xf32>,
    %broadcast_in_dim3A_83 = arith.constant 1073741824 : i32
    %broadcast_in_dim3A_84 = vector.broadcast %broadcast_in_dim3A_83 : i32 to vector<16xi32>
    %swap3A_85 = arith.constant 160 : index
    %swap3A_86 = tpu.vector_load %arg10[%swap3A_85] {strides = array<i32>} : memref<256xi32, #tpu.memory_space<vmem>>, vector<16xi32>,
    tpu.vector_store %arg10[%swap3A_85], %broadcast_in_dim3A_84 {strides = array<i32>} : memref<256xi32, #tpu.memory_space<vmem>>, vector<16xi32>,
    %broadcast_in_dim3A_87 = arith.constant -1.000000e+00 : f32
    %broadcast_in_dim3A_88 = vector.broadcast %broadcast_in_dim3A_87 : f32 to vector<16xf32>
    %swap3A_89 = arith.constant 176 : index
    %swap3A_90 = tpu.vector_load %arg9[%swap3A_89] {strides = array<i32>} : memref<256xf32, #tpu.memory_space<vmem>>, vector<16xf32>,
    tpu.vector_store %arg9[%swap3A_89], %broadcast_in_dim3A_88 {strides = array<i32>} : memref<256xf32, #tpu.memory_space<vmem>>, vector<16xf32>,
    %broadcast_in_dim3A_91 = arith.constant 1073741824 : i32
    %broadcast_in_dim3A_92 = vector.broadcast %broadcast_in_dim3A_91 : i32 to vector<16xi32>
    %swap3A_93 = arith.constant 176 : index
    %swap3A_94 = tpu.vector_load %arg10[%swap3A_93] {strides = array<i32>} : memref<256xi32, #tpu.memory_space<vmem>>, vector<16xi32>,
    tpu.vector_store %arg10[%swap3A_93], %broadcast_in_dim3A_92 {strides = array<i32>} : memref<256xi32, #tpu.memory_space<vmem>>, vector<16xi32>,
    %broadcast_in_dim3A_95 = arith.constant -1.000000e+00 : f32
    %broadcast_in_dim3A_96 = vector.broadcast %broadcast_in_dim3A_95 : f32 to vector<16xf32>
    %swap3A_97 = arith.constant 192 : index
    %swap3A_98 = tpu.vector_load %arg9[%swap3A_97] {strides = array<i32>} : memref<256xf32, #tpu.memory_space<vmem>>, vector<16xf32>,
    tpu.vector_store %arg9[%swap3A_97], %broadcast_in_dim3A_96 {strides = array<i32>} : memref<256xf32, #tpu.memory_space<vmem>>, vector<16xf32>,
    %broadcast_in_dim3A_99 = arith.constant 1073741824 : i32
    %broadcast_in_dim3A_100 = vector.broadcast %broadcast_in_dim3A_99 : i32 to vector<16xi32>
    %swap3A_101 = arith.constant 192 : index
    %swap3A_102 = tpu.vector_load %arg10[%swap3A_101] {strides = array<i32>} : memref<256xi32, #tpu.memory_space<vmem>>, vector<16xi32>,
    tpu.vector_store %arg10[%swap3A_101], %broadcast_in_dim3A_100 {strides = array<i32>} : memref<256xi32, #tpu.memory_space<vmem>>, vector<16xi32>,
    %broadcast_in_dim3A_103 = arith.constant -1.000000e+00 : f32
    %broadcast_in_dim3A_104 = vector.broadcast %broadcast_in_dim3A_103 : f32 to vector<16xf32>
    %swap3A_105 = arith.constant 208 : index
    %swap3A_106 = tpu.vector_load %arg9[%swap3A_105] {strides = array<i32>} : memref<256xf32, #tpu.memory_space<vmem>>, vector<16xf32>,
    tpu.vector_store %arg9[%swap3A_105], %broadcast_in_dim3A_104 {strides = array<i32>} : memref<256xf32, #tpu.memory_space<vmem>>, vector<16xf32>,
    %broadcast_in_dim3A_107 = arith.constant 1073741824 : i32
    %broadcast_in_dim3A_108 = vector.broadcast %broadcast_in_dim3A_107 : i32 to vector<16xi32>
    %swap3A_109 = arith.constant 208 : index
    %swap3A_110 = tpu.vector_load %arg10[%swap3A_109] {strides = array<i32>} : memref<256xi32, #tpu.memory_space<vmem>>, vector<16xi32>,
    tpu.vector_store %arg10[%swap3A_109], %broadcast_in_dim3A_108 {strides = array<i32>} : memref<256xi32, #tpu.memory_space<vmem>>, vector<16xi32>,
    %broadcast_in_dim3A_111 = arith.constant -1.000000e+00 : f32
    %broadcast_in_dim3A_112 = vector.broadcast %broadcast_in_dim3A_111 : f32 to vector<16xf32>
    %swap3A_113 = arith.constant 224 : index
    %swap3A_114 = tpu.vector_load %arg9[%swap3A_113] {strides = array<i32>} : memref<256xf32, #tpu.memory_space<vmem>>, vector<16xf32>,
    tpu.vector_store %arg9[%swap3A_113], %broadcast_in_dim3A_112 {strides = array<i32>} : memref<256xf32, #tpu.memory_space<vmem>>, vector<16xf32>,
    %broadcast_in_dim3A_115 = arith.constant 1073741824 : i32
    %broadcast_in_dim3A_116 = vector.broadcast %broadcast_in_dim3A_115 : i32 to vector<16xi32>
    %swap3A_117 = arith.constant 224 : index
    %swap3A_118 = tpu.vector_load %arg10[%swap3A_117] {strides = array<i32>} : memref<256xi32, #tpu.memory_space<vmem>>, vector<16xi32>,
    tpu.vector_store %arg10[%swap3A_117], %broadcast_in_dim3A_116 {strides = array<i32>} : memref<256xi32, #tpu.memory_space<vmem>>, vector<16xi32>,
    %broadcast_in_dim3A_119 = arith.constant -1.000000e+00 : f32
    %broadcast_in_dim3A_120 = vector.broadcast %broadcast_in_dim3A_119 : f32 to vector<16xf32>
    %swap3A_121 = arith.constant 240 : index
    %swap3A_122 = tpu.vector_load %arg9[%swap3A_121] {strides = array<i32>} : memref<256xf32, #tpu.memory_space<vmem>>, vector<16xf32>,
    tpu.vector_store %arg9[%swap3A_121], %broadcast_in_dim3A_120 {strides = array<i32>} : memref<256xf32, #tpu.memory_space<vmem>>, vector<16xf32>,
    %broadcast_in_dim3A_123 = arith.constant 1073741824 : i32
    %broadcast_in_dim3A_124 = vector.broadcast %broadcast_in_dim3A_123 : i32 to vector<16xi32>
    %swap3A_125 = arith.constant 240 : index
    %swap3A_126 = tpu.vector_load %arg10[%swap3A_125] {strides = array<i32>} : memref<256xi32, #tpu.memory_space<vmem>>, vector<16xi32>,
    tpu.vector_store %arg10[%swap3A_125], %broadcast_in_dim3A_124 {strides = array<i32>} : memref<256xi32, #tpu.memory_space<vmem>>, vector<16xi32>,
    %get3A = arith.constant 0 : index
    %get3A_127 = tpu.vector_load %arg7[%get3A] {strides = array<i32>} : memref<512xf32, #tpu.memory_space<vmem>>, vector<16xf32>,
    %get3A_128 = arith.constant 0 : index
    %get3A_129 = tpu.vector_load %arg8[%get3A_128] {strides = array<i32>} : memref<512xi32, #tpu.memory_space<vmem>>, vector<16xi32>,
    %add3A = arith.constant 0 : i32
    %add3A_130 = arith.addi %mul3A_0, %add3A : i32
    %add3A_131 = vector.broadcast %add3A_130 : i32 to vector<16xi32>
    %add3A_132 = arith.addi %add3A_131, %iota3A : vector<16xi32>
    %ge3A = arith.constant 1 : i32
    %ge3A_133 = vector.broadcast %ge3A : i32 to vector<16xi32>
    %ge3A_134 = arith.cmpi sge, %get3A_129, %ge3A_133 : vector<16xi32>
    %sub3A = arith.constant 1 : i32
    %sub3A_135 = vector.broadcast %sub3A : i32 to vector<16xi32>
    %sub3A_136 = arith.subi %get3A_129, %sub3A_135 : vector<16xi32>
    %jit3A = arith.constant 0 : i32
    %broadcast_in_dim3A_137 = vector.broadcast %jit3A : i32 to vector<16xi32>
    %select_n3A = arith.select %ge3A_134, %sub3A_136, %broadcast_in_dim3A_137 : vector<16xi1>, vector<16xi32>
    %gather3A = tpu.vector_load_idx %arg9[%select_n3A] : memref<256xf32, #tpu.memory_space<vmem>>[vector<16xi32>], vector<16xf32>,
    %gather3A_138 = tpu.vector_load_idx %arg10[%select_n3A] : memref<256xi32, #tpu.memory_space<vmem>>[vector<16xi32>], vector<16xi32>,
    %gt3A = arith.cmpf ogt, %get3A_127, %gather3A : vector<16xf32>
    %eq3A = arith.cmpf oeq, %get3A_127, %gather3A : vector<16xf32>
    %lt3A = arith.cmpi slt, %add3A_132, %gather3A_138 : vector<16xi32>
    %and3A = arith.andi %eq3A, %lt3A : vector<16xi1>
    %or3A = arith.ori %gt3A, %and3A : vector<16xi1>
    %and3A_139 = arith.andi %ge3A_134, %or3A : vector<16xi1>
    %while3A = scf.while (%while3A_1210 = %and3A_139) : (vector<16xi1>) -> vector<16xi1> {
      %reduce_or3A = arith.constant 1.000000e+00 : f32
      %reduce_or3A_1211 = arith.constant 0.000000e+00 : f32
      %reduce_or3A_1212 = vector.broadcast %reduce_or3A : f32 to vector<16xf32>
      %reduce_or3A_1213 = vector.broadcast %reduce_or3A_1211 : f32 to vector<16xf32>
      %reduce_or3A_1214 = arith.select %while3A_1210, %reduce_or3A_1212, %reduce_or3A_1213 : vector<16xi1>, vector<16xf32>
      %reduce_or3A_1215 = arith.constant true
      %reduce_or3A_1216 = vector.broadcast %reduce_or3A_1215 : i1 to vector<16xi1>
      %reduce_or3A_1217 = tpu.scan <max>, %reduce_or3A_1214 masked %reduce_or3A_1216 : vector<16xf32>, vector<16xi1> -> vector<16xf32>
      %reduce_or3A_1218 = vector.extract %reduce_or3A_1217[15] : f32 from vector<16xf32>
      %reduce_or3A_1219 = arith.constant 0.000000e+00 : f32
      %reduce_or3A_1220 = arith.cmpf ogt, %reduce_or3A_1218, %reduce_or3A_1219 : f32
      scf.condition(%reduce_or3A_1220) %while3A_1210 : vector<16xi1>
    } do {
    ^bb0(%while3A_1210: vector<16xi1>):
      tpu.vector_store_idx %arg9[%select_n3A], %get3A_127 masked %while3A_1210 : memref<256xf32, #tpu.memory_space<vmem>>[vector<16xi32>], vector<16xf32>, vector<16xi1>
      tpu.vector_store_idx %arg10[%select_n3A], %add3A_132 masked %while3A_1210 : memref<256xi32, #tpu.memory_space<vmem>>[vector<16xi32>], vector<16xi32>, vector<16xi1>
      %gather3A_1211 = tpu.vector_load_idx %arg9[%select_n3A] : memref<256xf32, #tpu.memory_space<vmem>>[vector<16xi32>], vector<16xf32>,
      %gather3A_1212 = tpu.vector_load_idx %arg10[%select_n3A] : memref<256xi32, #tpu.memory_space<vmem>>[vector<16xi32>], vector<16xi32>,
      %gt3A_1213 = arith.cmpf ogt, %get3A_127, %gather3A_1211 : vector<16xf32>
      %eq3A_1214 = arith.cmpf oeq, %get3A_127, %gather3A_1211 : vector<16xf32>
      %lt3A_1215 = arith.cmpi slt, %add3A_132, %gather3A_1212 : vector<16xi32>
      %and3A_1216 = arith.andi %eq3A_1214, %lt3A_1215 : vector<16xi1>
      %or3A_1217 = arith.ori %gt3A_1213, %and3A_1216 : vector<16xi1>
      %and3A_1218 = arith.andi %ge3A_134, %or3A_1217 : vector<16xi1>
      scf.yield %and3A_1218 : vector<16xi1>
    }
    %get3A_140 = arith.constant 16 : index
    %get3A_141 = tpu.vector_load %arg7[%get3A_140] {strides = array<i32>} : memref<512xf32, #tpu.memory_space<vmem>>, vector<16xf32>,
    %get3A_142 = arith.constant 16 : index
    %get3A_143 = tpu.vector_load %arg8[%get3A_142] {strides = array<i32>} : memref<512xi32, #tpu.memory_space<vmem>>, vector<16xi32>,
    %add3A_144 = arith.constant 16 : i32
    %add3A_145 = arith.addi %mul3A_0, %add3A_144 : i32
    %add3A_146 = vector.broadcast %add3A_145 : i32 to vector<16xi32>
    %add3A_147 = arith.addi %add3A_146, %iota3A : vector<16xi32>
    %ge3A_148 = arith.constant 1 : i32
    %ge3A_149 = vector.broadcast %ge3A_148 : i32 to vector<16xi32>
    %ge3A_150 = arith.cmpi sge, %get3A_143, %ge3A_149 : vector<16xi32>
    %sub3A_151 = arith.constant 1 : i32
    %sub3A_152 = vector.broadcast %sub3A_151 : i32 to vector<16xi32>
    %sub3A_153 = arith.subi %get3A_143, %sub3A_152 : vector<16xi32>
    %jit3A_154 = arith.constant 0 : i32
    %broadcast_in_dim3A_155 = vector.broadcast %jit3A_154 : i32 to vector<16xi32>
    %select_n3A_156 = arith.select %ge3A_150, %sub3A_153, %broadcast_in_dim3A_155 : vector<16xi1>, vector<16xi32>
    %gather3A_157 = tpu.vector_load_idx %arg9[%select_n3A_156] : memref<256xf32, #tpu.memory_space<vmem>>[vector<16xi32>], vector<16xf32>,
    %gather3A_158 = tpu.vector_load_idx %arg10[%select_n3A_156] : memref<256xi32, #tpu.memory_space<vmem>>[vector<16xi32>], vector<16xi32>,
    %gt3A_159 = arith.cmpf ogt, %get3A_141, %gather3A_157 : vector<16xf32>
    %eq3A_160 = arith.cmpf oeq, %get3A_141, %gather3A_157 : vector<16xf32>
    %lt3A_161 = arith.cmpi slt, %add3A_147, %gather3A_158 : vector<16xi32>
    %and3A_162 = arith.andi %eq3A_160, %lt3A_161 : vector<16xi1>
    %or3A_163 = arith.ori %gt3A_159, %and3A_162 : vector<16xi1>
    %and3A_164 = arith.andi %ge3A_150, %or3A_163 : vector<16xi1>
    %while3A_165 = scf.while (%while3A_1210 = %and3A_164) : (vector<16xi1>) -> vector<16xi1> {
      %reduce_or3A = arith.constant 1.000000e+00 : f32
      %reduce_or3A_1211 = arith.constant 0.000000e+00 : f32
      %reduce_or3A_1212 = vector.broadcast %reduce_or3A : f32 to vector<16xf32>
      %reduce_or3A_1213 = vector.broadcast %reduce_or3A_1211 : f32 to vector<16xf32>
      %reduce_or3A_1214 = arith.select %while3A_1210, %reduce_or3A_1212, %reduce_or3A_1213 : vector<16xi1>, vector<16xf32>
      %reduce_or3A_1215 = arith.constant true
      %reduce_or3A_1216 = vector.broadcast %reduce_or3A_1215 : i1 to vector<16xi1>
      %reduce_or3A_1217 = tpu.scan <max>, %reduce_or3A_1214 masked %reduce_or3A_1216 : vector<16xf32>, vector<16xi1> -> vector<16xf32>
      %reduce_or3A_1218 = vector.extract %reduce_or3A_1217[15] : f32 from vector<16xf32>
      %reduce_or3A_1219 = arith.constant 0.000000e+00 : f32
      %reduce_or3A_1220 = arith.cmpf ogt, %reduce_or3A_1218, %reduce_or3A_1219 : f32
      scf.condition(%reduce_or3A_1220) %while3A_1210 : vector<16xi1>
    } do {
    ^bb0(%while3A_1210: vector<16xi1>):
      tpu.vector_store_idx %arg9[%select_n3A_156], %get3A_141 masked %while3A_1210 : memref<256xf32, #tpu.memory_space<vmem>>[vector<16xi32>], vector<16xf32>, vector<16xi1>
      tpu.vector_store_idx %arg10[%select_n3A_156], %add3A_147 masked %while3A_1210 : memref<256xi32, #tpu.memory_space<vmem>>[vector<16xi32>], vector<16xi32>, vector<16xi1>
      %gather3A_1211 = tpu.vector_load_idx %arg9[%select_n3A_156] : memref<256xf32, #tpu.memory_space<vmem>>[vector<16xi32>], vector<16xf32>,
      %gather3A_1212 = tpu.vector_load_idx %arg10[%select_n3A_156] : memref<256xi32, #tpu.memory_space<vmem>>[vector<16xi32>], vector<16xi32>,
      %gt3A_1213 = arith.cmpf ogt, %get3A_141, %gather3A_1211 : vector<16xf32>
      %eq3A_1214 = arith.cmpf oeq, %get3A_141, %gather3A_1211 : vector<16xf32>
      %lt3A_1215 = arith.cmpi slt, %add3A_147, %gather3A_1212 : vector<16xi32>
      %and3A_1216 = arith.andi %eq3A_1214, %lt3A_1215 : vector<16xi1>
      %or3A_1217 = arith.ori %gt3A_1213, %and3A_1216 : vector<16xi1>
      %and3A_1218 = arith.andi %ge3A_150, %or3A_1217 : vector<16xi1>
      scf.yield %and3A_1218 : vector<16xi1>
    }
    %get3A_166 = arith.constant 32 : index
    %get3A_167 = tpu.vector_load %arg7[%get3A_166] {strides = array<i32>} : memref<512xf32, #tpu.memory_space<vmem>>, vector<16xf32>,
    %get3A_168 = arith.constant 32 : index
    %get3A_169 = tpu.vector_load %arg8[%get3A_168] {strides = array<i32>} : memref<512xi32, #tpu.memory_space<vmem>>, vector<16xi32>,
    %add3A_170 = arith.constant 32 : i32
    %add3A_171 = arith.addi %mul3A_0, %add3A_170 : i32
    %add3A_172 = vector.broadcast %add3A_171 : i32 to vector<16xi32>
    %add3A_173 = arith.addi %add3A_172, %iota3A : vector<16xi32>
    %ge3A_174 = arith.constant 1 : i32
    %ge3A_175 = vector.broadcast %ge3A_174 : i32 to vector<16xi32>
    %ge3A_176 = arith.cmpi sge, %get3A_169, %ge3A_175 : vector<16xi32>
    %sub3A_177 = arith.constant 1 : i32
    %sub3A_178 = vector.broadcast %sub3A_177 : i32 to vector<16xi32>
    %sub3A_179 = arith.subi %get3A_169, %sub3A_178 : vector<16xi32>
    %jit3A_180 = arith.constant 0 : i32
    %broadcast_in_dim3A_181 = vector.broadcast %jit3A_180 : i32 to vector<16xi32>
    %select_n3A_182 = arith.select %ge3A_176, %sub3A_179, %broadcast_in_dim3A_181 : vector<16xi1>, vector<16xi32>
    %gather3A_183 = tpu.vector_load_idx %arg9[%select_n3A_182] : memref<256xf32, #tpu.memory_space<vmem>>[vector<16xi32>], vector<16xf32>,
    %gather3A_184 = tpu.vector_load_idx %arg10[%select_n3A_182] : memref<256xi32, #tpu.memory_space<vmem>>[vector<16xi32>], vector<16xi32>,
    %gt3A_185 = arith.cmpf ogt, %get3A_167, %gather3A_183 : vector<16xf32>
    %eq3A_186 = arith.cmpf oeq, %get3A_167, %gather3A_183 : vector<16xf32>
    %lt3A_187 = arith.cmpi slt, %add3A_173, %gather3A_184 : vector<16xi32>
    %and3A_188 = arith.andi %eq3A_186, %lt3A_187 : vector<16xi1>
    %or3A_189 = arith.ori %gt3A_185, %and3A_188 : vector<16xi1>
    %and3A_190 = arith.andi %ge3A_176, %or3A_189 : vector<16xi1>
    %while3A_191 = scf.while (%while3A_1210 = %and3A_190) : (vector<16xi1>) -> vector<16xi1> {
      %reduce_or3A = arith.constant 1.000000e+00 : f32
      %reduce_or3A_1211 = arith.constant 0.000000e+00 : f32
      %reduce_or3A_1212 = vector.broadcast %reduce_or3A : f32 to vector<16xf32>
      %reduce_or3A_1213 = vector.broadcast %reduce_or3A_1211 : f32 to vector<16xf32>
      %reduce_or3A_1214 = arith.select %while3A_1210, %reduce_or3A_1212, %reduce_or3A_1213 : vector<16xi1>, vector<16xf32>
      %reduce_or3A_1215 = arith.constant true
      %reduce_or3A_1216 = vector.broadcast %reduce_or3A_1215 : i1 to vector<16xi1>
      %reduce_or3A_1217 = tpu.scan <max>, %reduce_or3A_1214 masked %reduce_or3A_1216 : vector<16xf32>, vector<16xi1> -> vector<16xf32>
      %reduce_or3A_1218 = vector.extract %reduce_or3A_1217[15] : f32 from vector<16xf32>
      %reduce_or3A_1219 = arith.constant 0.000000e+00 : f32
      %reduce_or3A_1220 = arith.cmpf ogt, %reduce_or3A_1218, %reduce_or3A_1219 : f32
      scf.condition(%reduce_or3A_1220) %while3A_1210 : vector<16xi1>
    } do {
    ^bb0(%while3A_1210: vector<16xi1>):
      tpu.vector_store_idx %arg9[%select_n3A_182], %get3A_167 masked %while3A_1210 : memref<256xf32, #tpu.memory_space<vmem>>[vector<16xi32>], vector<16xf32>, vector<16xi1>
      tpu.vector_store_idx %arg10[%select_n3A_182], %add3A_173 masked %while3A_1210 : memref<256xi32, #tpu.memory_space<vmem>>[vector<16xi32>], vector<16xi32>, vector<16xi1>
      %gather3A_1211 = tpu.vector_load_idx %arg9[%select_n3A_182] : memref<256xf32, #tpu.memory_space<vmem>>[vector<16xi32>], vector<16xf32>,
      %gather3A_1212 = tpu.vector_load_idx %arg10[%select_n3A_182] : memref<256xi32, #tpu.memory_space<vmem>>[vector<16xi32>], vector<16xi32>,
      %gt3A_1213 = arith.cmpf ogt, %get3A_167, %gather3A_1211 : vector<16xf32>
      %eq3A_1214 = arith.cmpf oeq, %get3A_167, %gather3A_1211 : vector<16xf32>
      %lt3A_1215 = arith.cmpi slt, %add3A_173, %gather3A_1212 : vector<16xi32>
      %and3A_1216 = arith.andi %eq3A_1214, %lt3A_1215 : vector<16xi1>
      %or3A_1217 = arith.ori %gt3A_1213, %and3A_1216 : vector<16xi1>
      %and3A_1218 = arith.andi %ge3A_176, %or3A_1217 : vector<16xi1>
      scf.yield %and3A_1218 : vector<16xi1>
    }
    %get3A_192 = arith.constant 48 : index
    %get3A_193 = tpu.vector_load %arg7[%get3A_192] {strides = array<i32>} : memref<512xf32, #tpu.memory_space<vmem>>, vector<16xf32>,
    %get3A_194 = arith.constant 48 : index
    %get3A_195 = tpu.vector_load %arg8[%get3A_194] {strides = array<i32>} : memref<512xi32, #tpu.memory_space<vmem>>, vector<16xi32>,
    %add3A_196 = arith.constant 48 : i32
    %add3A_197 = arith.addi %mul3A_0, %add3A_196 : i32
    %add3A_198 = vector.broadcast %add3A_197 : i32 to vector<16xi32>
    %add3A_199 = arith.addi %add3A_198, %iota3A : vector<16xi32>
    %ge3A_200 = arith.constant 1 : i32
    %ge3A_201 = vector.broadcast %ge3A_200 : i32 to vector<16xi32>
    %ge3A_202 = arith.cmpi sge, %get3A_195, %ge3A_201 : vector<16xi32>
    %sub3A_203 = arith.constant 1 : i32
    %sub3A_204 = vector.broadcast %sub3A_203 : i32 to vector<16xi32>
    %sub3A_205 = arith.subi %get3A_195, %sub3A_204 : vector<16xi32>
    %jit3A_206 = arith.constant 0 : i32
    %broadcast_in_dim3A_207 = vector.broadcast %jit3A_206 : i32 to vector<16xi32>
    %select_n3A_208 = arith.select %ge3A_202, %sub3A_205, %broadcast_in_dim3A_207 : vector<16xi1>, vector<16xi32>
    %gather3A_209 = tpu.vector_load_idx %arg9[%select_n3A_208] : memref<256xf32, #tpu.memory_space<vmem>>[vector<16xi32>], vector<16xf32>,
    %gather3A_210 = tpu.vector_load_idx %arg10[%select_n3A_208] : memref<256xi32, #tpu.memory_space<vmem>>[vector<16xi32>], vector<16xi32>,
    %gt3A_211 = arith.cmpf ogt, %get3A_193, %gather3A_209 : vector<16xf32>
    %eq3A_212 = arith.cmpf oeq, %get3A_193, %gather3A_209 : vector<16xf32>
    %lt3A_213 = arith.cmpi slt, %add3A_199, %gather3A_210 : vector<16xi32>
    %and3A_214 = arith.andi %eq3A_212, %lt3A_213 : vector<16xi1>
    %or3A_215 = arith.ori %gt3A_211, %and3A_214 : vector<16xi1>
    %and3A_216 = arith.andi %ge3A_202, %or3A_215 : vector<16xi1>
    %while3A_217 = scf.while (%while3A_1210 = %and3A_216) : (vector<16xi1>) -> vector<16xi1> {
      %reduce_or3A = arith.constant 1.000000e+00 : f32
      %reduce_or3A_1211 = arith.constant 0.000000e+00 : f32
      %reduce_or3A_1212 = vector.broadcast %reduce_or3A : f32 to vector<16xf32>
      %reduce_or3A_1213 = vector.broadcast %reduce_or3A_1211 : f32 to vector<16xf32>
      %reduce_or3A_1214 = arith.select %while3A_1210, %reduce_or3A_1212, %reduce_or3A_1213 : vector<16xi1>, vector<16xf32>
      %reduce_or3A_1215 = arith.constant true
      %reduce_or3A_1216 = vector.broadcast %reduce_or3A_1215 : i1 to vector<16xi1>
      %reduce_or3A_1217 = tpu.scan <max>, %reduce_or3A_1214 masked %reduce_or3A_1216 : vector<16xf32>, vector<16xi1> -> vector<16xf32>
      %reduce_or3A_1218 = vector.extract %reduce_or3A_1217[15] : f32 from vector<16xf32>
      %reduce_or3A_1219 = arith.constant 0.000000e+00 : f32
      %reduce_or3A_1220 = arith.cmpf ogt, %reduce_or3A_1218, %reduce_or3A_1219 : f32
      scf.condition(%reduce_or3A_1220) %while3A_1210 : vector<16xi1>
    } do {
    ^bb0(%while3A_1210: vector<16xi1>):
      tpu.vector_store_idx %arg9[%select_n3A_208], %get3A_193 masked %while3A_1210 : memref<256xf32, #tpu.memory_space<vmem>>[vector<16xi32>], vector<16xf32>, vector<16xi1>
      tpu.vector_store_idx %arg10[%select_n3A_208], %add3A_199 masked %while3A_1210 : memref<256xi32, #tpu.memory_space<vmem>>[vector<16xi32>], vector<16xi32>, vector<16xi1>
      %gather3A_1211 = tpu.vector_load_idx %arg9[%select_n3A_208] : memref<256xf32, #tpu.memory_space<vmem>>[vector<16xi32>], vector<16xf32>,
      %gather3A_1212 = tpu.vector_load_idx %arg10[%select_n3A_208] : memref<256xi32, #tpu.memory_space<vmem>>[vector<16xi32>], vector<16xi32>,
      %gt3A_1213 = arith.cmpf ogt, %get3A_193, %gather3A_1211 : vector<16xf32>
      %eq3A_1214 = arith.cmpf oeq, %get3A_193, %gather3A_1211 : vector<16xf32>
      %lt3A_1215 = arith.cmpi slt, %add3A_199, %gather3A_1212 : vector<16xi32>
      %and3A_1216 = arith.andi %eq3A_1214, %lt3A_1215 : vector<16xi1>
      %or3A_1217 = arith.ori %gt3A_1213, %and3A_1216 : vector<16xi1>
      %and3A_1218 = arith.andi %ge3A_202, %or3A_1217 : vector<16xi1>
      scf.yield %and3A_1218 : vector<16xi1>
    }
    %get3A_218 = arith.constant 64 : index
    %get3A_219 = tpu.vector_load %arg7[%get3A_218] {strides = array<i32>} : memref<512xf32, #tpu.memory_space<vmem>>, vector<16xf32>,
    %get3A_220 = arith.constant 64 : index
    %get3A_221 = tpu.vector_load %arg8[%get3A_220] {strides = array<i32>} : memref<512xi32, #tpu.memory_space<vmem>>, vector<16xi32>,
    %add3A_222 = arith.constant 64 : i32
    %add3A_223 = arith.addi %mul3A_0, %add3A_222 : i32
    %add3A_224 = vector.broadcast %add3A_223 : i32 to vector<16xi32>
    %add3A_225 = arith.addi %add3A_224, %iota3A : vector<16xi32>
    %ge3A_226 = arith.constant 1 : i32
    %ge3A_227 = vector.broadcast %ge3A_226 : i32 to vector<16xi32>
    %ge3A_228 = arith.cmpi sge, %get3A_221, %ge3A_227 : vector<16xi32>
    %sub3A_229 = arith.constant 1 : i32
    %sub3A_230 = vector.broadcast %sub3A_229 : i32 to vector<16xi32>
    %sub3A_231 = arith.subi %get3A_221, %sub3A_230 : vector<16xi32>
    %jit3A_232 = arith.constant 0 : i32
    %broadcast_in_dim3A_233 = vector.broadcast %jit3A_232 : i32 to vector<16xi32>
    %select_n3A_234 = arith.select %ge3A_228, %sub3A_231, %broadcast_in_dim3A_233 : vector<16xi1>, vector<16xi32>
    %gather3A_235 = tpu.vector_load_idx %arg9[%select_n3A_234] : memref<256xf32, #tpu.memory_space<vmem>>[vector<16xi32>], vector<16xf32>,
    %gather3A_236 = tpu.vector_load_idx %arg10[%select_n3A_234] : memref<256xi32, #tpu.memory_space<vmem>>[vector<16xi32>], vector<16xi32>,
    %gt3A_237 = arith.cmpf ogt, %get3A_219, %gather3A_235 : vector<16xf32>
    %eq3A_238 = arith.cmpf oeq, %get3A_219, %gather3A_235 : vector<16xf32>
    %lt3A_239 = arith.cmpi slt, %add3A_225, %gather3A_236 : vector<16xi32>
    %and3A_240 = arith.andi %eq3A_238, %lt3A_239 : vector<16xi1>
    %or3A_241 = arith.ori %gt3A_237, %and3A_240 : vector<16xi1>
    %and3A_242 = arith.andi %ge3A_228, %or3A_241 : vector<16xi1>
    %while3A_243 = scf.while (%while3A_1210 = %and3A_242) : (vector<16xi1>) -> vector<16xi1> {
      %reduce_or3A = arith.constant 1.000000e+00 : f32
      %reduce_or3A_1211 = arith.constant 0.000000e+00 : f32
      %reduce_or3A_1212 = vector.broadcast %reduce_or3A : f32 to vector<16xf32>
      %reduce_or3A_1213 = vector.broadcast %reduce_or3A_1211 : f32 to vector<16xf32>
      %reduce_or3A_1214 = arith.select %while3A_1210, %reduce_or3A_1212, %reduce_or3A_1213 : vector<16xi1>, vector<16xf32>
      %reduce_or3A_1215 = arith.constant true
      %reduce_or3A_1216 = vector.broadcast %reduce_or3A_1215 : i1 to vector<16xi1>
      %reduce_or3A_1217 = tpu.scan <max>, %reduce_or3A_1214 masked %reduce_or3A_1216 : vector<16xf32>, vector<16xi1> -> vector<16xf32>
      %reduce_or3A_1218 = vector.extract %reduce_or3A_1217[15] : f32 from vector<16xf32>
      %reduce_or3A_1219 = arith.constant 0.000000e+00 : f32
      %reduce_or3A_1220 = arith.cmpf ogt, %reduce_or3A_1218, %reduce_or3A_1219 : f32
      scf.condition(%reduce_or3A_1220) %while3A_1210 : vector<16xi1>
    } do {
    ^bb0(%while3A_1210: vector<16xi1>):
      tpu.vector_store_idx %arg9[%select_n3A_234], %get3A_219 masked %while3A_1210 : memref<256xf32, #tpu.memory_space<vmem>>[vector<16xi32>], vector<16xf32>, vector<16xi1>
      tpu.vector_store_idx %arg10[%select_n3A_234], %add3A_225 masked %while3A_1210 : memref<256xi32, #tpu.memory_space<vmem>>[vector<16xi32>], vector<16xi32>, vector<16xi1>
      %gather3A_1211 = tpu.vector_load_idx %arg9[%select_n3A_234] : memref<256xf32, #tpu.memory_space<vmem>>[vector<16xi32>], vector<16xf32>,
      %gather3A_1212 = tpu.vector_load_idx %arg10[%select_n3A_234] : memref<256xi32, #tpu.memory_space<vmem>>[vector<16xi32>], vector<16xi32>,
      %gt3A_1213 = arith.cmpf ogt, %get3A_219, %gather3A_1211 : vector<16xf32>
      %eq3A_1214 = arith.cmpf oeq, %get3A_219, %gather3A_1211 : vector<16xf32>
      %lt3A_1215 = arith.cmpi slt, %add3A_225, %gather3A_1212 : vector<16xi32>
      %and3A_1216 = arith.andi %eq3A_1214, %lt3A_1215 : vector<16xi1>
      %or3A_1217 = arith.ori %gt3A_1213, %and3A_1216 : vector<16xi1>
      %and3A_1218 = arith.andi %ge3A_228, %or3A_1217 : vector<16xi1>
      scf.yield %and3A_1218 : vector<16xi1>
    }
    %get3A_244 = arith.constant 80 : index
    %get3A_245 = tpu.vector_load %arg7[%get3A_244] {strides = array<i32>} : memref<512xf32, #tpu.memory_space<vmem>>, vector<16xf32>,
    %get3A_246 = arith.constant 80 : index
    %get3A_247 = tpu.vector_load %arg8[%get3A_246] {strides = array<i32>} : memref<512xi32, #tpu.memory_space<vmem>>, vector<16xi32>,
    %add3A_248 = arith.constant 80 : i32
    %add3A_249 = arith.addi %mul3A_0, %add3A_248 : i32
    %add3A_250 = vector.broadcast %add3A_249 : i32 to vector<16xi32>
    %add3A_251 = arith.addi %add3A_250, %iota3A : vector<16xi32>
    %ge3A_252 = arith.constant 1 : i32
    %ge3A_253 = vector.broadcast %ge3A_252 : i32 to vector<16xi32>
    %ge3A_254 = arith.cmpi sge, %get3A_247, %ge3A_253 : vector<16xi32>
    %sub3A_255 = arith.constant 1 : i32
    %sub3A_256 = vector.broadcast %sub3A_255 : i32 to vector<16xi32>
    %sub3A_257 = arith.subi %get3A_247, %sub3A_256 : vector<16xi32>
    %jit3A_258 = arith.constant 0 : i32
    %broadcast_in_dim3A_259 = vector.broadcast %jit3A_258 : i32 to vector<16xi32>
    %select_n3A_260 = arith.select %ge3A_254, %sub3A_257, %broadcast_in_dim3A_259 : vector<16xi1>, vector<16xi32>
    %gather3A_261 = tpu.vector_load_idx %arg9[%select_n3A_260] : memref<256xf32, #tpu.memory_space<vmem>>[vector<16xi32>], vector<16xf32>,
    %gather3A_262 = tpu.vector_load_idx %arg10[%select_n3A_260] : memref<256xi32, #tpu.memory_space<vmem>>[vector<16xi32>], vector<16xi32>,
    %gt3A_263 = arith.cmpf ogt, %get3A_245, %gather3A_261 : vector<16xf32>
    %eq3A_264 = arith.cmpf oeq, %get3A_245, %gather3A_261 : vector<16xf32>
    %lt3A_265 = arith.cmpi slt, %add3A_251, %gather3A_262 : vector<16xi32>
    %and3A_266 = arith.andi %eq3A_264, %lt3A_265 : vector<16xi1>
    %or3A_267 = arith.ori %gt3A_263, %and3A_266 : vector<16xi1>
    %and3A_268 = arith.andi %ge3A_254, %or3A_267 : vector<16xi1>
    %while3A_269 = scf.while (%while3A_1210 = %and3A_268) : (vector<16xi1>) -> vector<16xi1> {
      %reduce_or3A = arith.constant 1.000000e+00 : f32
      %reduce_or3A_1211 = arith.constant 0.000000e+00 : f32
      %reduce_or3A_1212 = vector.broadcast %reduce_or3A : f32 to vector<16xf32>
      %reduce_or3A_1213 = vector.broadcast %reduce_or3A_1211 : f32 to vector<16xf32>
      %reduce_or3A_1214 = arith.select %while3A_1210, %reduce_or3A_1212, %reduce_or3A_1213 : vector<16xi1>, vector<16xf32>
      %reduce_or3A_1215 = arith.constant true
      %reduce_or3A_1216 = vector.broadcast %reduce_or3A_1215 : i1 to vector<16xi1>
      %reduce_or3A_1217 = tpu.scan <max>, %reduce_or3A_1214 masked %reduce_or3A_1216 : vector<16xf32>, vector<16xi1> -> vector<16xf32>
      %reduce_or3A_1218 = vector.extract %reduce_or3A_1217[15] : f32 from vector<16xf32>
      %reduce_or3A_1219 = arith.constant 0.000000e+00 : f32
      %reduce_or3A_1220 = arith.cmpf ogt, %reduce_or3A_1218, %reduce_or3A_1219 : f32
      scf.condition(%reduce_or3A_1220) %while3A_1210 : vector<16xi1>
    } do {
    ^bb0(%while3A_1210: vector<16xi1>):
      tpu.vector_store_idx %arg9[%select_n3A_260], %get3A_245 masked %while3A_1210 : memref<256xf32, #tpu.memory_space<vmem>>[vector<16xi32>], vector<16xf32>, vector<16xi1>
      tpu.vector_store_idx %arg10[%select_n3A_260], %add3A_251 masked %while3A_1210 : memref<256xi32, #tpu.memory_space<vmem>>[vector<16xi32>], vector<16xi32>, vector<16xi1>
      %gather3A_1211 = tpu.vector_load_idx %arg9[%select_n3A_260] : memref<256xf32, #tpu.memory_space<vmem>>[vector<16xi32>], vector<16xf32>,
      %gather3A_1212 = tpu.vector_load_idx %arg10[%select_n3A_260] : memref<256xi32, #tpu.memory_space<vmem>>[vector<16xi32>], vector<16xi32>,
      %gt3A_1213 = arith.cmpf ogt, %get3A_245, %gather3A_1211 : vector<16xf32>
      %eq3A_1214 = arith.cmpf oeq, %get3A_245, %gather3A_1211 : vector<16xf32>
      %lt3A_1215 = arith.cmpi slt, %add3A_251, %gather3A_1212 : vector<16xi32>
      %and3A_1216 = arith.andi %eq3A_1214, %lt3A_1215 : vector<16xi1>
      %or3A_1217 = arith.ori %gt3A_1213, %and3A_1216 : vector<16xi1>
      %and3A_1218 = arith.andi %ge3A_254, %or3A_1217 : vector<16xi1>
      scf.yield %and3A_1218 : vector<16xi1>
    }
    %get3A_270 = arith.constant 96 : index
    %get3A_271 = tpu.vector_load %arg7[%get3A_270] {strides = array<i32>} : memref<512xf32, #tpu.memory_space<vmem>>, vector<16xf32>,
    %get3A_272 = arith.constant 96 : index
    %get3A_273 = tpu.vector_load %arg8[%get3A_272] {strides = array<i32>} : memref<512xi32, #tpu.memory_space<vmem>>, vector<16xi32>,
    %add3A_274 = arith.constant 96 : i32
    %add3A_275 = arith.addi %mul3A_0, %add3A_274 : i32
    %add3A_276 = vector.broadcast %add3A_275 : i32 to vector<16xi32>
    %add3A_277 = arith.addi %add3A_276, %iota3A : vector<16xi32>
    %ge3A_278 = arith.constant 1 : i32
    %ge3A_279 = vector.broadcast %ge3A_278 : i32 to vector<16xi32>
    %ge3A_280 = arith.cmpi sge, %get3A_273, %ge3A_279 : vector<16xi32>
    %sub3A_281 = arith.constant 1 : i32
    %sub3A_282 = vector.broadcast %sub3A_281 : i32 to vector<16xi32>
    %sub3A_283 = arith.subi %get3A_273, %sub3A_282 : vector<16xi32>
    %jit3A_284 = arith.constant 0 : i32
    %broadcast_in_dim3A_285 = vector.broadcast %jit3A_284 : i32 to vector<16xi32>
    %select_n3A_286 = arith.select %ge3A_280, %sub3A_283, %broadcast_in_dim3A_285 : vector<16xi1>, vector<16xi32>
    %gather3A_287 = tpu.vector_load_idx %arg9[%select_n3A_286] : memref<256xf32, #tpu.memory_space<vmem>>[vector<16xi32>], vector<16xf32>,
    %gather3A_288 = tpu.vector_load_idx %arg10[%select_n3A_286] : memref<256xi32, #tpu.memory_space<vmem>>[vector<16xi32>], vector<16xi32>,
    %gt3A_289 = arith.cmpf ogt, %get3A_271, %gather3A_287 : vector<16xf32>
    %eq3A_290 = arith.cmpf oeq, %get3A_271, %gather3A_287 : vector<16xf32>
    %lt3A_291 = arith.cmpi slt, %add3A_277, %gather3A_288 : vector<16xi32>
    %and3A_292 = arith.andi %eq3A_290, %lt3A_291 : vector<16xi1>
    %or3A_293 = arith.ori %gt3A_289, %and3A_292 : vector<16xi1>
    %and3A_294 = arith.andi %ge3A_280, %or3A_293 : vector<16xi1>
    %while3A_295 = scf.while (%while3A_1210 = %and3A_294) : (vector<16xi1>) -> vector<16xi1> {
      %reduce_or3A = arith.constant 1.000000e+00 : f32
      %reduce_or3A_1211 = arith.constant 0.000000e+00 : f32
      %reduce_or3A_1212 = vector.broadcast %reduce_or3A : f32 to vector<16xf32>
      %reduce_or3A_1213 = vector.broadcast %reduce_or3A_1211 : f32 to vector<16xf32>
      %reduce_or3A_1214 = arith.select %while3A_1210, %reduce_or3A_1212, %reduce_or3A_1213 : vector<16xi1>, vector<16xf32>
      %reduce_or3A_1215 = arith.constant true
      %reduce_or3A_1216 = vector.broadcast %reduce_or3A_1215 : i1 to vector<16xi1>
      %reduce_or3A_1217 = tpu.scan <max>, %reduce_or3A_1214 masked %reduce_or3A_1216 : vector<16xf32>, vector<16xi1> -> vector<16xf32>
      %reduce_or3A_1218 = vector.extract %reduce_or3A_1217[15] : f32 from vector<16xf32>
      %reduce_or3A_1219 = arith.constant 0.000000e+00 : f32
      %reduce_or3A_1220 = arith.cmpf ogt, %reduce_or3A_1218, %reduce_or3A_1219 : f32
      scf.condition(%reduce_or3A_1220) %while3A_1210 : vector<16xi1>
    } do {
    ^bb0(%while3A_1210: vector<16xi1>):
      tpu.vector_store_idx %arg9[%select_n3A_286], %get3A_271 masked %while3A_1210 : memref<256xf32, #tpu.memory_space<vmem>>[vector<16xi32>], vector<16xf32>, vector<16xi1>
      tpu.vector_store_idx %arg10[%select_n3A_286], %add3A_277 masked %while3A_1210 : memref<256xi32, #tpu.memory_space<vmem>>[vector<16xi32>], vector<16xi32>, vector<16xi1>
      %gather3A_1211 = tpu.vector_load_idx %arg9[%select_n3A_286] : memref<256xf32, #tpu.memory_space<vmem>>[vector<16xi32>], vector<16xf32>,
      %gather3A_1212 = tpu.vector_load_idx %arg10[%select_n3A_286] : memref<256xi32, #tpu.memory_space<vmem>>[vector<16xi32>], vector<16xi32>,
      %gt3A_1213 = arith.cmpf ogt, %get3A_271, %gather3A_1211 : vector<16xf32>
      %eq3A_1214 = arith.cmpf oeq, %get3A_271, %gather3A_1211 : vector<16xf32>
      %lt3A_1215 = arith.cmpi slt, %add3A_277, %gather3A_1212 : vector<16xi32>
      %and3A_1216 = arith.andi %eq3A_1214, %lt3A_1215 : vector<16xi1>
      %or3A_1217 = arith.ori %gt3A_1213, %and3A_1216 : vector<16xi1>
      %and3A_1218 = arith.andi %ge3A_280, %or3A_1217 : vector<16xi1>
      scf.yield %and3A_1218 : vector<16xi1>
    }
    %get3A_296 = arith.constant 112 : index
    %get3A_297 = tpu.vector_load %arg7[%get3A_296] {strides = array<i32>} : memref<512xf32, #tpu.memory_space<vmem>>, vector<16xf32>,
    %get3A_298 = arith.constant 112 : index
    %get3A_299 = tpu.vector_load %arg8[%get3A_298] {strides = array<i32>} : memref<512xi32, #tpu.memory_space<vmem>>, vector<16xi32>,
    %add3A_300 = arith.constant 112 : i32
    %add3A_301 = arith.addi %mul3A_0, %add3A_300 : i32
    %add3A_302 = vector.broadcast %add3A_301 : i32 to vector<16xi32>
    %add3A_303 = arith.addi %add3A_302, %iota3A : vector<16xi32>
    %ge3A_304 = arith.constant 1 : i32
    %ge3A_305 = vector.broadcast %ge3A_304 : i32 to vector<16xi32>
    %ge3A_306 = arith.cmpi sge, %get3A_299, %ge3A_305 : vector<16xi32>
    %sub3A_307 = arith.constant 1 : i32
    %sub3A_308 = vector.broadcast %sub3A_307 : i32 to vector<16xi32>
    %sub3A_309 = arith.subi %get3A_299, %sub3A_308 : vector<16xi32>
    %jit3A_310 = arith.constant 0 : i32
    %broadcast_in_dim3A_311 = vector.broadcast %jit3A_310 : i32 to vector<16xi32>
    %select_n3A_312 = arith.select %ge3A_306, %sub3A_309, %broadcast_in_dim3A_311 : vector<16xi1>, vector<16xi32>
    %gather3A_313 = tpu.vector_load_idx %arg9[%select_n3A_312] : memref<256xf32, #tpu.memory_space<vmem>>[vector<16xi32>], vector<16xf32>,
    %gather3A_314 = tpu.vector_load_idx %arg10[%select_n3A_312] : memref<256xi32, #tpu.memory_space<vmem>>[vector<16xi32>], vector<16xi32>,
    %gt3A_315 = arith.cmpf ogt, %get3A_297, %gather3A_313 : vector<16xf32>
    %eq3A_316 = arith.cmpf oeq, %get3A_297, %gather3A_313 : vector<16xf32>
    %lt3A_317 = arith.cmpi slt, %add3A_303, %gather3A_314 : vector<16xi32>
    %and3A_318 = arith.andi %eq3A_316, %lt3A_317 : vector<16xi1>
    %or3A_319 = arith.ori %gt3A_315, %and3A_318 : vector<16xi1>
    %and3A_320 = arith.andi %ge3A_306, %or3A_319 : vector<16xi1>
    %while3A_321 = scf.while (%while3A_1210 = %and3A_320) : (vector<16xi1>) -> vector<16xi1> {
      %reduce_or3A = arith.constant 1.000000e+00 : f32
      %reduce_or3A_1211 = arith.constant 0.000000e+00 : f32
      %reduce_or3A_1212 = vector.broadcast %reduce_or3A : f32 to vector<16xf32>
      %reduce_or3A_1213 = vector.broadcast %reduce_or3A_1211 : f32 to vector<16xf32>
      %reduce_or3A_1214 = arith.select %while3A_1210, %reduce_or3A_1212, %reduce_or3A_1213 : vector<16xi1>, vector<16xf32>
      %reduce_or3A_1215 = arith.constant true
      %reduce_or3A_1216 = vector.broadcast %reduce_or3A_1215 : i1 to vector<16xi1>
      %reduce_or3A_1217 = tpu.scan <max>, %reduce_or3A_1214 masked %reduce_or3A_1216 : vector<16xf32>, vector<16xi1> -> vector<16xf32>
      %reduce_or3A_1218 = vector.extract %reduce_or3A_1217[15] : f32 from vector<16xf32>
      %reduce_or3A_1219 = arith.constant 0.000000e+00 : f32
      %reduce_or3A_1220 = arith.cmpf ogt, %reduce_or3A_1218, %reduce_or3A_1219 : f32
      scf.condition(%reduce_or3A_1220) %while3A_1210 : vector<16xi1>
    } do {
    ^bb0(%while3A_1210: vector<16xi1>):
      tpu.vector_store_idx %arg9[%select_n3A_312], %get3A_297 masked %while3A_1210 : memref<256xf32, #tpu.memory_space<vmem>>[vector<16xi32>], vector<16xf32>, vector<16xi1>
      tpu.vector_store_idx %arg10[%select_n3A_312], %add3A_303 masked %while3A_1210 : memref<256xi32, #tpu.memory_space<vmem>>[vector<16xi32>], vector<16xi32>, vector<16xi1>
      %gather3A_1211 = tpu.vector_load_idx %arg9[%select_n3A_312] : memref<256xf32, #tpu.memory_space<vmem>>[vector<16xi32>], vector<16xf32>,
      %gather3A_1212 = tpu.vector_load_idx %arg10[%select_n3A_312] : memref<256xi32, #tpu.memory_space<vmem>>[vector<16xi32>], vector<16xi32>,
      %gt3A_1213 = arith.cmpf ogt, %get3A_297, %gather3A_1211 : vector<16xf32>
      %eq3A_1214 = arith.cmpf oeq, %get3A_297, %gather3A_1211 : vector<16xf32>
      %lt3A_1215 = arith.cmpi slt, %add3A_303, %gather3A_1212 : vector<16xi32>
      %and3A_1216 = arith.andi %eq3A_1214, %lt3A_1215 : vector<16xi1>
      %or3A_1217 = arith.ori %gt3A_1213, %and3A_1216 : vector<16xi1>
      %and3A_1218 = arith.andi %ge3A_306, %or3A_1217 : vector<16xi1>
      scf.yield %and3A_1218 : vector<16xi1>
    }
    %get3A_322 = arith.constant 128 : index
    %get3A_323 = tpu.vector_load %arg7[%get3A_322] {strides = array<i32>} : memref<512xf32, #tpu.memory_space<vmem>>, vector<16xf32>,
    %get3A_324 = arith.constant 128 : index
    %get3A_325 = tpu.vector_load %arg8[%get3A_324] {strides = array<i32>} : memref<512xi32, #tpu.memory_space<vmem>>, vector<16xi32>,
    %add3A_326 = arith.constant 128 : i32
    %add3A_327 = arith.addi %mul3A_0, %add3A_326 : i32
    %add3A_328 = vector.broadcast %add3A_327 : i32 to vector<16xi32>
    %add3A_329 = arith.addi %add3A_328, %iota3A : vector<16xi32>
    %ge3A_330 = arith.constant 1 : i32
    %ge3A_331 = vector.broadcast %ge3A_330 : i32 to vector<16xi32>
    %ge3A_332 = arith.cmpi sge, %get3A_325, %ge3A_331 : vector<16xi32>
    %sub3A_333 = arith.constant 1 : i32
    %sub3A_334 = vector.broadcast %sub3A_333 : i32 to vector<16xi32>
    %sub3A_335 = arith.subi %get3A_325, %sub3A_334 : vector<16xi32>
    %jit3A_336 = arith.constant 0 : i32
    %broadcast_in_dim3A_337 = vector.broadcast %jit3A_336 : i32 to vector<16xi32>
    %select_n3A_338 = arith.select %ge3A_332, %sub3A_335, %broadcast_in_dim3A_337 : vector<16xi1>, vector<16xi32>
    %gather3A_339 = tpu.vector_load_idx %arg9[%select_n3A_338] : memref<256xf32, #tpu.memory_space<vmem>>[vector<16xi32>], vector<16xf32>,
    %gather3A_340 = tpu.vector_load_idx %arg10[%select_n3A_338] : memref<256xi32, #tpu.memory_space<vmem>>[vector<16xi32>], vector<16xi32>,
    %gt3A_341 = arith.cmpf ogt, %get3A_323, %gather3A_339 : vector<16xf32>
    %eq3A_342 = arith.cmpf oeq, %get3A_323, %gather3A_339 : vector<16xf32>
    %lt3A_343 = arith.cmpi slt, %add3A_329, %gather3A_340 : vector<16xi32>
    %and3A_344 = arith.andi %eq3A_342, %lt3A_343 : vector<16xi1>
    %or3A_345 = arith.ori %gt3A_341, %and3A_344 : vector<16xi1>
    %and3A_346 = arith.andi %ge3A_332, %or3A_345 : vector<16xi1>
    %while3A_347 = scf.while (%while3A_1210 = %and3A_346) : (vector<16xi1>) -> vector<16xi1> {
      %reduce_or3A = arith.constant 1.000000e+00 : f32
      %reduce_or3A_1211 = arith.constant 0.000000e+00 : f32
      %reduce_or3A_1212 = vector.broadcast %reduce_or3A : f32 to vector<16xf32>
      %reduce_or3A_1213 = vector.broadcast %reduce_or3A_1211 : f32 to vector<16xf32>
      %reduce_or3A_1214 = arith.select %while3A_1210, %reduce_or3A_1212, %reduce_or3A_1213 : vector<16xi1>, vector<16xf32>
      %reduce_or3A_1215 = arith.constant true
      %reduce_or3A_1216 = vector.broadcast %reduce_or3A_1215 : i1 to vector<16xi1>
      %reduce_or3A_1217 = tpu.scan <max>, %reduce_or3A_1214 masked %reduce_or3A_1216 : vector<16xf32>, vector<16xi1> -> vector<16xf32>
      %reduce_or3A_1218 = vector.extract %reduce_or3A_1217[15] : f32 from vector<16xf32>
      %reduce_or3A_1219 = arith.constant 0.000000e+00 : f32
      %reduce_or3A_1220 = arith.cmpf ogt, %reduce_or3A_1218, %reduce_or3A_1219 : f32
      scf.condition(%reduce_or3A_1220) %while3A_1210 : vector<16xi1>
    } do {
    ^bb0(%while3A_1210: vector<16xi1>):
      tpu.vector_store_idx %arg9[%select_n3A_338], %get3A_323 masked %while3A_1210 : memref<256xf32, #tpu.memory_space<vmem>>[vector<16xi32>], vector<16xf32>, vector<16xi1>
      tpu.vector_store_idx %arg10[%select_n3A_338], %add3A_329 masked %while3A_1210 : memref<256xi32, #tpu.memory_space<vmem>>[vector<16xi32>], vector<16xi32>, vector<16xi1>
      %gather3A_1211 = tpu.vector_load_idx %arg9[%select_n3A_338] : memref<256xf32, #tpu.memory_space<vmem>>[vector<16xi32>], vector<16xf32>,
      %gather3A_1212 = tpu.vector_load_idx %arg10[%select_n3A_338] : memref<256xi32, #tpu.memory_space<vmem>>[vector<16xi32>], vector<16xi32>,
      %gt3A_1213 = arith.cmpf ogt, %get3A_323, %gather3A_1211 : vector<16xf32>
      %eq3A_1214 = arith.cmpf oeq, %get3A_323, %gather3A_1211 : vector<16xf32>
      %lt3A_1215 = arith.cmpi slt, %add3A_329, %gather3A_1212 : vector<16xi32>
      %and3A_1216 = arith.andi %eq3A_1214, %lt3A_1215 : vector<16xi1>
      %or3A_1217 = arith.ori %gt3A_1213, %and3A_1216 : vector<16xi1>
      %and3A_1218 = arith.andi %ge3A_332, %or3A_1217 : vector<16xi1>
      scf.yield %and3A_1218 : vector<16xi1>
    }
    %get3A_348 = arith.constant 144 : index
    %get3A_349 = tpu.vector_load %arg7[%get3A_348] {strides = array<i32>} : memref<512xf32, #tpu.memory_space<vmem>>, vector<16xf32>,
    %get3A_350 = arith.constant 144 : index
    %get3A_351 = tpu.vector_load %arg8[%get3A_350] {strides = array<i32>} : memref<512xi32, #tpu.memory_space<vmem>>, vector<16xi32>,
    %add3A_352 = arith.constant 144 : i32
    %add3A_353 = arith.addi %mul3A_0, %add3A_352 : i32
    %add3A_354 = vector.broadcast %add3A_353 : i32 to vector<16xi32>
    %add3A_355 = arith.addi %add3A_354, %iota3A : vector<16xi32>
    %ge3A_356 = arith.constant 1 : i32
    %ge3A_357 = vector.broadcast %ge3A_356 : i32 to vector<16xi32>
    %ge3A_358 = arith.cmpi sge, %get3A_351, %ge3A_357 : vector<16xi32>
    %sub3A_359 = arith.constant 1 : i32
    %sub3A_360 = vector.broadcast %sub3A_359 : i32 to vector<16xi32>
    %sub3A_361 = arith.subi %get3A_351, %sub3A_360 : vector<16xi32>
    %jit3A_362 = arith.constant 0 : i32
    %broadcast_in_dim3A_363 = vector.broadcast %jit3A_362 : i32 to vector<16xi32>
    %select_n3A_364 = arith.select %ge3A_358, %sub3A_361, %broadcast_in_dim3A_363 : vector<16xi1>, vector<16xi32>
    %gather3A_365 = tpu.vector_load_idx %arg9[%select_n3A_364] : memref<256xf32, #tpu.memory_space<vmem>>[vector<16xi32>], vector<16xf32>,
    %gather3A_366 = tpu.vector_load_idx %arg10[%select_n3A_364] : memref<256xi32, #tpu.memory_space<vmem>>[vector<16xi32>], vector<16xi32>,
    %gt3A_367 = arith.cmpf ogt, %get3A_349, %gather3A_365 : vector<16xf32>
    %eq3A_368 = arith.cmpf oeq, %get3A_349, %gather3A_365 : vector<16xf32>
    %lt3A_369 = arith.cmpi slt, %add3A_355, %gather3A_366 : vector<16xi32>
    %and3A_370 = arith.andi %eq3A_368, %lt3A_369 : vector<16xi1>
    %or3A_371 = arith.ori %gt3A_367, %and3A_370 : vector<16xi1>
    %and3A_372 = arith.andi %ge3A_358, %or3A_371 : vector<16xi1>
    %while3A_373 = scf.while (%while3A_1210 = %and3A_372) : (vector<16xi1>) -> vector<16xi1> {
      %reduce_or3A = arith.constant 1.000000e+00 : f32
      %reduce_or3A_1211 = arith.constant 0.000000e+00 : f32
      %reduce_or3A_1212 = vector.broadcast %reduce_or3A : f32 to vector<16xf32>
      %reduce_or3A_1213 = vector.broadcast %reduce_or3A_1211 : f32 to vector<16xf32>
      %reduce_or3A_1214 = arith.select %while3A_1210, %reduce_or3A_1212, %reduce_or3A_1213 : vector<16xi1>, vector<16xf32>
      %reduce_or3A_1215 = arith.constant true
      %reduce_or3A_1216 = vector.broadcast %reduce_or3A_1215 : i1 to vector<16xi1>
      %reduce_or3A_1217 = tpu.scan <max>, %reduce_or3A_1214 masked %reduce_or3A_1216 : vector<16xf32>, vector<16xi1> -> vector<16xf32>
      %reduce_or3A_1218 = vector.extract %reduce_or3A_1217[15] : f32 from vector<16xf32>
      %reduce_or3A_1219 = arith.constant 0.000000e+00 : f32
      %reduce_or3A_1220 = arith.cmpf ogt, %reduce_or3A_1218, %reduce_or3A_1219 : f32
      scf.condition(%reduce_or3A_1220) %while3A_1210 : vector<16xi1>
    } do {
    ^bb0(%while3A_1210: vector<16xi1>):
      tpu.vector_store_idx %arg9[%select_n3A_364], %get3A_349 masked %while3A_1210 : memref<256xf32, #tpu.memory_space<vmem>>[vector<16xi32>], vector<16xf32>, vector<16xi1>
      tpu.vector_store_idx %arg10[%select_n3A_364], %add3A_355 masked %while3A_1210 : memref<256xi32, #tpu.memory_space<vmem>>[vector<16xi32>], vector<16xi32>, vector<16xi1>
      %gather3A_1211 = tpu.vector_load_idx %arg9[%select_n3A_364] : memref<256xf32, #tpu.memory_space<vmem>>[vector<16xi32>], vector<16xf32>,
      %gather3A_1212 = tpu.vector_load_idx %arg10[%select_n3A_364] : memref<256xi32, #tpu.memory_space<vmem>>[vector<16xi32>], vector<16xi32>,
      %gt3A_1213 = arith.cmpf ogt, %get3A_349, %gather3A_1211 : vector<16xf32>
      %eq3A_1214 = arith.cmpf oeq, %get3A_349, %gather3A_1211 : vector<16xf32>
      %lt3A_1215 = arith.cmpi slt, %add3A_355, %gather3A_1212 : vector<16xi32>
      %and3A_1216 = arith.andi %eq3A_1214, %lt3A_1215 : vector<16xi1>
      %or3A_1217 = arith.ori %gt3A_1213, %and3A_1216 : vector<16xi1>
      %and3A_1218 = arith.andi %ge3A_358, %or3A_1217 : vector<16xi1>
      scf.yield %and3A_1218 : vector<16xi1>
    }
    %get3A_374 = arith.constant 160 : index
    %get3A_375 = tpu.vector_load %arg7[%get3A_374] {strides = array<i32>} : memref<512xf32, #tpu.memory_space<vmem>>, vector<16xf32>,
    %get3A_376 = arith.constant 160 : index
    %get3A_377 = tpu.vector_load %arg8[%get3A_376] {strides = array<i32>} : memref<512xi32, #tpu.memory_space<vmem>>, vector<16xi32>,
    %add3A_378 = arith.constant 160 : i32
    %add3A_379 = arith.addi %mul3A_0, %add3A_378 : i32
    %add3A_380 = vector.broadcast %add3A_379 : i32 to vector<16xi32>
    %add3A_381 = arith.addi %add3A_380, %iota3A : vector<16xi32>
    %ge3A_382 = arith.constant 1 : i32
    %ge3A_383 = vector.broadcast %ge3A_382 : i32 to vector<16xi32>
    %ge3A_384 = arith.cmpi sge, %get3A_377, %ge3A_383 : vector<16xi32>
    %sub3A_385 = arith.constant 1 : i32
    %sub3A_386 = vector.broadcast %sub3A_385 : i32 to vector<16xi32>
    %sub3A_387 = arith.subi %get3A_377, %sub3A_386 : vector<16xi32>
    %jit3A_388 = arith.constant 0 : i32
    %broadcast_in_dim3A_389 = vector.broadcast %jit3A_388 : i32 to vector<16xi32>
    %select_n3A_390 = arith.select %ge3A_384, %sub3A_387, %broadcast_in_dim3A_389 : vector<16xi1>, vector<16xi32>
    %gather3A_391 = tpu.vector_load_idx %arg9[%select_n3A_390] : memref<256xf32, #tpu.memory_space<vmem>>[vector<16xi32>], vector<16xf32>,
    %gather3A_392 = tpu.vector_load_idx %arg10[%select_n3A_390] : memref<256xi32, #tpu.memory_space<vmem>>[vector<16xi32>], vector<16xi32>,
    %gt3A_393 = arith.cmpf ogt, %get3A_375, %gather3A_391 : vector<16xf32>
    %eq3A_394 = arith.cmpf oeq, %get3A_375, %gather3A_391 : vector<16xf32>
    %lt3A_395 = arith.cmpi slt, %add3A_381, %gather3A_392 : vector<16xi32>
    %and3A_396 = arith.andi %eq3A_394, %lt3A_395 : vector<16xi1>
    %or3A_397 = arith.ori %gt3A_393, %and3A_396 : vector<16xi1>
    %and3A_398 = arith.andi %ge3A_384, %or3A_397 : vector<16xi1>
    %while3A_399 = scf.while (%while3A_1210 = %and3A_398) : (vector<16xi1>) -> vector<16xi1> {
      %reduce_or3A = arith.constant 1.000000e+00 : f32
      %reduce_or3A_1211 = arith.constant 0.000000e+00 : f32
      %reduce_or3A_1212 = vector.broadcast %reduce_or3A : f32 to vector<16xf32>
      %reduce_or3A_1213 = vector.broadcast %reduce_or3A_1211 : f32 to vector<16xf32>
      %reduce_or3A_1214 = arith.select %while3A_1210, %reduce_or3A_1212, %reduce_or3A_1213 : vector<16xi1>, vector<16xf32>
      %reduce_or3A_1215 = arith.constant true
      %reduce_or3A_1216 = vector.broadcast %reduce_or3A_1215 : i1 to vector<16xi1>
      %reduce_or3A_1217 = tpu.scan <max>, %reduce_or3A_1214 masked %reduce_or3A_1216 : vector<16xf32>, vector<16xi1> -> vector<16xf32>
      %reduce_or3A_1218 = vector.extract %reduce_or3A_1217[15] : f32 from vector<16xf32>
      %reduce_or3A_1219 = arith.constant 0.000000e+00 : f32
      %reduce_or3A_1220 = arith.cmpf ogt, %reduce_or3A_1218, %reduce_or3A_1219 : f32
      scf.condition(%reduce_or3A_1220) %while3A_1210 : vector<16xi1>
    } do {
    ^bb0(%while3A_1210: vector<16xi1>):
      tpu.vector_store_idx %arg9[%select_n3A_390], %get3A_375 masked %while3A_1210 : memref<256xf32, #tpu.memory_space<vmem>>[vector<16xi32>], vector<16xf32>, vector<16xi1>
      tpu.vector_store_idx %arg10[%select_n3A_390], %add3A_381 masked %while3A_1210 : memref<256xi32, #tpu.memory_space<vmem>>[vector<16xi32>], vector<16xi32>, vector<16xi1>
      %gather3A_1211 = tpu.vector_load_idx %arg9[%select_n3A_390] : memref<256xf32, #tpu.memory_space<vmem>>[vector<16xi32>], vector<16xf32>,
      %gather3A_1212 = tpu.vector_load_idx %arg10[%select_n3A_390] : memref<256xi32, #tpu.memory_space<vmem>>[vector<16xi32>], vector<16xi32>,
      %gt3A_1213 = arith.cmpf ogt, %get3A_375, %gather3A_1211 : vector<16xf32>
      %eq3A_1214 = arith.cmpf oeq, %get3A_375, %gather3A_1211 : vector<16xf32>
      %lt3A_1215 = arith.cmpi slt, %add3A_381, %gather3A_1212 : vector<16xi32>
      %and3A_1216 = arith.andi %eq3A_1214, %lt3A_1215 : vector<16xi1>
      %or3A_1217 = arith.ori %gt3A_1213, %and3A_1216 : vector<16xi1>
      %and3A_1218 = arith.andi %ge3A_384, %or3A_1217 : vector<16xi1>
      scf.yield %and3A_1218 : vector<16xi1>
    }
    %get3A_400 = arith.constant 176 : index
    %get3A_401 = tpu.vector_load %arg7[%get3A_400] {strides = array<i32>} : memref<512xf32, #tpu.memory_space<vmem>>, vector<16xf32>,
    %get3A_402 = arith.constant 176 : index
    %get3A_403 = tpu.vector_load %arg8[%get3A_402] {strides = array<i32>} : memref<512xi32, #tpu.memory_space<vmem>>, vector<16xi32>,
    %add3A_404 = arith.constant 176 : i32
    %add3A_405 = arith.addi %mul3A_0, %add3A_404 : i32
    %add3A_406 = vector.broadcast %add3A_405 : i32 to vector<16xi32>
    %add3A_407 = arith.addi %add3A_406, %iota3A : vector<16xi32>
    %ge3A_408 = arith.constant 1 : i32
    %ge3A_409 = vector.broadcast %ge3A_408 : i32 to vector<16xi32>
    %ge3A_410 = arith.cmpi sge, %get3A_403, %ge3A_409 : vector<16xi32>
    %sub3A_411 = arith.constant 1 : i32
    %sub3A_412 = vector.broadcast %sub3A_411 : i32 to vector<16xi32>
    %sub3A_413 = arith.subi %get3A_403, %sub3A_412 : vector<16xi32>
    %jit3A_414 = arith.constant 0 : i32
    %broadcast_in_dim3A_415 = vector.broadcast %jit3A_414 : i32 to vector<16xi32>
    %select_n3A_416 = arith.select %ge3A_410, %sub3A_413, %broadcast_in_dim3A_415 : vector<16xi1>, vector<16xi32>
    %gather3A_417 = tpu.vector_load_idx %arg9[%select_n3A_416] : memref<256xf32, #tpu.memory_space<vmem>>[vector<16xi32>], vector<16xf32>,
    %gather3A_418 = tpu.vector_load_idx %arg10[%select_n3A_416] : memref<256xi32, #tpu.memory_space<vmem>>[vector<16xi32>], vector<16xi32>,
    %gt3A_419 = arith.cmpf ogt, %get3A_401, %gather3A_417 : vector<16xf32>
    %eq3A_420 = arith.cmpf oeq, %get3A_401, %gather3A_417 : vector<16xf32>
    %lt3A_421 = arith.cmpi slt, %add3A_407, %gather3A_418 : vector<16xi32>
    %and3A_422 = arith.andi %eq3A_420, %lt3A_421 : vector<16xi1>
    %or3A_423 = arith.ori %gt3A_419, %and3A_422 : vector<16xi1>
    %and3A_424 = arith.andi %ge3A_410, %or3A_423 : vector<16xi1>
    %while3A_425 = scf.while (%while3A_1210 = %and3A_424) : (vector<16xi1>) -> vector<16xi1> {
      %reduce_or3A = arith.constant 1.000000e+00 : f32
      %reduce_or3A_1211 = arith.constant 0.000000e+00 : f32
      %reduce_or3A_1212 = vector.broadcast %reduce_or3A : f32 to vector<16xf32>
      %reduce_or3A_1213 = vector.broadcast %reduce_or3A_1211 : f32 to vector<16xf32>
      %reduce_or3A_1214 = arith.select %while3A_1210, %reduce_or3A_1212, %reduce_or3A_1213 : vector<16xi1>, vector<16xf32>
      %reduce_or3A_1215 = arith.constant true
      %reduce_or3A_1216 = vector.broadcast %reduce_or3A_1215 : i1 to vector<16xi1>
      %reduce_or3A_1217 = tpu.scan <max>, %reduce_or3A_1214 masked %reduce_or3A_1216 : vector<16xf32>, vector<16xi1> -> vector<16xf32>
      %reduce_or3A_1218 = vector.extract %reduce_or3A_1217[15] : f32 from vector<16xf32>
      %reduce_or3A_1219 = arith.constant 0.000000e+00 : f32
      %reduce_or3A_1220 = arith.cmpf ogt, %reduce_or3A_1218, %reduce_or3A_1219 : f32
      scf.condition(%reduce_or3A_1220) %while3A_1210 : vector<16xi1>
    } do {
    ^bb0(%while3A_1210: vector<16xi1>):
      tpu.vector_store_idx %arg9[%select_n3A_416], %get3A_401 masked %while3A_1210 : memref<256xf32, #tpu.memory_space<vmem>>[vector<16xi32>], vector<16xf32>, vector<16xi1>
      tpu.vector_store_idx %arg10[%select_n3A_416], %add3A_407 masked %while3A_1210 : memref<256xi32, #tpu.memory_space<vmem>>[vector<16xi32>], vector<16xi32>, vector<16xi1>
      %gather3A_1211 = tpu.vector_load_idx %arg9[%select_n3A_416] : memref<256xf32, #tpu.memory_space<vmem>>[vector<16xi32>], vector<16xf32>,
      %gather3A_1212 = tpu.vector_load_idx %arg10[%select_n3A_416] : memref<256xi32, #tpu.memory_space<vmem>>[vector<16xi32>], vector<16xi32>,
      %gt3A_1213 = arith.cmpf ogt, %get3A_401, %gather3A_1211 : vector<16xf32>
      %eq3A_1214 = arith.cmpf oeq, %get3A_401, %gather3A_1211 : vector<16xf32>
      %lt3A_1215 = arith.cmpi slt, %add3A_407, %gather3A_1212 : vector<16xi32>
      %and3A_1216 = arith.andi %eq3A_1214, %lt3A_1215 : vector<16xi1>
      %or3A_1217 = arith.ori %gt3A_1213, %and3A_1216 : vector<16xi1>
      %and3A_1218 = arith.andi %ge3A_410, %or3A_1217 : vector<16xi1>
      scf.yield %and3A_1218 : vector<16xi1>
    }
    %get3A_426 = arith.constant 192 : index
    %get3A_427 = tpu.vector_load %arg7[%get3A_426] {strides = array<i32>} : memref<512xf32, #tpu.memory_space<vmem>>, vector<16xf32>,
    %get3A_428 = arith.constant 192 : index
    %get3A_429 = tpu.vector_load %arg8[%get3A_428] {strides = array<i32>} : memref<512xi32, #tpu.memory_space<vmem>>, vector<16xi32>,
    %add3A_430 = arith.constant 192 : i32
    %add3A_431 = arith.addi %mul3A_0, %add3A_430 : i32
    %add3A_432 = vector.broadcast %add3A_431 : i32 to vector<16xi32>
    %add3A_433 = arith.addi %add3A_432, %iota3A : vector<16xi32>
    %ge3A_434 = arith.constant 1 : i32
    %ge3A_435 = vector.broadcast %ge3A_434 : i32 to vector<16xi32>
    %ge3A_436 = arith.cmpi sge, %get3A_429, %ge3A_435 : vector<16xi32>
    %sub3A_437 = arith.constant 1 : i32
    %sub3A_438 = vector.broadcast %sub3A_437 : i32 to vector<16xi32>
    %sub3A_439 = arith.subi %get3A_429, %sub3A_438 : vector<16xi32>
    %jit3A_440 = arith.constant 0 : i32
    %broadcast_in_dim3A_441 = vector.broadcast %jit3A_440 : i32 to vector<16xi32>
    %select_n3A_442 = arith.select %ge3A_436, %sub3A_439, %broadcast_in_dim3A_441 : vector<16xi1>, vector<16xi32>
    %gather3A_443 = tpu.vector_load_idx %arg9[%select_n3A_442] : memref<256xf32, #tpu.memory_space<vmem>>[vector<16xi32>], vector<16xf32>,
    %gather3A_444 = tpu.vector_load_idx %arg10[%select_n3A_442] : memref<256xi32, #tpu.memory_space<vmem>>[vector<16xi32>], vector<16xi32>,
    %gt3A_445 = arith.cmpf ogt, %get3A_427, %gather3A_443 : vector<16xf32>
    %eq3A_446 = arith.cmpf oeq, %get3A_427, %gather3A_443 : vector<16xf32>
    %lt3A_447 = arith.cmpi slt, %add3A_433, %gather3A_444 : vector<16xi32>
    %and3A_448 = arith.andi %eq3A_446, %lt3A_447 : vector<16xi1>
    %or3A_449 = arith.ori %gt3A_445, %and3A_448 : vector<16xi1>
    %and3A_450 = arith.andi %ge3A_436, %or3A_449 : vector<16xi1>
    %while3A_451 = scf.while (%while3A_1210 = %and3A_450) : (vector<16xi1>) -> vector<16xi1> {
      %reduce_or3A = arith.constant 1.000000e+00 : f32
      %reduce_or3A_1211 = arith.constant 0.000000e+00 : f32
      %reduce_or3A_1212 = vector.broadcast %reduce_or3A : f32 to vector<16xf32>
      %reduce_or3A_1213 = vector.broadcast %reduce_or3A_1211 : f32 to vector<16xf32>
      %reduce_or3A_1214 = arith.select %while3A_1210, %reduce_or3A_1212, %reduce_or3A_1213 : vector<16xi1>, vector<16xf32>
      %reduce_or3A_1215 = arith.constant true
      %reduce_or3A_1216 = vector.broadcast %reduce_or3A_1215 : i1 to vector<16xi1>
      %reduce_or3A_1217 = tpu.scan <max>, %reduce_or3A_1214 masked %reduce_or3A_1216 : vector<16xf32>, vector<16xi1> -> vector<16xf32>
      %reduce_or3A_1218 = vector.extract %reduce_or3A_1217[15] : f32 from vector<16xf32>
      %reduce_or3A_1219 = arith.constant 0.000000e+00 : f32
      %reduce_or3A_1220 = arith.cmpf ogt, %reduce_or3A_1218, %reduce_or3A_1219 : f32
      scf.condition(%reduce_or3A_1220) %while3A_1210 : vector<16xi1>
    } do {
    ^bb0(%while3A_1210: vector<16xi1>):
      tpu.vector_store_idx %arg9[%select_n3A_442], %get3A_427 masked %while3A_1210 : memref<256xf32, #tpu.memory_space<vmem>>[vector<16xi32>], vector<16xf32>, vector<16xi1>
      tpu.vector_store_idx %arg10[%select_n3A_442], %add3A_433 masked %while3A_1210 : memref<256xi32, #tpu.memory_space<vmem>>[vector<16xi32>], vector<16xi32>, vector<16xi1>
      %gather3A_1211 = tpu.vector_load_idx %arg9[%select_n3A_442] : memref<256xf32, #tpu.memory_space<vmem>>[vector<16xi32>], vector<16xf32>,
      %gather3A_1212 = tpu.vector_load_idx %arg10[%select_n3A_442] : memref<256xi32, #tpu.memory_space<vmem>>[vector<16xi32>], vector<16xi32>,
      %gt3A_1213 = arith.cmpf ogt, %get3A_427, %gather3A_1211 : vector<16xf32>
      %eq3A_1214 = arith.cmpf oeq, %get3A_427, %gather3A_1211 : vector<16xf32>
      %lt3A_1215 = arith.cmpi slt, %add3A_433, %gather3A_1212 : vector<16xi32>
      %and3A_1216 = arith.andi %eq3A_1214, %lt3A_1215 : vector<16xi1>
      %or3A_1217 = arith.ori %gt3A_1213, %and3A_1216 : vector<16xi1>
      %and3A_1218 = arith.andi %ge3A_436, %or3A_1217 : vector<16xi1>
      scf.yield %and3A_1218 : vector<16xi1>
    }
    %get3A_452 = arith.constant 208 : index
    %get3A_453 = tpu.vector_load %arg7[%get3A_452] {strides = array<i32>} : memref<512xf32, #tpu.memory_space<vmem>>, vector<16xf32>,
    %get3A_454 = arith.constant 208 : index
    %get3A_455 = tpu.vector_load %arg8[%get3A_454] {strides = array<i32>} : memref<512xi32, #tpu.memory_space<vmem>>, vector<16xi32>,
    %add3A_456 = arith.constant 208 : i32
    %add3A_457 = arith.addi %mul3A_0, %add3A_456 : i32
    %add3A_458 = vector.broadcast %add3A_457 : i32 to vector<16xi32>
    %add3A_459 = arith.addi %add3A_458, %iota3A : vector<16xi32>
    %ge3A_460 = arith.constant 1 : i32
    %ge3A_461 = vector.broadcast %ge3A_460 : i32 to vector<16xi32>
    %ge3A_462 = arith.cmpi sge, %get3A_455, %ge3A_461 : vector<16xi32>
    %sub3A_463 = arith.constant 1 : i32
    %sub3A_464 = vector.broadcast %sub3A_463 : i32 to vector<16xi32>
    %sub3A_465 = arith.subi %get3A_455, %sub3A_464 : vector<16xi32>
    %jit3A_466 = arith.constant 0 : i32
    %broadcast_in_dim3A_467 = vector.broadcast %jit3A_466 : i32 to vector<16xi32>
    %select_n3A_468 = arith.select %ge3A_462, %sub3A_465, %broadcast_in_dim3A_467 : vector<16xi1>, vector<16xi32>
    %gather3A_469 = tpu.vector_load_idx %arg9[%select_n3A_468] : memref<256xf32, #tpu.memory_space<vmem>>[vector<16xi32>], vector<16xf32>,
    %gather3A_470 = tpu.vector_load_idx %arg10[%select_n3A_468] : memref<256xi32, #tpu.memory_space<vmem>>[vector<16xi32>], vector<16xi32>,
    %gt3A_471 = arith.cmpf ogt, %get3A_453, %gather3A_469 : vector<16xf32>
    %eq3A_472 = arith.cmpf oeq, %get3A_453, %gather3A_469 : vector<16xf32>
    %lt3A_473 = arith.cmpi slt, %add3A_459, %gather3A_470 : vector<16xi32>
    %and3A_474 = arith.andi %eq3A_472, %lt3A_473 : vector<16xi1>
    %or3A_475 = arith.ori %gt3A_471, %and3A_474 : vector<16xi1>
    %and3A_476 = arith.andi %ge3A_462, %or3A_475 : vector<16xi1>
    %while3A_477 = scf.while (%while3A_1210 = %and3A_476) : (vector<16xi1>) -> vector<16xi1> {
      %reduce_or3A = arith.constant 1.000000e+00 : f32
      %reduce_or3A_1211 = arith.constant 0.000000e+00 : f32
      %reduce_or3A_1212 = vector.broadcast %reduce_or3A : f32 to vector<16xf32>
      %reduce_or3A_1213 = vector.broadcast %reduce_or3A_1211 : f32 to vector<16xf32>
      %reduce_or3A_1214 = arith.select %while3A_1210, %reduce_or3A_1212, %reduce_or3A_1213 : vector<16xi1>, vector<16xf32>
      %reduce_or3A_1215 = arith.constant true
      %reduce_or3A_1216 = vector.broadcast %reduce_or3A_1215 : i1 to vector<16xi1>
      %reduce_or3A_1217 = tpu.scan <max>, %reduce_or3A_1214 masked %reduce_or3A_1216 : vector<16xf32>, vector<16xi1> -> vector<16xf32>
      %reduce_or3A_1218 = vector.extract %reduce_or3A_1217[15] : f32 from vector<16xf32>
      %reduce_or3A_1219 = arith.constant 0.000000e+00 : f32
      %reduce_or3A_1220 = arith.cmpf ogt, %reduce_or3A_1218, %reduce_or3A_1219 : f32
      scf.condition(%reduce_or3A_1220) %while3A_1210 : vector<16xi1>
    } do {
    ^bb0(%while3A_1210: vector<16xi1>):
      tpu.vector_store_idx %arg9[%select_n3A_468], %get3A_453 masked %while3A_1210 : memref<256xf32, #tpu.memory_space<vmem>>[vector<16xi32>], vector<16xf32>, vector<16xi1>
      tpu.vector_store_idx %arg10[%select_n3A_468], %add3A_459 masked %while3A_1210 : memref<256xi32, #tpu.memory_space<vmem>>[vector<16xi32>], vector<16xi32>, vector<16xi1>
      %gather3A_1211 = tpu.vector_load_idx %arg9[%select_n3A_468] : memref<256xf32, #tpu.memory_space<vmem>>[vector<16xi32>], vector<16xf32>,
      %gather3A_1212 = tpu.vector_load_idx %arg10[%select_n3A_468] : memref<256xi32, #tpu.memory_space<vmem>>[vector<16xi32>], vector<16xi32>,
      %gt3A_1213 = arith.cmpf ogt, %get3A_453, %gather3A_1211 : vector<16xf32>
      %eq3A_1214 = arith.cmpf oeq, %get3A_453, %gather3A_1211 : vector<16xf32>
      %lt3A_1215 = arith.cmpi slt, %add3A_459, %gather3A_1212 : vector<16xi32>
      %and3A_1216 = arith.andi %eq3A_1214, %lt3A_1215 : vector<16xi1>
      %or3A_1217 = arith.ori %gt3A_1213, %and3A_1216 : vector<16xi1>
      %and3A_1218 = arith.andi %ge3A_462, %or3A_1217 : vector<16xi1>
      scf.yield %and3A_1218 : vector<16xi1>
    }
    %get3A_478 = arith.constant 224 : index
    %get3A_479 = tpu.vector_load %arg7[%get3A_478] {strides = array<i32>} : memref<512xf32, #tpu.memory_space<vmem>>, vector<16xf32>,
    %get3A_480 = arith.constant 224 : index
    %get3A_481 = tpu.vector_load %arg8[%get3A_480] {strides = array<i32>} : memref<512xi32, #tpu.memory_space<vmem>>, vector<16xi32>,
    %add3A_482 = arith.constant 224 : i32
    %add3A_483 = arith.addi %mul3A_0, %add3A_482 : i32
    %add3A_484 = vector.broadcast %add3A_483 : i32 to vector<16xi32>
    %add3A_485 = arith.addi %add3A_484, %iota3A : vector<16xi32>
    %ge3A_486 = arith.constant 1 : i32
    %ge3A_487 = vector.broadcast %ge3A_486 : i32 to vector<16xi32>
    %ge3A_488 = arith.cmpi sge, %get3A_481, %ge3A_487 : vector<16xi32>
    %sub3A_489 = arith.constant 1 : i32
    %sub3A_490 = vector.broadcast %sub3A_489 : i32 to vector<16xi32>
    %sub3A_491 = arith.subi %get3A_481, %sub3A_490 : vector<16xi32>
    %jit3A_492 = arith.constant 0 : i32
    %broadcast_in_dim3A_493 = vector.broadcast %jit3A_492 : i32 to vector<16xi32>
    %select_n3A_494 = arith.select %ge3A_488, %sub3A_491, %broadcast_in_dim3A_493 : vector<16xi1>, vector<16xi32>
    %gather3A_495 = tpu.vector_load_idx %arg9[%select_n3A_494] : memref<256xf32, #tpu.memory_space<vmem>>[vector<16xi32>], vector<16xf32>,
    %gather3A_496 = tpu.vector_load_idx %arg10[%select_n3A_494] : memref<256xi32, #tpu.memory_space<vmem>>[vector<16xi32>], vector<16xi32>,
    %gt3A_497 = arith.cmpf ogt, %get3A_479, %gather3A_495 : vector<16xf32>
    %eq3A_498 = arith.cmpf oeq, %get3A_479, %gather3A_495 : vector<16xf32>
    %lt3A_499 = arith.cmpi slt, %add3A_485, %gather3A_496 : vector<16xi32>
    %and3A_500 = arith.andi %eq3A_498, %lt3A_499 : vector<16xi1>
    %or3A_501 = arith.ori %gt3A_497, %and3A_500 : vector<16xi1>
    %and3A_502 = arith.andi %ge3A_488, %or3A_501 : vector<16xi1>
    %while3A_503 = scf.while (%while3A_1210 = %and3A_502) : (vector<16xi1>) -> vector<16xi1> {
      %reduce_or3A = arith.constant 1.000000e+00 : f32
      %reduce_or3A_1211 = arith.constant 0.000000e+00 : f32
      %reduce_or3A_1212 = vector.broadcast %reduce_or3A : f32 to vector<16xf32>
      %reduce_or3A_1213 = vector.broadcast %reduce_or3A_1211 : f32 to vector<16xf32>
      %reduce_or3A_1214 = arith.select %while3A_1210, %reduce_or3A_1212, %reduce_or3A_1213 : vector<16xi1>, vector<16xf32>
      %reduce_or3A_1215 = arith.constant true
      %reduce_or3A_1216 = vector.broadcast %reduce_or3A_1215 : i1 to vector<16xi1>
      %reduce_or3A_1217 = tpu.scan <max>, %reduce_or3A_1214 masked %reduce_or3A_1216 : vector<16xf32>, vector<16xi1> -> vector<16xf32>
      %reduce_or3A_1218 = vector.extract %reduce_or3A_1217[15] : f32 from vector<16xf32>
      %reduce_or3A_1219 = arith.constant 0.000000e+00 : f32
      %reduce_or3A_1220 = arith.cmpf ogt, %reduce_or3A_1218, %reduce_or3A_1219 : f32
      scf.condition(%reduce_or3A_1220) %while3A_1210 : vector<16xi1>
    } do {
    ^bb0(%while3A_1210: vector<16xi1>):
      tpu.vector_store_idx %arg9[%select_n3A_494], %get3A_479 masked %while3A_1210 : memref<256xf32, #tpu.memory_space<vmem>>[vector<16xi32>], vector<16xf32>, vector<16xi1>
      tpu.vector_store_idx %arg10[%select_n3A_494], %add3A_485 masked %while3A_1210 : memref<256xi32, #tpu.memory_space<vmem>>[vector<16xi32>], vector<16xi32>, vector<16xi1>
      %gather3A_1211 = tpu.vector_load_idx %arg9[%select_n3A_494] : memref<256xf32, #tpu.memory_space<vmem>>[vector<16xi32>], vector<16xf32>,
      %gather3A_1212 = tpu.vector_load_idx %arg10[%select_n3A_494] : memref<256xi32, #tpu.memory_space<vmem>>[vector<16xi32>], vector<16xi32>,
      %gt3A_1213 = arith.cmpf ogt, %get3A_479, %gather3A_1211 : vector<16xf32>
      %eq3A_1214 = arith.cmpf oeq, %get3A_479, %gather3A_1211 : vector<16xf32>
      %lt3A_1215 = arith.cmpi slt, %add3A_485, %gather3A_1212 : vector<16xi32>
      %and3A_1216 = arith.andi %eq3A_1214, %lt3A_1215 : vector<16xi1>
      %or3A_1217 = arith.ori %gt3A_1213, %and3A_1216 : vector<16xi1>
      %and3A_1218 = arith.andi %ge3A_488, %or3A_1217 : vector<16xi1>
      scf.yield %and3A_1218 : vector<16xi1>
    }
    %get3A_504 = arith.constant 240 : index
    %get3A_505 = tpu.vector_load %arg7[%get3A_504] {strides = array<i32>} : memref<512xf32, #tpu.memory_space<vmem>>, vector<16xf32>,
    %get3A_506 = arith.constant 240 : index
    %get3A_507 = tpu.vector_load %arg8[%get3A_506] {strides = array<i32>} : memref<512xi32, #tpu.memory_space<vmem>>, vector<16xi32>,
    %add3A_508 = arith.constant 240 : i32
    %add3A_509 = arith.addi %mul3A_0, %add3A_508 : i32
    %add3A_510 = vector.broadcast %add3A_509 : i32 to vector<16xi32>
    %add3A_511 = arith.addi %add3A_510, %iota3A : vector<16xi32>
    %ge3A_512 = arith.constant 1 : i32
    %ge3A_513 = vector.broadcast %ge3A_512 : i32 to vector<16xi32>
    %ge3A_514 = arith.cmpi sge, %get3A_507, %ge3A_513 : vector<16xi32>
    %sub3A_515 = arith.constant 1 : i32
    %sub3A_516 = vector.broadcast %sub3A_515 : i32 to vector<16xi32>
    %sub3A_517 = arith.subi %get3A_507, %sub3A_516 : vector<16xi32>
    %jit3A_518 = arith.constant 0 : i32
    %broadcast_in_dim3A_519 = vector.broadcast %jit3A_518 : i32 to vector<16xi32>
    %select_n3A_520 = arith.select %ge3A_514, %sub3A_517, %broadcast_in_dim3A_519 : vector<16xi1>, vector<16xi32>
    %gather3A_521 = tpu.vector_load_idx %arg9[%select_n3A_520] : memref<256xf32, #tpu.memory_space<vmem>>[vector<16xi32>], vector<16xf32>,
    %gather3A_522 = tpu.vector_load_idx %arg10[%select_n3A_520] : memref<256xi32, #tpu.memory_space<vmem>>[vector<16xi32>], vector<16xi32>,
    %gt3A_523 = arith.cmpf ogt, %get3A_505, %gather3A_521 : vector<16xf32>
    %eq3A_524 = arith.cmpf oeq, %get3A_505, %gather3A_521 : vector<16xf32>
    %lt3A_525 = arith.cmpi slt, %add3A_511, %gather3A_522 : vector<16xi32>
    %and3A_526 = arith.andi %eq3A_524, %lt3A_525 : vector<16xi1>
    %or3A_527 = arith.ori %gt3A_523, %and3A_526 : vector<16xi1>
    %and3A_528 = arith.andi %ge3A_514, %or3A_527 : vector<16xi1>
    %while3A_529 = scf.while (%while3A_1210 = %and3A_528) : (vector<16xi1>) -> vector<16xi1> {
      %reduce_or3A = arith.constant 1.000000e+00 : f32
      %reduce_or3A_1211 = arith.constant 0.000000e+00 : f32
      %reduce_or3A_1212 = vector.broadcast %reduce_or3A : f32 to vector<16xf32>
      %reduce_or3A_1213 = vector.broadcast %reduce_or3A_1211 : f32 to vector<16xf32>
      %reduce_or3A_1214 = arith.select %while3A_1210, %reduce_or3A_1212, %reduce_or3A_1213 : vector<16xi1>, vector<16xf32>
      %reduce_or3A_1215 = arith.constant true
      %reduce_or3A_1216 = vector.broadcast %reduce_or3A_1215 : i1 to vector<16xi1>
      %reduce_or3A_1217 = tpu.scan <max>, %reduce_or3A_1214 masked %reduce_or3A_1216 : vector<16xf32>, vector<16xi1> -> vector<16xf32>
      %reduce_or3A_1218 = vector.extract %reduce_or3A_1217[15] : f32 from vector<16xf32>
      %reduce_or3A_1219 = arith.constant 0.000000e+00 : f32
      %reduce_or3A_1220 = arith.cmpf ogt, %reduce_or3A_1218, %reduce_or3A_1219 : f32
      scf.condition(%reduce_or3A_1220) %while3A_1210 : vector<16xi1>
    } do {
    ^bb0(%while3A_1210: vector<16xi1>):
      tpu.vector_store_idx %arg9[%select_n3A_520], %get3A_505 masked %while3A_1210 : memref<256xf32, #tpu.memory_space<vmem>>[vector<16xi32>], vector<16xf32>, vector<16xi1>
      tpu.vector_store_idx %arg10[%select_n3A_520], %add3A_511 masked %while3A_1210 : memref<256xi32, #tpu.memory_space<vmem>>[vector<16xi32>], vector<16xi32>, vector<16xi1>
      %gather3A_1211 = tpu.vector_load_idx %arg9[%select_n3A_520] : memref<256xf32, #tpu.memory_space<vmem>>[vector<16xi32>], vector<16xf32>,
      %gather3A_1212 = tpu.vector_load_idx %arg10[%select_n3A_520] : memref<256xi32, #tpu.memory_space<vmem>>[vector<16xi32>], vector<16xi32>,
      %gt3A_1213 = arith.cmpf ogt, %get3A_505, %gather3A_1211 : vector<16xf32>
      %eq3A_1214 = arith.cmpf oeq, %get3A_505, %gather3A_1211 : vector<16xf32>
      %lt3A_1215 = arith.cmpi slt, %add3A_511, %gather3A_1212 : vector<16xi32>
      %and3A_1216 = arith.andi %eq3A_1214, %lt3A_1215 : vector<16xi1>
      %or3A_1217 = arith.ori %gt3A_1213, %and3A_1216 : vector<16xi1>
      %and3A_1218 = arith.andi %ge3A_514, %or3A_1217 : vector<16xi1>
      scf.yield %and3A_1218 : vector<16xi1>
    }
    %get3A_530 = arith.constant 256 : index
    %get3A_531 = tpu.vector_load %arg7[%get3A_530] {strides = array<i32>} : memref<512xf32, #tpu.memory_space<vmem>>, vector<16xf32>,
    %get3A_532 = arith.constant 256 : index
    %get3A_533 = tpu.vector_load %arg8[%get3A_532] {strides = array<i32>} : memref<512xi32, #tpu.memory_space<vmem>>, vector<16xi32>,
    %add3A_534 = arith.constant 256 : i32
    %add3A_535 = arith.addi %mul3A_0, %add3A_534 : i32
    %add3A_536 = vector.broadcast %add3A_535 : i32 to vector<16xi32>
    %add3A_537 = arith.addi %add3A_536, %iota3A : vector<16xi32>
    %ge3A_538 = arith.constant 1 : i32
    %ge3A_539 = vector.broadcast %ge3A_538 : i32 to vector<16xi32>
    %ge3A_540 = arith.cmpi sge, %get3A_533, %ge3A_539 : vector<16xi32>
    %sub3A_541 = arith.constant 1 : i32
    %sub3A_542 = vector.broadcast %sub3A_541 : i32 to vector<16xi32>
    %sub3A_543 = arith.subi %get3A_533, %sub3A_542 : vector<16xi32>
    %jit3A_544 = arith.constant 0 : i32
    %broadcast_in_dim3A_545 = vector.broadcast %jit3A_544 : i32 to vector<16xi32>
    %select_n3A_546 = arith.select %ge3A_540, %sub3A_543, %broadcast_in_dim3A_545 : vector<16xi1>, vector<16xi32>
    %gather3A_547 = tpu.vector_load_idx %arg9[%select_n3A_546] : memref<256xf32, #tpu.memory_space<vmem>>[vector<16xi32>], vector<16xf32>,
    %gather3A_548 = tpu.vector_load_idx %arg10[%select_n3A_546] : memref<256xi32, #tpu.memory_space<vmem>>[vector<16xi32>], vector<16xi32>,
    %gt3A_549 = arith.cmpf ogt, %get3A_531, %gather3A_547 : vector<16xf32>
    %eq3A_550 = arith.cmpf oeq, %get3A_531, %gather3A_547 : vector<16xf32>
    %lt3A_551 = arith.cmpi slt, %add3A_537, %gather3A_548 : vector<16xi32>
    %and3A_552 = arith.andi %eq3A_550, %lt3A_551 : vector<16xi1>
    %or3A_553 = arith.ori %gt3A_549, %and3A_552 : vector<16xi1>
    %and3A_554 = arith.andi %ge3A_540, %or3A_553 : vector<16xi1>
    %while3A_555 = scf.while (%while3A_1210 = %and3A_554) : (vector<16xi1>) -> vector<16xi1> {
      %reduce_or3A = arith.constant 1.000000e+00 : f32
      %reduce_or3A_1211 = arith.constant 0.000000e+00 : f32
      %reduce_or3A_1212 = vector.broadcast %reduce_or3A : f32 to vector<16xf32>
      %reduce_or3A_1213 = vector.broadcast %reduce_or3A_1211 : f32 to vector<16xf32>
      %reduce_or3A_1214 = arith.select %while3A_1210, %reduce_or3A_1212, %reduce_or3A_1213 : vector<16xi1>, vector<16xf32>
      %reduce_or3A_1215 = arith.constant true
      %reduce_or3A_1216 = vector.broadcast %reduce_or3A_1215 : i1 to vector<16xi1>
      %reduce_or3A_1217 = tpu.scan <max>, %reduce_or3A_1214 masked %reduce_or3A_1216 : vector<16xf32>, vector<16xi1> -> vector<16xf32>
      %reduce_or3A_1218 = vector.extract %reduce_or3A_1217[15] : f32 from vector<16xf32>
      %reduce_or3A_1219 = arith.constant 0.000000e+00 : f32
      %reduce_or3A_1220 = arith.cmpf ogt, %reduce_or3A_1218, %reduce_or3A_1219 : f32
      scf.condition(%reduce_or3A_1220) %while3A_1210 : vector<16xi1>
    } do {
    ^bb0(%while3A_1210: vector<16xi1>):
      tpu.vector_store_idx %arg9[%select_n3A_546], %get3A_531 masked %while3A_1210 : memref<256xf32, #tpu.memory_space<vmem>>[vector<16xi32>], vector<16xf32>, vector<16xi1>
      tpu.vector_store_idx %arg10[%select_n3A_546], %add3A_537 masked %while3A_1210 : memref<256xi32, #tpu.memory_space<vmem>>[vector<16xi32>], vector<16xi32>, vector<16xi1>
      %gather3A_1211 = tpu.vector_load_idx %arg9[%select_n3A_546] : memref<256xf32, #tpu.memory_space<vmem>>[vector<16xi32>], vector<16xf32>,
      %gather3A_1212 = tpu.vector_load_idx %arg10[%select_n3A_546] : memref<256xi32, #tpu.memory_space<vmem>>[vector<16xi32>], vector<16xi32>,
      %gt3A_1213 = arith.cmpf ogt, %get3A_531, %gather3A_1211 : vector<16xf32>
      %eq3A_1214 = arith.cmpf oeq, %get3A_531, %gather3A_1211 : vector<16xf32>
      %lt3A_1215 = arith.cmpi slt, %add3A_537, %gather3A_1212 : vector<16xi32>
      %and3A_1216 = arith.andi %eq3A_1214, %lt3A_1215 : vector<16xi1>
      %or3A_1217 = arith.ori %gt3A_1213, %and3A_1216 : vector<16xi1>
      %and3A_1218 = arith.andi %ge3A_540, %or3A_1217 : vector<16xi1>
      scf.yield %and3A_1218 : vector<16xi1>
    }
    %get3A_556 = arith.constant 272 : index
    %get3A_557 = tpu.vector_load %arg7[%get3A_556] {strides = array<i32>} : memref<512xf32, #tpu.memory_space<vmem>>, vector<16xf32>,
    %get3A_558 = arith.constant 272 : index
    %get3A_559 = tpu.vector_load %arg8[%get3A_558] {strides = array<i32>} : memref<512xi32, #tpu.memory_space<vmem>>, vector<16xi32>,
    %add3A_560 = arith.constant 272 : i32
    %add3A_561 = arith.addi %mul3A_0, %add3A_560 : i32
    %add3A_562 = vector.broadcast %add3A_561 : i32 to vector<16xi32>
    %add3A_563 = arith.addi %add3A_562, %iota3A : vector<16xi32>
    %ge3A_564 = arith.constant 1 : i32
    %ge3A_565 = vector.broadcast %ge3A_564 : i32 to vector<16xi32>
    %ge3A_566 = arith.cmpi sge, %get3A_559, %ge3A_565 : vector<16xi32>
    %sub3A_567 = arith.constant 1 : i32
    %sub3A_568 = vector.broadcast %sub3A_567 : i32 to vector<16xi32>
    %sub3A_569 = arith.subi %get3A_559, %sub3A_568 : vector<16xi32>
    %jit3A_570 = arith.constant 0 : i32
    %broadcast_in_dim3A_571 = vector.broadcast %jit3A_570 : i32 to vector<16xi32>
    %select_n3A_572 = arith.select %ge3A_566, %sub3A_569, %broadcast_in_dim3A_571 : vector<16xi1>, vector<16xi32>
    %gather3A_573 = tpu.vector_load_idx %arg9[%select_n3A_572] : memref<256xf32, #tpu.memory_space<vmem>>[vector<16xi32>], vector<16xf32>,
    %gather3A_574 = tpu.vector_load_idx %arg10[%select_n3A_572] : memref<256xi32, #tpu.memory_space<vmem>>[vector<16xi32>], vector<16xi32>,
    %gt3A_575 = arith.cmpf ogt, %get3A_557, %gather3A_573 : vector<16xf32>
    %eq3A_576 = arith.cmpf oeq, %get3A_557, %gather3A_573 : vector<16xf32>
    %lt3A_577 = arith.cmpi slt, %add3A_563, %gather3A_574 : vector<16xi32>
    %and3A_578 = arith.andi %eq3A_576, %lt3A_577 : vector<16xi1>
    %or3A_579 = arith.ori %gt3A_575, %and3A_578 : vector<16xi1>
    %and3A_580 = arith.andi %ge3A_566, %or3A_579 : vector<16xi1>
    %while3A_581 = scf.while (%while3A_1210 = %and3A_580) : (vector<16xi1>) -> vector<16xi1> {
      %reduce_or3A = arith.constant 1.000000e+00 : f32
      %reduce_or3A_1211 = arith.constant 0.000000e+00 : f32
      %reduce_or3A_1212 = vector.broadcast %reduce_or3A : f32 to vector<16xf32>
      %reduce_or3A_1213 = vector.broadcast %reduce_or3A_1211 : f32 to vector<16xf32>
      %reduce_or3A_1214 = arith.select %while3A_1210, %reduce_or3A_1212, %reduce_or3A_1213 : vector<16xi1>, vector<16xf32>
      %reduce_or3A_1215 = arith.constant true
      %reduce_or3A_1216 = vector.broadcast %reduce_or3A_1215 : i1 to vector<16xi1>
      %reduce_or3A_1217 = tpu.scan <max>, %reduce_or3A_1214 masked %reduce_or3A_1216 : vector<16xf32>, vector<16xi1> -> vector<16xf32>
      %reduce_or3A_1218 = vector.extract %reduce_or3A_1217[15] : f32 from vector<16xf32>
      %reduce_or3A_1219 = arith.constant 0.000000e+00 : f32
      %reduce_or3A_1220 = arith.cmpf ogt, %reduce_or3A_1218, %reduce_or3A_1219 : f32
      scf.condition(%reduce_or3A_1220) %while3A_1210 : vector<16xi1>
    } do {
    ^bb0(%while3A_1210: vector<16xi1>):
      tpu.vector_store_idx %arg9[%select_n3A_572], %get3A_557 masked %while3A_1210 : memref<256xf32, #tpu.memory_space<vmem>>[vector<16xi32>], vector<16xf32>, vector<16xi1>
      tpu.vector_store_idx %arg10[%select_n3A_572], %add3A_563 masked %while3A_1210 : memref<256xi32, #tpu.memory_space<vmem>>[vector<16xi32>], vector<16xi32>, vector<16xi1>
      %gather3A_1211 = tpu.vector_load_idx %arg9[%select_n3A_572] : memref<256xf32, #tpu.memory_space<vmem>>[vector<16xi32>], vector<16xf32>,
      %gather3A_1212 = tpu.vector_load_idx %arg10[%select_n3A_572] : memref<256xi32, #tpu.memory_space<vmem>>[vector<16xi32>], vector<16xi32>,
      %gt3A_1213 = arith.cmpf ogt, %get3A_557, %gather3A_1211 : vector<16xf32>
      %eq3A_1214 = arith.cmpf oeq, %get3A_557, %gather3A_1211 : vector<16xf32>
      %lt3A_1215 = arith.cmpi slt, %add3A_563, %gather3A_1212 : vector<16xi32>
      %and3A_1216 = arith.andi %eq3A_1214, %lt3A_1215 : vector<16xi1>
      %or3A_1217 = arith.ori %gt3A_1213, %and3A_1216 : vector<16xi1>
      %and3A_1218 = arith.andi %ge3A_566, %or3A_1217 : vector<16xi1>
      scf.yield %and3A_1218 : vector<16xi1>
    }
    %get3A_582 = arith.constant 288 : index
    %get3A_583 = tpu.vector_load %arg7[%get3A_582] {strides = array<i32>} : memref<512xf32, #tpu.memory_space<vmem>>, vector<16xf32>,
    %get3A_584 = arith.constant 288 : index
    %get3A_585 = tpu.vector_load %arg8[%get3A_584] {strides = array<i32>} : memref<512xi32, #tpu.memory_space<vmem>>, vector<16xi32>,
    %add3A_586 = arith.constant 288 : i32
    %add3A_587 = arith.addi %mul3A_0, %add3A_586 : i32
    %add3A_588 = vector.broadcast %add3A_587 : i32 to vector<16xi32>
    %add3A_589 = arith.addi %add3A_588, %iota3A : vector<16xi32>
    %ge3A_590 = arith.constant 1 : i32
    %ge3A_591 = vector.broadcast %ge3A_590 : i32 to vector<16xi32>
    %ge3A_592 = arith.cmpi sge, %get3A_585, %ge3A_591 : vector<16xi32>
    %sub3A_593 = arith.constant 1 : i32
    %sub3A_594 = vector.broadcast %sub3A_593 : i32 to vector<16xi32>
    %sub3A_595 = arith.subi %get3A_585, %sub3A_594 : vector<16xi32>
    %jit3A_596 = arith.constant 0 : i32
    %broadcast_in_dim3A_597 = vector.broadcast %jit3A_596 : i32 to vector<16xi32>
    %select_n3A_598 = arith.select %ge3A_592, %sub3A_595, %broadcast_in_dim3A_597 : vector<16xi1>, vector<16xi32>
    %gather3A_599 = tpu.vector_load_idx %arg9[%select_n3A_598] : memref<256xf32, #tpu.memory_space<vmem>>[vector<16xi32>], vector<16xf32>,
    %gather3A_600 = tpu.vector_load_idx %arg10[%select_n3A_598] : memref<256xi32, #tpu.memory_space<vmem>>[vector<16xi32>], vector<16xi32>,
    %gt3A_601 = arith.cmpf ogt, %get3A_583, %gather3A_599 : vector<16xf32>
    %eq3A_602 = arith.cmpf oeq, %get3A_583, %gather3A_599 : vector<16xf32>
    %lt3A_603 = arith.cmpi slt, %add3A_589, %gather3A_600 : vector<16xi32>
    %and3A_604 = arith.andi %eq3A_602, %lt3A_603 : vector<16xi1>
    %or3A_605 = arith.ori %gt3A_601, %and3A_604 : vector<16xi1>
    %and3A_606 = arith.andi %ge3A_592, %or3A_605 : vector<16xi1>
    %while3A_607 = scf.while (%while3A_1210 = %and3A_606) : (vector<16xi1>) -> vector<16xi1> {
      %reduce_or3A = arith.constant 1.000000e+00 : f32
      %reduce_or3A_1211 = arith.constant 0.000000e+00 : f32
      %reduce_or3A_1212 = vector.broadcast %reduce_or3A : f32 to vector<16xf32>
      %reduce_or3A_1213 = vector.broadcast %reduce_or3A_1211 : f32 to vector<16xf32>
      %reduce_or3A_1214 = arith.select %while3A_1210, %reduce_or3A_1212, %reduce_or3A_1213 : vector<16xi1>, vector<16xf32>
      %reduce_or3A_1215 = arith.constant true
      %reduce_or3A_1216 = vector.broadcast %reduce_or3A_1215 : i1 to vector<16xi1>
      %reduce_or3A_1217 = tpu.scan <max>, %reduce_or3A_1214 masked %reduce_or3A_1216 : vector<16xf32>, vector<16xi1> -> vector<16xf32>
      %reduce_or3A_1218 = vector.extract %reduce_or3A_1217[15] : f32 from vector<16xf32>
      %reduce_or3A_1219 = arith.constant 0.000000e+00 : f32
      %reduce_or3A_1220 = arith.cmpf ogt, %reduce_or3A_1218, %reduce_or3A_1219 : f32
      scf.condition(%reduce_or3A_1220) %while3A_1210 : vector<16xi1>
    } do {
    ^bb0(%while3A_1210: vector<16xi1>):
      tpu.vector_store_idx %arg9[%select_n3A_598], %get3A_583 masked %while3A_1210 : memref<256xf32, #tpu.memory_space<vmem>>[vector<16xi32>], vector<16xf32>, vector<16xi1>
      tpu.vector_store_idx %arg10[%select_n3A_598], %add3A_589 masked %while3A_1210 : memref<256xi32, #tpu.memory_space<vmem>>[vector<16xi32>], vector<16xi32>, vector<16xi1>
      %gather3A_1211 = tpu.vector_load_idx %arg9[%select_n3A_598] : memref<256xf32, #tpu.memory_space<vmem>>[vector<16xi32>], vector<16xf32>,
      %gather3A_1212 = tpu.vector_load_idx %arg10[%select_n3A_598] : memref<256xi32, #tpu.memory_space<vmem>>[vector<16xi32>], vector<16xi32>,
      %gt3A_1213 = arith.cmpf ogt, %get3A_583, %gather3A_1211 : vector<16xf32>
      %eq3A_1214 = arith.cmpf oeq, %get3A_583, %gather3A_1211 : vector<16xf32>
      %lt3A_1215 = arith.cmpi slt, %add3A_589, %gather3A_1212 : vector<16xi32>
      %and3A_1216 = arith.andi %eq3A_1214, %lt3A_1215 : vector<16xi1>
      %or3A_1217 = arith.ori %gt3A_1213, %and3A_1216 : vector<16xi1>
      %and3A_1218 = arith.andi %ge3A_592, %or3A_1217 : vector<16xi1>
      scf.yield %and3A_1218 : vector<16xi1>
    }
    %get3A_608 = arith.constant 304 : index
    %get3A_609 = tpu.vector_load %arg7[%get3A_608] {strides = array<i32>} : memref<512xf32, #tpu.memory_space<vmem>>, vector<16xf32>,
    %get3A_610 = arith.constant 304 : index
    %get3A_611 = tpu.vector_load %arg8[%get3A_610] {strides = array<i32>} : memref<512xi32, #tpu.memory_space<vmem>>, vector<16xi32>,
    %add3A_612 = arith.constant 304 : i32
    %add3A_613 = arith.addi %mul3A_0, %add3A_612 : i32
    %add3A_614 = vector.broadcast %add3A_613 : i32 to vector<16xi32>
    %add3A_615 = arith.addi %add3A_614, %iota3A : vector<16xi32>
    %ge3A_616 = arith.constant 1 : i32
    %ge3A_617 = vector.broadcast %ge3A_616 : i32 to vector<16xi32>
    %ge3A_618 = arith.cmpi sge, %get3A_611, %ge3A_617 : vector<16xi32>
    %sub3A_619 = arith.constant 1 : i32
    %sub3A_620 = vector.broadcast %sub3A_619 : i32 to vector<16xi32>
    %sub3A_621 = arith.subi %get3A_611, %sub3A_620 : vector<16xi32>
    %jit3A_622 = arith.constant 0 : i32
    %broadcast_in_dim3A_623 = vector.broadcast %jit3A_622 : i32 to vector<16xi32>
    %select_n3A_624 = arith.select %ge3A_618, %sub3A_621, %broadcast_in_dim3A_623 : vector<16xi1>, vector<16xi32>
    %gather3A_625 = tpu.vector_load_idx %arg9[%select_n3A_624] : memref<256xf32, #tpu.memory_space<vmem>>[vector<16xi32>], vector<16xf32>,
    %gather3A_626 = tpu.vector_load_idx %arg10[%select_n3A_624] : memref<256xi32, #tpu.memory_space<vmem>>[vector<16xi32>], vector<16xi32>,
    %gt3A_627 = arith.cmpf ogt, %get3A_609, %gather3A_625 : vector<16xf32>
    %eq3A_628 = arith.cmpf oeq, %get3A_609, %gather3A_625 : vector<16xf32>
    %lt3A_629 = arith.cmpi slt, %add3A_615, %gather3A_626 : vector<16xi32>
    %and3A_630 = arith.andi %eq3A_628, %lt3A_629 : vector<16xi1>
    %or3A_631 = arith.ori %gt3A_627, %and3A_630 : vector<16xi1>
    %and3A_632 = arith.andi %ge3A_618, %or3A_631 : vector<16xi1>
    %while3A_633 = scf.while (%while3A_1210 = %and3A_632) : (vector<16xi1>) -> vector<16xi1> {
      %reduce_or3A = arith.constant 1.000000e+00 : f32
      %reduce_or3A_1211 = arith.constant 0.000000e+00 : f32
      %reduce_or3A_1212 = vector.broadcast %reduce_or3A : f32 to vector<16xf32>
      %reduce_or3A_1213 = vector.broadcast %reduce_or3A_1211 : f32 to vector<16xf32>
      %reduce_or3A_1214 = arith.select %while3A_1210, %reduce_or3A_1212, %reduce_or3A_1213 : vector<16xi1>, vector<16xf32>
      %reduce_or3A_1215 = arith.constant true
      %reduce_or3A_1216 = vector.broadcast %reduce_or3A_1215 : i1 to vector<16xi1>
      %reduce_or3A_1217 = tpu.scan <max>, %reduce_or3A_1214 masked %reduce_or3A_1216 : vector<16xf32>, vector<16xi1> -> vector<16xf32>
      %reduce_or3A_1218 = vector.extract %reduce_or3A_1217[15] : f32 from vector<16xf32>
      %reduce_or3A_1219 = arith.constant 0.000000e+00 : f32
      %reduce_or3A_1220 = arith.cmpf ogt, %reduce_or3A_1218, %reduce_or3A_1219 : f32
      scf.condition(%reduce_or3A_1220) %while3A_1210 : vector<16xi1>
    } do {
    ^bb0(%while3A_1210: vector<16xi1>):
      tpu.vector_store_idx %arg9[%select_n3A_624], %get3A_609 masked %while3A_1210 : memref<256xf32, #tpu.memory_space<vmem>>[vector<16xi32>], vector<16xf32>, vector<16xi1>
      tpu.vector_store_idx %arg10[%select_n3A_624], %add3A_615 masked %while3A_1210 : memref<256xi32, #tpu.memory_space<vmem>>[vector<16xi32>], vector<16xi32>, vector<16xi1>
      %gather3A_1211 = tpu.vector_load_idx %arg9[%select_n3A_624] : memref<256xf32, #tpu.memory_space<vmem>>[vector<16xi32>], vector<16xf32>,
      %gather3A_1212 = tpu.vector_load_idx %arg10[%select_n3A_624] : memref<256xi32, #tpu.memory_space<vmem>>[vector<16xi32>], vector<16xi32>,
      %gt3A_1213 = arith.cmpf ogt, %get3A_609, %gather3A_1211 : vector<16xf32>
      %eq3A_1214 = arith.cmpf oeq, %get3A_609, %gather3A_1211 : vector<16xf32>
      %lt3A_1215 = arith.cmpi slt, %add3A_615, %gather3A_1212 : vector<16xi32>
      %and3A_1216 = arith.andi %eq3A_1214, %lt3A_1215 : vector<16xi1>
      %or3A_1217 = arith.ori %gt3A_1213, %and3A_1216 : vector<16xi1>
      %and3A_1218 = arith.andi %ge3A_618, %or3A_1217 : vector<16xi1>
      scf.yield %and3A_1218 : vector<16xi1>
    }
    %get3A_634 = arith.constant 320 : index
    %get3A_635 = tpu.vector_load %arg7[%get3A_634] {strides = array<i32>} : memref<512xf32, #tpu.memory_space<vmem>>, vector<16xf32>,
    %get3A_636 = arith.constant 320 : index
    %get3A_637 = tpu.vector_load %arg8[%get3A_636] {strides = array<i32>} : memref<512xi32, #tpu.memory_space<vmem>>, vector<16xi32>,
    %add3A_638 = arith.constant 320 : i32
    %add3A_639 = arith.addi %mul3A_0, %add3A_638 : i32
    %add3A_640 = vector.broadcast %add3A_639 : i32 to vector<16xi32>
    %add3A_641 = arith.addi %add3A_640, %iota3A : vector<16xi32>
    %ge3A_642 = arith.constant 1 : i32
    %ge3A_643 = vector.broadcast %ge3A_642 : i32 to vector<16xi32>
    %ge3A_644 = arith.cmpi sge, %get3A_637, %ge3A_643 : vector<16xi32>
    %sub3A_645 = arith.constant 1 : i32
    %sub3A_646 = vector.broadcast %sub3A_645 : i32 to vector<16xi32>
    %sub3A_647 = arith.subi %get3A_637, %sub3A_646 : vector<16xi32>
    %jit3A_648 = arith.constant 0 : i32
    %broadcast_in_dim3A_649 = vector.broadcast %jit3A_648 : i32 to vector<16xi32>
    %select_n3A_650 = arith.select %ge3A_644, %sub3A_647, %broadcast_in_dim3A_649 : vector<16xi1>, vector<16xi32>
    %gather3A_651 = tpu.vector_load_idx %arg9[%select_n3A_650] : memref<256xf32, #tpu.memory_space<vmem>>[vector<16xi32>], vector<16xf32>,
    %gather3A_652 = tpu.vector_load_idx %arg10[%select_n3A_650] : memref<256xi32, #tpu.memory_space<vmem>>[vector<16xi32>], vector<16xi32>,
    %gt3A_653 = arith.cmpf ogt, %get3A_635, %gather3A_651 : vector<16xf32>
    %eq3A_654 = arith.cmpf oeq, %get3A_635, %gather3A_651 : vector<16xf32>
    %lt3A_655 = arith.cmpi slt, %add3A_641, %gather3A_652 : vector<16xi32>
    %and3A_656 = arith.andi %eq3A_654, %lt3A_655 : vector<16xi1>
    %or3A_657 = arith.ori %gt3A_653, %and3A_656 : vector<16xi1>
    %and3A_658 = arith.andi %ge3A_644, %or3A_657 : vector<16xi1>
    %while3A_659 = scf.while (%while3A_1210 = %and3A_658) : (vector<16xi1>) -> vector<16xi1> {
      %reduce_or3A = arith.constant 1.000000e+00 : f32
      %reduce_or3A_1211 = arith.constant 0.000000e+00 : f32
      %reduce_or3A_1212 = vector.broadcast %reduce_or3A : f32 to vector<16xf32>
      %reduce_or3A_1213 = vector.broadcast %reduce_or3A_1211 : f32 to vector<16xf32>
      %reduce_or3A_1214 = arith.select %while3A_1210, %reduce_or3A_1212, %reduce_or3A_1213 : vector<16xi1>, vector<16xf32>
      %reduce_or3A_1215 = arith.constant true
      %reduce_or3A_1216 = vector.broadcast %reduce_or3A_1215 : i1 to vector<16xi1>
      %reduce_or3A_1217 = tpu.scan <max>, %reduce_or3A_1214 masked %reduce_or3A_1216 : vector<16xf32>, vector<16xi1> -> vector<16xf32>
      %reduce_or3A_1218 = vector.extract %reduce_or3A_1217[15] : f32 from vector<16xf32>
      %reduce_or3A_1219 = arith.constant 0.000000e+00 : f32
      %reduce_or3A_1220 = arith.cmpf ogt, %reduce_or3A_1218, %reduce_or3A_1219 : f32
      scf.condition(%reduce_or3A_1220) %while3A_1210 : vector<16xi1>
    } do {
    ^bb0(%while3A_1210: vector<16xi1>):
      tpu.vector_store_idx %arg9[%select_n3A_650], %get3A_635 masked %while3A_1210 : memref<256xf32, #tpu.memory_space<vmem>>[vector<16xi32>], vector<16xf32>, vector<16xi1>
      tpu.vector_store_idx %arg10[%select_n3A_650], %add3A_641 masked %while3A_1210 : memref<256xi32, #tpu.memory_space<vmem>>[vector<16xi32>], vector<16xi32>, vector<16xi1>
      %gather3A_1211 = tpu.vector_load_idx %arg9[%select_n3A_650] : memref<256xf32, #tpu.memory_space<vmem>>[vector<16xi32>], vector<16xf32>,
      %gather3A_1212 = tpu.vector_load_idx %arg10[%select_n3A_650] : memref<256xi32, #tpu.memory_space<vmem>>[vector<16xi32>], vector<16xi32>,
      %gt3A_1213 = arith.cmpf ogt, %get3A_635, %gather3A_1211 : vector<16xf32>
      %eq3A_1214 = arith.cmpf oeq, %get3A_635, %gather3A_1211 : vector<16xf32>
      %lt3A_1215 = arith.cmpi slt, %add3A_641, %gather3A_1212 : vector<16xi32>
      %and3A_1216 = arith.andi %eq3A_1214, %lt3A_1215 : vector<16xi1>
      %or3A_1217 = arith.ori %gt3A_1213, %and3A_1216 : vector<16xi1>
      %and3A_1218 = arith.andi %ge3A_644, %or3A_1217 : vector<16xi1>
      scf.yield %and3A_1218 : vector<16xi1>
    }
    %get3A_660 = arith.constant 336 : index
    %get3A_661 = tpu.vector_load %arg7[%get3A_660] {strides = array<i32>} : memref<512xf32, #tpu.memory_space<vmem>>, vector<16xf32>,
    %get3A_662 = arith.constant 336 : index
    %get3A_663 = tpu.vector_load %arg8[%get3A_662] {strides = array<i32>} : memref<512xi32, #tpu.memory_space<vmem>>, vector<16xi32>,
    %add3A_664 = arith.constant 336 : i32
    %add3A_665 = arith.addi %mul3A_0, %add3A_664 : i32
    %add3A_666 = vector.broadcast %add3A_665 : i32 to vector<16xi32>
    %add3A_667 = arith.addi %add3A_666, %iota3A : vector<16xi32>
    %ge3A_668 = arith.constant 1 : i32
    %ge3A_669 = vector.broadcast %ge3A_668 : i32 to vector<16xi32>
    %ge3A_670 = arith.cmpi sge, %get3A_663, %ge3A_669 : vector<16xi32>
    %sub3A_671 = arith.constant 1 : i32
    %sub3A_672 = vector.broadcast %sub3A_671 : i32 to vector<16xi32>
    %sub3A_673 = arith.subi %get3A_663, %sub3A_672 : vector<16xi32>
    %jit3A_674 = arith.constant 0 : i32
    %broadcast_in_dim3A_675 = vector.broadcast %jit3A_674 : i32 to vector<16xi32>
    %select_n3A_676 = arith.select %ge3A_670, %sub3A_673, %broadcast_in_dim3A_675 : vector<16xi1>, vector<16xi32>
    %gather3A_677 = tpu.vector_load_idx %arg9[%select_n3A_676] : memref<256xf32, #tpu.memory_space<vmem>>[vector<16xi32>], vector<16xf32>,
    %gather3A_678 = tpu.vector_load_idx %arg10[%select_n3A_676] : memref<256xi32, #tpu.memory_space<vmem>>[vector<16xi32>], vector<16xi32>,
    %gt3A_679 = arith.cmpf ogt, %get3A_661, %gather3A_677 : vector<16xf32>
    %eq3A_680 = arith.cmpf oeq, %get3A_661, %gather3A_677 : vector<16xf32>
    %lt3A_681 = arith.cmpi slt, %add3A_667, %gather3A_678 : vector<16xi32>
    %and3A_682 = arith.andi %eq3A_680, %lt3A_681 : vector<16xi1>
    %or3A_683 = arith.ori %gt3A_679, %and3A_682 : vector<16xi1>
    %and3A_684 = arith.andi %ge3A_670, %or3A_683 : vector<16xi1>
    %while3A_685 = scf.while (%while3A_1210 = %and3A_684) : (vector<16xi1>) -> vector<16xi1> {
      %reduce_or3A = arith.constant 1.000000e+00 : f32
      %reduce_or3A_1211 = arith.constant 0.000000e+00 : f32
      %reduce_or3A_1212 = vector.broadcast %reduce_or3A : f32 to vector<16xf32>
      %reduce_or3A_1213 = vector.broadcast %reduce_or3A_1211 : f32 to vector<16xf32>
      %reduce_or3A_1214 = arith.select %while3A_1210, %reduce_or3A_1212, %reduce_or3A_1213 : vector<16xi1>, vector<16xf32>
      %reduce_or3A_1215 = arith.constant true
      %reduce_or3A_1216 = vector.broadcast %reduce_or3A_1215 : i1 to vector<16xi1>
      %reduce_or3A_1217 = tpu.scan <max>, %reduce_or3A_1214 masked %reduce_or3A_1216 : vector<16xf32>, vector<16xi1> -> vector<16xf32>
      %reduce_or3A_1218 = vector.extract %reduce_or3A_1217[15] : f32 from vector<16xf32>
      %reduce_or3A_1219 = arith.constant 0.000000e+00 : f32
      %reduce_or3A_1220 = arith.cmpf ogt, %reduce_or3A_1218, %reduce_or3A_1219 : f32
      scf.condition(%reduce_or3A_1220) %while3A_1210 : vector<16xi1>
    } do {
    ^bb0(%while3A_1210: vector<16xi1>):
      tpu.vector_store_idx %arg9[%select_n3A_676], %get3A_661 masked %while3A_1210 : memref<256xf32, #tpu.memory_space<vmem>>[vector<16xi32>], vector<16xf32>, vector<16xi1>
      tpu.vector_store_idx %arg10[%select_n3A_676], %add3A_667 masked %while3A_1210 : memref<256xi32, #tpu.memory_space<vmem>>[vector<16xi32>], vector<16xi32>, vector<16xi1>
      %gather3A_1211 = tpu.vector_load_idx %arg9[%select_n3A_676] : memref<256xf32, #tpu.memory_space<vmem>>[vector<16xi32>], vector<16xf32>,
      %gather3A_1212 = tpu.vector_load_idx %arg10[%select_n3A_676] : memref<256xi32, #tpu.memory_space<vmem>>[vector<16xi32>], vector<16xi32>,
      %gt3A_1213 = arith.cmpf ogt, %get3A_661, %gather3A_1211 : vector<16xf32>
      %eq3A_1214 = arith.cmpf oeq, %get3A_661, %gather3A_1211 : vector<16xf32>
      %lt3A_1215 = arith.cmpi slt, %add3A_667, %gather3A_1212 : vector<16xi32>
      %and3A_1216 = arith.andi %eq3A_1214, %lt3A_1215 : vector<16xi1>
      %or3A_1217 = arith.ori %gt3A_1213, %and3A_1216 : vector<16xi1>
      %and3A_1218 = arith.andi %ge3A_670, %or3A_1217 : vector<16xi1>
      scf.yield %and3A_1218 : vector<16xi1>
    }
    %get3A_686 = arith.constant 352 : index
    %get3A_687 = tpu.vector_load %arg7[%get3A_686] {strides = array<i32>} : memref<512xf32, #tpu.memory_space<vmem>>, vector<16xf32>,
    %get3A_688 = arith.constant 352 : index
    %get3A_689 = tpu.vector_load %arg8[%get3A_688] {strides = array<i32>} : memref<512xi32, #tpu.memory_space<vmem>>, vector<16xi32>,
    %add3A_690 = arith.constant 352 : i32
    %add3A_691 = arith.addi %mul3A_0, %add3A_690 : i32
    %add3A_692 = vector.broadcast %add3A_691 : i32 to vector<16xi32>
    %add3A_693 = arith.addi %add3A_692, %iota3A : vector<16xi32>
    %ge3A_694 = arith.constant 1 : i32
    %ge3A_695 = vector.broadcast %ge3A_694 : i32 to vector<16xi32>
    %ge3A_696 = arith.cmpi sge, %get3A_689, %ge3A_695 : vector<16xi32>
    %sub3A_697 = arith.constant 1 : i32
    %sub3A_698 = vector.broadcast %sub3A_697 : i32 to vector<16xi32>
    %sub3A_699 = arith.subi %get3A_689, %sub3A_698 : vector<16xi32>
    %jit3A_700 = arith.constant 0 : i32
    %broadcast_in_dim3A_701 = vector.broadcast %jit3A_700 : i32 to vector<16xi32>
    %select_n3A_702 = arith.select %ge3A_696, %sub3A_699, %broadcast_in_dim3A_701 : vector<16xi1>, vector<16xi32>
    %gather3A_703 = tpu.vector_load_idx %arg9[%select_n3A_702] : memref<256xf32, #tpu.memory_space<vmem>>[vector<16xi32>], vector<16xf32>,
    %gather3A_704 = tpu.vector_load_idx %arg10[%select_n3A_702] : memref<256xi32, #tpu.memory_space<vmem>>[vector<16xi32>], vector<16xi32>,
    %gt3A_705 = arith.cmpf ogt, %get3A_687, %gather3A_703 : vector<16xf32>
    %eq3A_706 = arith.cmpf oeq, %get3A_687, %gather3A_703 : vector<16xf32>
    %lt3A_707 = arith.cmpi slt, %add3A_693, %gather3A_704 : vector<16xi32>
    %and3A_708 = arith.andi %eq3A_706, %lt3A_707 : vector<16xi1>
    %or3A_709 = arith.ori %gt3A_705, %and3A_708 : vector<16xi1>
    %and3A_710 = arith.andi %ge3A_696, %or3A_709 : vector<16xi1>
    %while3A_711 = scf.while (%while3A_1210 = %and3A_710) : (vector<16xi1>) -> vector<16xi1> {
      %reduce_or3A = arith.constant 1.000000e+00 : f32
      %reduce_or3A_1211 = arith.constant 0.000000e+00 : f32
      %reduce_or3A_1212 = vector.broadcast %reduce_or3A : f32 to vector<16xf32>
      %reduce_or3A_1213 = vector.broadcast %reduce_or3A_1211 : f32 to vector<16xf32>
      %reduce_or3A_1214 = arith.select %while3A_1210, %reduce_or3A_1212, %reduce_or3A_1213 : vector<16xi1>, vector<16xf32>
      %reduce_or3A_1215 = arith.constant true
      %reduce_or3A_1216 = vector.broadcast %reduce_or3A_1215 : i1 to vector<16xi1>
      %reduce_or3A_1217 = tpu.scan <max>, %reduce_or3A_1214 masked %reduce_or3A_1216 : vector<16xf32>, vector<16xi1> -> vector<16xf32>
      %reduce_or3A_1218 = vector.extract %reduce_or3A_1217[15] : f32 from vector<16xf32>
      %reduce_or3A_1219 = arith.constant 0.000000e+00 : f32
      %reduce_or3A_1220 = arith.cmpf ogt, %reduce_or3A_1218, %reduce_or3A_1219 : f32
      scf.condition(%reduce_or3A_1220) %while3A_1210 : vector<16xi1>
    } do {
    ^bb0(%while3A_1210: vector<16xi1>):
      tpu.vector_store_idx %arg9[%select_n3A_702], %get3A_687 masked %while3A_1210 : memref<256xf32, #tpu.memory_space<vmem>>[vector<16xi32>], vector<16xf32>, vector<16xi1>
      tpu.vector_store_idx %arg10[%select_n3A_702], %add3A_693 masked %while3A_1210 : memref<256xi32, #tpu.memory_space<vmem>>[vector<16xi32>], vector<16xi32>, vector<16xi1>
      %gather3A_1211 = tpu.vector_load_idx %arg9[%select_n3A_702] : memref<256xf32, #tpu.memory_space<vmem>>[vector<16xi32>], vector<16xf32>,
      %gather3A_1212 = tpu.vector_load_idx %arg10[%select_n3A_702] : memref<256xi32, #tpu.memory_space<vmem>>[vector<16xi32>], vector<16xi32>,
      %gt3A_1213 = arith.cmpf ogt, %get3A_687, %gather3A_1211 : vector<16xf32>
      %eq3A_1214 = arith.cmpf oeq, %get3A_687, %gather3A_1211 : vector<16xf32>
      %lt3A_1215 = arith.cmpi slt, %add3A_693, %gather3A_1212 : vector<16xi32>
      %and3A_1216 = arith.andi %eq3A_1214, %lt3A_1215 : vector<16xi1>
      %or3A_1217 = arith.ori %gt3A_1213, %and3A_1216 : vector<16xi1>
      %and3A_1218 = arith.andi %ge3A_696, %or3A_1217 : vector<16xi1>
      scf.yield %and3A_1218 : vector<16xi1>
    }
    %get3A_712 = arith.constant 368 : index
    %get3A_713 = tpu.vector_load %arg7[%get3A_712] {strides = array<i32>} : memref<512xf32, #tpu.memory_space<vmem>>, vector<16xf32>,
    %get3A_714 = arith.constant 368 : index
    %get3A_715 = tpu.vector_load %arg8[%get3A_714] {strides = array<i32>} : memref<512xi32, #tpu.memory_space<vmem>>, vector<16xi32>,
    %add3A_716 = arith.constant 368 : i32
    %add3A_717 = arith.addi %mul3A_0, %add3A_716 : i32
    %add3A_718 = vector.broadcast %add3A_717 : i32 to vector<16xi32>
    %add3A_719 = arith.addi %add3A_718, %iota3A : vector<16xi32>
    %ge3A_720 = arith.constant 1 : i32
    %ge3A_721 = vector.broadcast %ge3A_720 : i32 to vector<16xi32>
    %ge3A_722 = arith.cmpi sge, %get3A_715, %ge3A_721 : vector<16xi32>
    %sub3A_723 = arith.constant 1 : i32
    %sub3A_724 = vector.broadcast %sub3A_723 : i32 to vector<16xi32>
    %sub3A_725 = arith.subi %get3A_715, %sub3A_724 : vector<16xi32>
    %jit3A_726 = arith.constant 0 : i32
    %broadcast_in_dim3A_727 = vector.broadcast %jit3A_726 : i32 to vector<16xi32>
    %select_n3A_728 = arith.select %ge3A_722, %sub3A_725, %broadcast_in_dim3A_727 : vector<16xi1>, vector<16xi32>
    %gather3A_729 = tpu.vector_load_idx %arg9[%select_n3A_728] : memref<256xf32, #tpu.memory_space<vmem>>[vector<16xi32>], vector<16xf32>,
    %gather3A_730 = tpu.vector_load_idx %arg10[%select_n3A_728] : memref<256xi32, #tpu.memory_space<vmem>>[vector<16xi32>], vector<16xi32>,
    %gt3A_731 = arith.cmpf ogt, %get3A_713, %gather3A_729 : vector<16xf32>
    %eq3A_732 = arith.cmpf oeq, %get3A_713, %gather3A_729 : vector<16xf32>
    %lt3A_733 = arith.cmpi slt, %add3A_719, %gather3A_730 : vector<16xi32>
    %and3A_734 = arith.andi %eq3A_732, %lt3A_733 : vector<16xi1>
    %or3A_735 = arith.ori %gt3A_731, %and3A_734 : vector<16xi1>
    %and3A_736 = arith.andi %ge3A_722, %or3A_735 : vector<16xi1>
    %while3A_737 = scf.while (%while3A_1210 = %and3A_736) : (vector<16xi1>) -> vector<16xi1> {
      %reduce_or3A = arith.constant 1.000000e+00 : f32
      %reduce_or3A_1211 = arith.constant 0.000000e+00 : f32
      %reduce_or3A_1212 = vector.broadcast %reduce_or3A : f32 to vector<16xf32>
      %reduce_or3A_1213 = vector.broadcast %reduce_or3A_1211 : f32 to vector<16xf32>
      %reduce_or3A_1214 = arith.select %while3A_1210, %reduce_or3A_1212, %reduce_or3A_1213 : vector<16xi1>, vector<16xf32>
      %reduce_or3A_1215 = arith.constant true
      %reduce_or3A_1216 = vector.broadcast %reduce_or3A_1215 : i1 to vector<16xi1>
      %reduce_or3A_1217 = tpu.scan <max>, %reduce_or3A_1214 masked %reduce_or3A_1216 : vector<16xf32>, vector<16xi1> -> vector<16xf32>
      %reduce_or3A_1218 = vector.extract %reduce_or3A_1217[15] : f32 from vector<16xf32>
      %reduce_or3A_1219 = arith.constant 0.000000e+00 : f32
      %reduce_or3A_1220 = arith.cmpf ogt, %reduce_or3A_1218, %reduce_or3A_1219 : f32
      scf.condition(%reduce_or3A_1220) %while3A_1210 : vector<16xi1>
    } do {
    ^bb0(%while3A_1210: vector<16xi1>):
      tpu.vector_store_idx %arg9[%select_n3A_728], %get3A_713 masked %while3A_1210 : memref<256xf32, #tpu.memory_space<vmem>>[vector<16xi32>], vector<16xf32>, vector<16xi1>
      tpu.vector_store_idx %arg10[%select_n3A_728], %add3A_719 masked %while3A_1210 : memref<256xi32, #tpu.memory_space<vmem>>[vector<16xi32>], vector<16xi32>, vector<16xi1>
      %gather3A_1211 = tpu.vector_load_idx %arg9[%select_n3A_728] : memref<256xf32, #tpu.memory_space<vmem>>[vector<16xi32>], vector<16xf32>,
      %gather3A_1212 = tpu.vector_load_idx %arg10[%select_n3A_728] : memref<256xi32, #tpu.memory_space<vmem>>[vector<16xi32>], vector<16xi32>,
      %gt3A_1213 = arith.cmpf ogt, %get3A_713, %gather3A_1211 : vector<16xf32>
      %eq3A_1214 = arith.cmpf oeq, %get3A_713, %gather3A_1211 : vector<16xf32>
      %lt3A_1215 = arith.cmpi slt, %add3A_719, %gather3A_1212 : vector<16xi32>
      %and3A_1216 = arith.andi %eq3A_1214, %lt3A_1215 : vector<16xi1>
      %or3A_1217 = arith.ori %gt3A_1213, %and3A_1216 : vector<16xi1>
      %and3A_1218 = arith.andi %ge3A_722, %or3A_1217 : vector<16xi1>
      scf.yield %and3A_1218 : vector<16xi1>
    }
    %get3A_738 = arith.constant 384 : index
    %get3A_739 = tpu.vector_load %arg7[%get3A_738] {strides = array<i32>} : memref<512xf32, #tpu.memory_space<vmem>>, vector<16xf32>,
    %get3A_740 = arith.constant 384 : index
    %get3A_741 = tpu.vector_load %arg8[%get3A_740] {strides = array<i32>} : memref<512xi32, #tpu.memory_space<vmem>>, vector<16xi32>,
    %add3A_742 = arith.constant 384 : i32
    %add3A_743 = arith.addi %mul3A_0, %add3A_742 : i32
    %add3A_744 = vector.broadcast %add3A_743 : i32 to vector<16xi32>
    %add3A_745 = arith.addi %add3A_744, %iota3A : vector<16xi32>
    %ge3A_746 = arith.constant 1 : i32
    %ge3A_747 = vector.broadcast %ge3A_746 : i32 to vector<16xi32>
    %ge3A_748 = arith.cmpi sge, %get3A_741, %ge3A_747 : vector<16xi32>
    %sub3A_749 = arith.constant 1 : i32
    %sub3A_750 = vector.broadcast %sub3A_749 : i32 to vector<16xi32>
    %sub3A_751 = arith.subi %get3A_741, %sub3A_750 : vector<16xi32>
    %jit3A_752 = arith.constant 0 : i32
    %broadcast_in_dim3A_753 = vector.broadcast %jit3A_752 : i32 to vector<16xi32>
    %select_n3A_754 = arith.select %ge3A_748, %sub3A_751, %broadcast_in_dim3A_753 : vector<16xi1>, vector<16xi32>
    %gather3A_755 = tpu.vector_load_idx %arg9[%select_n3A_754] : memref<256xf32, #tpu.memory_space<vmem>>[vector<16xi32>], vector<16xf32>,
    %gather3A_756 = tpu.vector_load_idx %arg10[%select_n3A_754] : memref<256xi32, #tpu.memory_space<vmem>>[vector<16xi32>], vector<16xi32>,
    %gt3A_757 = arith.cmpf ogt, %get3A_739, %gather3A_755 : vector<16xf32>
    %eq3A_758 = arith.cmpf oeq, %get3A_739, %gather3A_755 : vector<16xf32>
    %lt3A_759 = arith.cmpi slt, %add3A_745, %gather3A_756 : vector<16xi32>
    %and3A_760 = arith.andi %eq3A_758, %lt3A_759 : vector<16xi1>
    %or3A_761 = arith.ori %gt3A_757, %and3A_760 : vector<16xi1>
    %and3A_762 = arith.andi %ge3A_748, %or3A_761 : vector<16xi1>
    %while3A_763 = scf.while (%while3A_1210 = %and3A_762) : (vector<16xi1>) -> vector<16xi1> {
      %reduce_or3A = arith.constant 1.000000e+00 : f32
      %reduce_or3A_1211 = arith.constant 0.000000e+00 : f32
      %reduce_or3A_1212 = vector.broadcast %reduce_or3A : f32 to vector<16xf32>
      %reduce_or3A_1213 = vector.broadcast %reduce_or3A_1211 : f32 to vector<16xf32>
      %reduce_or3A_1214 = arith.select %while3A_1210, %reduce_or3A_1212, %reduce_or3A_1213 : vector<16xi1>, vector<16xf32>
      %reduce_or3A_1215 = arith.constant true
      %reduce_or3A_1216 = vector.broadcast %reduce_or3A_1215 : i1 to vector<16xi1>
      %reduce_or3A_1217 = tpu.scan <max>, %reduce_or3A_1214 masked %reduce_or3A_1216 : vector<16xf32>, vector<16xi1> -> vector<16xf32>
      %reduce_or3A_1218 = vector.extract %reduce_or3A_1217[15] : f32 from vector<16xf32>
      %reduce_or3A_1219 = arith.constant 0.000000e+00 : f32
      %reduce_or3A_1220 = arith.cmpf ogt, %reduce_or3A_1218, %reduce_or3A_1219 : f32
      scf.condition(%reduce_or3A_1220) %while3A_1210 : vector<16xi1>
    } do {
    ^bb0(%while3A_1210: vector<16xi1>):
      tpu.vector_store_idx %arg9[%select_n3A_754], %get3A_739 masked %while3A_1210 : memref<256xf32, #tpu.memory_space<vmem>>[vector<16xi32>], vector<16xf32>, vector<16xi1>
      tpu.vector_store_idx %arg10[%select_n3A_754], %add3A_745 masked %while3A_1210 : memref<256xi32, #tpu.memory_space<vmem>>[vector<16xi32>], vector<16xi32>, vector<16xi1>
      %gather3A_1211 = tpu.vector_load_idx %arg9[%select_n3A_754] : memref<256xf32, #tpu.memory_space<vmem>>[vector<16xi32>], vector<16xf32>,
      %gather3A_1212 = tpu.vector_load_idx %arg10[%select_n3A_754] : memref<256xi32, #tpu.memory_space<vmem>>[vector<16xi32>], vector<16xi32>,
      %gt3A_1213 = arith.cmpf ogt, %get3A_739, %gather3A_1211 : vector<16xf32>
      %eq3A_1214 = arith.cmpf oeq, %get3A_739, %gather3A_1211 : vector<16xf32>
      %lt3A_1215 = arith.cmpi slt, %add3A_745, %gather3A_1212 : vector<16xi32>
      %and3A_1216 = arith.andi %eq3A_1214, %lt3A_1215 : vector<16xi1>
      %or3A_1217 = arith.ori %gt3A_1213, %and3A_1216 : vector<16xi1>
      %and3A_1218 = arith.andi %ge3A_748, %or3A_1217 : vector<16xi1>
      scf.yield %and3A_1218 : vector<16xi1>
    }
    %get3A_764 = arith.constant 400 : index
    %get3A_765 = tpu.vector_load %arg7[%get3A_764] {strides = array<i32>} : memref<512xf32, #tpu.memory_space<vmem>>, vector<16xf32>,
    %get3A_766 = arith.constant 400 : index
    %get3A_767 = tpu.vector_load %arg8[%get3A_766] {strides = array<i32>} : memref<512xi32, #tpu.memory_space<vmem>>, vector<16xi32>,
    %add3A_768 = arith.constant 400 : i32
    %add3A_769 = arith.addi %mul3A_0, %add3A_768 : i32
    %add3A_770 = vector.broadcast %add3A_769 : i32 to vector<16xi32>
    %add3A_771 = arith.addi %add3A_770, %iota3A : vector<16xi32>
    %ge3A_772 = arith.constant 1 : i32
    %ge3A_773 = vector.broadcast %ge3A_772 : i32 to vector<16xi32>
    %ge3A_774 = arith.cmpi sge, %get3A_767, %ge3A_773 : vector<16xi32>
    %sub3A_775 = arith.constant 1 : i32
    %sub3A_776 = vector.broadcast %sub3A_775 : i32 to vector<16xi32>
    %sub3A_777 = arith.subi %get3A_767, %sub3A_776 : vector<16xi32>
    %jit3A_778 = arith.constant 0 : i32
    %broadcast_in_dim3A_779 = vector.broadcast %jit3A_778 : i32 to vector<16xi32>
    %select_n3A_780 = arith.select %ge3A_774, %sub3A_777, %broadcast_in_dim3A_779 : vector<16xi1>, vector<16xi32>
    %gather3A_781 = tpu.vector_load_idx %arg9[%select_n3A_780] : memref<256xf32, #tpu.memory_space<vmem>>[vector<16xi32>], vector<16xf32>,
    %gather3A_782 = tpu.vector_load_idx %arg10[%select_n3A_780] : memref<256xi32, #tpu.memory_space<vmem>>[vector<16xi32>], vector<16xi32>,
    %gt3A_783 = arith.cmpf ogt, %get3A_765, %gather3A_781 : vector<16xf32>
    %eq3A_784 = arith.cmpf oeq, %get3A_765, %gather3A_781 : vector<16xf32>
    %lt3A_785 = arith.cmpi slt, %add3A_771, %gather3A_782 : vector<16xi32>
    %and3A_786 = arith.andi %eq3A_784, %lt3A_785 : vector<16xi1>
    %or3A_787 = arith.ori %gt3A_783, %and3A_786 : vector<16xi1>
    %and3A_788 = arith.andi %ge3A_774, %or3A_787 : vector<16xi1>
    %while3A_789 = scf.while (%while3A_1210 = %and3A_788) : (vector<16xi1>) -> vector<16xi1> {
      %reduce_or3A = arith.constant 1.000000e+00 : f32
      %reduce_or3A_1211 = arith.constant 0.000000e+00 : f32
      %reduce_or3A_1212 = vector.broadcast %reduce_or3A : f32 to vector<16xf32>
      %reduce_or3A_1213 = vector.broadcast %reduce_or3A_1211 : f32 to vector<16xf32>
      %reduce_or3A_1214 = arith.select %while3A_1210, %reduce_or3A_1212, %reduce_or3A_1213 : vector<16xi1>, vector<16xf32>
      %reduce_or3A_1215 = arith.constant true
      %reduce_or3A_1216 = vector.broadcast %reduce_or3A_1215 : i1 to vector<16xi1>
      %reduce_or3A_1217 = tpu.scan <max>, %reduce_or3A_1214 masked %reduce_or3A_1216 : vector<16xf32>, vector<16xi1> -> vector<16xf32>
      %reduce_or3A_1218 = vector.extract %reduce_or3A_1217[15] : f32 from vector<16xf32>
      %reduce_or3A_1219 = arith.constant 0.000000e+00 : f32
      %reduce_or3A_1220 = arith.cmpf ogt, %reduce_or3A_1218, %reduce_or3A_1219 : f32
      scf.condition(%reduce_or3A_1220) %while3A_1210 : vector<16xi1>
    } do {
    ^bb0(%while3A_1210: vector<16xi1>):
      tpu.vector_store_idx %arg9[%select_n3A_780], %get3A_765 masked %while3A_1210 : memref<256xf32, #tpu.memory_space<vmem>>[vector<16xi32>], vector<16xf32>, vector<16xi1>
      tpu.vector_store_idx %arg10[%select_n3A_780], %add3A_771 masked %while3A_1210 : memref<256xi32, #tpu.memory_space<vmem>>[vector<16xi32>], vector<16xi32>, vector<16xi1>
      %gather3A_1211 = tpu.vector_load_idx %arg9[%select_n3A_780] : memref<256xf32, #tpu.memory_space<vmem>>[vector<16xi32>], vector<16xf32>,
      %gather3A_1212 = tpu.vector_load_idx %arg10[%select_n3A_780] : memref<256xi32, #tpu.memory_space<vmem>>[vector<16xi32>], vector<16xi32>,
      %gt3A_1213 = arith.cmpf ogt, %get3A_765, %gather3A_1211 : vector<16xf32>
      %eq3A_1214 = arith.cmpf oeq, %get3A_765, %gather3A_1211 : vector<16xf32>
      %lt3A_1215 = arith.cmpi slt, %add3A_771, %gather3A_1212 : vector<16xi32>
      %and3A_1216 = arith.andi %eq3A_1214, %lt3A_1215 : vector<16xi1>
      %or3A_1217 = arith.ori %gt3A_1213, %and3A_1216 : vector<16xi1>
      %and3A_1218 = arith.andi %ge3A_774, %or3A_1217 : vector<16xi1>
      scf.yield %and3A_1218 : vector<16xi1>
    }
    %get3A_790 = arith.constant 416 : index
    %get3A_791 = tpu.vector_load %arg7[%get3A_790] {strides = array<i32>} : memref<512xf32, #tpu.memory_space<vmem>>, vector<16xf32>,
    %get3A_792 = arith.constant 416 : index
    %get3A_793 = tpu.vector_load %arg8[%get3A_792] {strides = array<i32>} : memref<512xi32, #tpu.memory_space<vmem>>, vector<16xi32>,
    %add3A_794 = arith.constant 416 : i32
    %add3A_795 = arith.addi %mul3A_0, %add3A_794 : i32
    %add3A_796 = vector.broadcast %add3A_795 : i32 to vector<16xi32>
    %add3A_797 = arith.addi %add3A_796, %iota3A : vector<16xi32>
    %ge3A_798 = arith.constant 1 : i32
    %ge3A_799 = vector.broadcast %ge3A_798 : i32 to vector<16xi32>
    %ge3A_800 = arith.cmpi sge, %get3A_793, %ge3A_799 : vector<16xi32>
    %sub3A_801 = arith.constant 1 : i32
    %sub3A_802 = vector.broadcast %sub3A_801 : i32 to vector<16xi32>
    %sub3A_803 = arith.subi %get3A_793, %sub3A_802 : vector<16xi32>
    %jit3A_804 = arith.constant 0 : i32
    %broadcast_in_dim3A_805 = vector.broadcast %jit3A_804 : i32 to vector<16xi32>
    %select_n3A_806 = arith.select %ge3A_800, %sub3A_803, %broadcast_in_dim3A_805 : vector<16xi1>, vector<16xi32>
    %gather3A_807 = tpu.vector_load_idx %arg9[%select_n3A_806] : memref<256xf32, #tpu.memory_space<vmem>>[vector<16xi32>], vector<16xf32>,
    %gather3A_808 = tpu.vector_load_idx %arg10[%select_n3A_806] : memref<256xi32, #tpu.memory_space<vmem>>[vector<16xi32>], vector<16xi32>,
    %gt3A_809 = arith.cmpf ogt, %get3A_791, %gather3A_807 : vector<16xf32>
    %eq3A_810 = arith.cmpf oeq, %get3A_791, %gather3A_807 : vector<16xf32>
    %lt3A_811 = arith.cmpi slt, %add3A_797, %gather3A_808 : vector<16xi32>
    %and3A_812 = arith.andi %eq3A_810, %lt3A_811 : vector<16xi1>
    %or3A_813 = arith.ori %gt3A_809, %and3A_812 : vector<16xi1>
    %and3A_814 = arith.andi %ge3A_800, %or3A_813 : vector<16xi1>
    %while3A_815 = scf.while (%while3A_1210 = %and3A_814) : (vector<16xi1>) -> vector<16xi1> {
      %reduce_or3A = arith.constant 1.000000e+00 : f32
      %reduce_or3A_1211 = arith.constant 0.000000e+00 : f32
      %reduce_or3A_1212 = vector.broadcast %reduce_or3A : f32 to vector<16xf32>
      %reduce_or3A_1213 = vector.broadcast %reduce_or3A_1211 : f32 to vector<16xf32>
      %reduce_or3A_1214 = arith.select %while3A_1210, %reduce_or3A_1212, %reduce_or3A_1213 : vector<16xi1>, vector<16xf32>
      %reduce_or3A_1215 = arith.constant true
      %reduce_or3A_1216 = vector.broadcast %reduce_or3A_1215 : i1 to vector<16xi1>
      %reduce_or3A_1217 = tpu.scan <max>, %reduce_or3A_1214 masked %reduce_or3A_1216 : vector<16xf32>, vector<16xi1> -> vector<16xf32>
      %reduce_or3A_1218 = vector.extract %reduce_or3A_1217[15] : f32 from vector<16xf32>
      %reduce_or3A_1219 = arith.constant 0.000000e+00 : f32
      %reduce_or3A_1220 = arith.cmpf ogt, %reduce_or3A_1218, %reduce_or3A_1219 : f32
      scf.condition(%reduce_or3A_1220) %while3A_1210 : vector<16xi1>
    } do {
    ^bb0(%while3A_1210: vector<16xi1>):
      tpu.vector_store_idx %arg9[%select_n3A_806], %get3A_791 masked %while3A_1210 : memref<256xf32, #tpu.memory_space<vmem>>[vector<16xi32>], vector<16xf32>, vector<16xi1>
      tpu.vector_store_idx %arg10[%select_n3A_806], %add3A_797 masked %while3A_1210 : memref<256xi32, #tpu.memory_space<vmem>>[vector<16xi32>], vector<16xi32>, vector<16xi1>
      %gather3A_1211 = tpu.vector_load_idx %arg9[%select_n3A_806] : memref<256xf32, #tpu.memory_space<vmem>>[vector<16xi32>], vector<16xf32>,
      %gather3A_1212 = tpu.vector_load_idx %arg10[%select_n3A_806] : memref<256xi32, #tpu.memory_space<vmem>>[vector<16xi32>], vector<16xi32>,
      %gt3A_1213 = arith.cmpf ogt, %get3A_791, %gather3A_1211 : vector<16xf32>
      %eq3A_1214 = arith.cmpf oeq, %get3A_791, %gather3A_1211 : vector<16xf32>
      %lt3A_1215 = arith.cmpi slt, %add3A_797, %gather3A_1212 : vector<16xi32>
      %and3A_1216 = arith.andi %eq3A_1214, %lt3A_1215 : vector<16xi1>
      %or3A_1217 = arith.ori %gt3A_1213, %and3A_1216 : vector<16xi1>
      %and3A_1218 = arith.andi %ge3A_800, %or3A_1217 : vector<16xi1>
      scf.yield %and3A_1218 : vector<16xi1>
    }
    %get3A_816 = arith.constant 432 : index
    %get3A_817 = tpu.vector_load %arg7[%get3A_816] {strides = array<i32>} : memref<512xf32, #tpu.memory_space<vmem>>, vector<16xf32>,
    %get3A_818 = arith.constant 432 : index
    %get3A_819 = tpu.vector_load %arg8[%get3A_818] {strides = array<i32>} : memref<512xi32, #tpu.memory_space<vmem>>, vector<16xi32>,
    %add3A_820 = arith.constant 432 : i32
    %add3A_821 = arith.addi %mul3A_0, %add3A_820 : i32
    %add3A_822 = vector.broadcast %add3A_821 : i32 to vector<16xi32>
    %add3A_823 = arith.addi %add3A_822, %iota3A : vector<16xi32>
    %ge3A_824 = arith.constant 1 : i32
    %ge3A_825 = vector.broadcast %ge3A_824 : i32 to vector<16xi32>
    %ge3A_826 = arith.cmpi sge, %get3A_819, %ge3A_825 : vector<16xi32>
    %sub3A_827 = arith.constant 1 : i32
    %sub3A_828 = vector.broadcast %sub3A_827 : i32 to vector<16xi32>
    %sub3A_829 = arith.subi %get3A_819, %sub3A_828 : vector<16xi32>
    %jit3A_830 = arith.constant 0 : i32
    %broadcast_in_dim3A_831 = vector.broadcast %jit3A_830 : i32 to vector<16xi32>
    %select_n3A_832 = arith.select %ge3A_826, %sub3A_829, %broadcast_in_dim3A_831 : vector<16xi1>, vector<16xi32>
    %gather3A_833 = tpu.vector_load_idx %arg9[%select_n3A_832] : memref<256xf32, #tpu.memory_space<vmem>>[vector<16xi32>], vector<16xf32>,
    %gather3A_834 = tpu.vector_load_idx %arg10[%select_n3A_832] : memref<256xi32, #tpu.memory_space<vmem>>[vector<16xi32>], vector<16xi32>,
    %gt3A_835 = arith.cmpf ogt, %get3A_817, %gather3A_833 : vector<16xf32>
    %eq3A_836 = arith.cmpf oeq, %get3A_817, %gather3A_833 : vector<16xf32>
    %lt3A_837 = arith.cmpi slt, %add3A_823, %gather3A_834 : vector<16xi32>
    %and3A_838 = arith.andi %eq3A_836, %lt3A_837 : vector<16xi1>
    %or3A_839 = arith.ori %gt3A_835, %and3A_838 : vector<16xi1>
    %and3A_840 = arith.andi %ge3A_826, %or3A_839 : vector<16xi1>
    %while3A_841 = scf.while (%while3A_1210 = %and3A_840) : (vector<16xi1>) -> vector<16xi1> {
      %reduce_or3A = arith.constant 1.000000e+00 : f32
      %reduce_or3A_1211 = arith.constant 0.000000e+00 : f32
      %reduce_or3A_1212 = vector.broadcast %reduce_or3A : f32 to vector<16xf32>
      %reduce_or3A_1213 = vector.broadcast %reduce_or3A_1211 : f32 to vector<16xf32>
      %reduce_or3A_1214 = arith.select %while3A_1210, %reduce_or3A_1212, %reduce_or3A_1213 : vector<16xi1>, vector<16xf32>
      %reduce_or3A_1215 = arith.constant true
      %reduce_or3A_1216 = vector.broadcast %reduce_or3A_1215 : i1 to vector<16xi1>
      %reduce_or3A_1217 = tpu.scan <max>, %reduce_or3A_1214 masked %reduce_or3A_1216 : vector<16xf32>, vector<16xi1> -> vector<16xf32>
      %reduce_or3A_1218 = vector.extract %reduce_or3A_1217[15] : f32 from vector<16xf32>
      %reduce_or3A_1219 = arith.constant 0.000000e+00 : f32
      %reduce_or3A_1220 = arith.cmpf ogt, %reduce_or3A_1218, %reduce_or3A_1219 : f32
      scf.condition(%reduce_or3A_1220) %while3A_1210 : vector<16xi1>
    } do {
    ^bb0(%while3A_1210: vector<16xi1>):
      tpu.vector_store_idx %arg9[%select_n3A_832], %get3A_817 masked %while3A_1210 : memref<256xf32, #tpu.memory_space<vmem>>[vector<16xi32>], vector<16xf32>, vector<16xi1>
      tpu.vector_store_idx %arg10[%select_n3A_832], %add3A_823 masked %while3A_1210 : memref<256xi32, #tpu.memory_space<vmem>>[vector<16xi32>], vector<16xi32>, vector<16xi1>
      %gather3A_1211 = tpu.vector_load_idx %arg9[%select_n3A_832] : memref<256xf32, #tpu.memory_space<vmem>>[vector<16xi32>], vector<16xf32>,
      %gather3A_1212 = tpu.vector_load_idx %arg10[%select_n3A_832] : memref<256xi32, #tpu.memory_space<vmem>>[vector<16xi32>], vector<16xi32>,
      %gt3A_1213 = arith.cmpf ogt, %get3A_817, %gather3A_1211 : vector<16xf32>
      %eq3A_1214 = arith.cmpf oeq, %get3A_817, %gather3A_1211 : vector<16xf32>
      %lt3A_1215 = arith.cmpi slt, %add3A_823, %gather3A_1212 : vector<16xi32>
      %and3A_1216 = arith.andi %eq3A_1214, %lt3A_1215 : vector<16xi1>
      %or3A_1217 = arith.ori %gt3A_1213, %and3A_1216 : vector<16xi1>
      %and3A_1218 = arith.andi %ge3A_826, %or3A_1217 : vector<16xi1>
      scf.yield %and3A_1218 : vector<16xi1>
    }
    %get3A_842 = arith.constant 448 : index
    %get3A_843 = tpu.vector_load %arg7[%get3A_842] {strides = array<i32>} : memref<512xf32, #tpu.memory_space<vmem>>, vector<16xf32>,
    %get3A_844 = arith.constant 448 : index
    %get3A_845 = tpu.vector_load %arg8[%get3A_844] {strides = array<i32>} : memref<512xi32, #tpu.memory_space<vmem>>, vector<16xi32>,
    %add3A_846 = arith.constant 448 : i32
    %add3A_847 = arith.addi %mul3A_0, %add3A_846 : i32
    %add3A_848 = vector.broadcast %add3A_847 : i32 to vector<16xi32>
    %add3A_849 = arith.addi %add3A_848, %iota3A : vector<16xi32>
    %ge3A_850 = arith.constant 1 : i32
    %ge3A_851 = vector.broadcast %ge3A_850 : i32 to vector<16xi32>
    %ge3A_852 = arith.cmpi sge, %get3A_845, %ge3A_851 : vector<16xi32>
    %sub3A_853 = arith.constant 1 : i32
    %sub3A_854 = vector.broadcast %sub3A_853 : i32 to vector<16xi32>
    %sub3A_855 = arith.subi %get3A_845, %sub3A_854 : vector<16xi32>
    %jit3A_856 = arith.constant 0 : i32
    %broadcast_in_dim3A_857 = vector.broadcast %jit3A_856 : i32 to vector<16xi32>
    %select_n3A_858 = arith.select %ge3A_852, %sub3A_855, %broadcast_in_dim3A_857 : vector<16xi1>, vector<16xi32>
    %gather3A_859 = tpu.vector_load_idx %arg9[%select_n3A_858] : memref<256xf32, #tpu.memory_space<vmem>>[vector<16xi32>], vector<16xf32>,
    %gather3A_860 = tpu.vector_load_idx %arg10[%select_n3A_858] : memref<256xi32, #tpu.memory_space<vmem>>[vector<16xi32>], vector<16xi32>,
    %gt3A_861 = arith.cmpf ogt, %get3A_843, %gather3A_859 : vector<16xf32>
    %eq3A_862 = arith.cmpf oeq, %get3A_843, %gather3A_859 : vector<16xf32>
    %lt3A_863 = arith.cmpi slt, %add3A_849, %gather3A_860 : vector<16xi32>
    %and3A_864 = arith.andi %eq3A_862, %lt3A_863 : vector<16xi1>
    %or3A_865 = arith.ori %gt3A_861, %and3A_864 : vector<16xi1>
    %and3A_866 = arith.andi %ge3A_852, %or3A_865 : vector<16xi1>
    %while3A_867 = scf.while (%while3A_1210 = %and3A_866) : (vector<16xi1>) -> vector<16xi1> {
      %reduce_or3A = arith.constant 1.000000e+00 : f32
      %reduce_or3A_1211 = arith.constant 0.000000e+00 : f32
      %reduce_or3A_1212 = vector.broadcast %reduce_or3A : f32 to vector<16xf32>
      %reduce_or3A_1213 = vector.broadcast %reduce_or3A_1211 : f32 to vector<16xf32>
      %reduce_or3A_1214 = arith.select %while3A_1210, %reduce_or3A_1212, %reduce_or3A_1213 : vector<16xi1>, vector<16xf32>
      %reduce_or3A_1215 = arith.constant true
      %reduce_or3A_1216 = vector.broadcast %reduce_or3A_1215 : i1 to vector<16xi1>
      %reduce_or3A_1217 = tpu.scan <max>, %reduce_or3A_1214 masked %reduce_or3A_1216 : vector<16xf32>, vector<16xi1> -> vector<16xf32>
      %reduce_or3A_1218 = vector.extract %reduce_or3A_1217[15] : f32 from vector<16xf32>
      %reduce_or3A_1219 = arith.constant 0.000000e+00 : f32
      %reduce_or3A_1220 = arith.cmpf ogt, %reduce_or3A_1218, %reduce_or3A_1219 : f32
      scf.condition(%reduce_or3A_1220) %while3A_1210 : vector<16xi1>
    } do {
    ^bb0(%while3A_1210: vector<16xi1>):
      tpu.vector_store_idx %arg9[%select_n3A_858], %get3A_843 masked %while3A_1210 : memref<256xf32, #tpu.memory_space<vmem>>[vector<16xi32>], vector<16xf32>, vector<16xi1>
      tpu.vector_store_idx %arg10[%select_n3A_858], %add3A_849 masked %while3A_1210 : memref<256xi32, #tpu.memory_space<vmem>>[vector<16xi32>], vector<16xi32>, vector<16xi1>
      %gather3A_1211 = tpu.vector_load_idx %arg9[%select_n3A_858] : memref<256xf32, #tpu.memory_space<vmem>>[vector<16xi32>], vector<16xf32>,
      %gather3A_1212 = tpu.vector_load_idx %arg10[%select_n3A_858] : memref<256xi32, #tpu.memory_space<vmem>>[vector<16xi32>], vector<16xi32>,
      %gt3A_1213 = arith.cmpf ogt, %get3A_843, %gather3A_1211 : vector<16xf32>
      %eq3A_1214 = arith.cmpf oeq, %get3A_843, %gather3A_1211 : vector<16xf32>
      %lt3A_1215 = arith.cmpi slt, %add3A_849, %gather3A_1212 : vector<16xi32>
      %and3A_1216 = arith.andi %eq3A_1214, %lt3A_1215 : vector<16xi1>
      %or3A_1217 = arith.ori %gt3A_1213, %and3A_1216 : vector<16xi1>
      %and3A_1218 = arith.andi %ge3A_852, %or3A_1217 : vector<16xi1>
      scf.yield %and3A_1218 : vector<16xi1>
    }
    %get3A_868 = arith.constant 464 : index
    %get3A_869 = tpu.vector_load %arg7[%get3A_868] {strides = array<i32>} : memref<512xf32, #tpu.memory_space<vmem>>, vector<16xf32>,
    %get3A_870 = arith.constant 464 : index
    %get3A_871 = tpu.vector_load %arg8[%get3A_870] {strides = array<i32>} : memref<512xi32, #tpu.memory_space<vmem>>, vector<16xi32>,
    %add3A_872 = arith.constant 464 : i32
    %add3A_873 = arith.addi %mul3A_0, %add3A_872 : i32
    %add3A_874 = vector.broadcast %add3A_873 : i32 to vector<16xi32>
    %add3A_875 = arith.addi %add3A_874, %iota3A : vector<16xi32>
    %ge3A_876 = arith.constant 1 : i32
    %ge3A_877 = vector.broadcast %ge3A_876 : i32 to vector<16xi32>
    %ge3A_878 = arith.cmpi sge, %get3A_871, %ge3A_877 : vector<16xi32>
    %sub3A_879 = arith.constant 1 : i32
    %sub3A_880 = vector.broadcast %sub3A_879 : i32 to vector<16xi32>
    %sub3A_881 = arith.subi %get3A_871, %sub3A_880 : vector<16xi32>
    %jit3A_882 = arith.constant 0 : i32
    %broadcast_in_dim3A_883 = vector.broadcast %jit3A_882 : i32 to vector<16xi32>
    %select_n3A_884 = arith.select %ge3A_878, %sub3A_881, %broadcast_in_dim3A_883 : vector<16xi1>, vector<16xi32>
    %gather3A_885 = tpu.vector_load_idx %arg9[%select_n3A_884] : memref<256xf32, #tpu.memory_space<vmem>>[vector<16xi32>], vector<16xf32>,
    %gather3A_886 = tpu.vector_load_idx %arg10[%select_n3A_884] : memref<256xi32, #tpu.memory_space<vmem>>[vector<16xi32>], vector<16xi32>,
    %gt3A_887 = arith.cmpf ogt, %get3A_869, %gather3A_885 : vector<16xf32>
    %eq3A_888 = arith.cmpf oeq, %get3A_869, %gather3A_885 : vector<16xf32>
    %lt3A_889 = arith.cmpi slt, %add3A_875, %gather3A_886 : vector<16xi32>
    %and3A_890 = arith.andi %eq3A_888, %lt3A_889 : vector<16xi1>
    %or3A_891 = arith.ori %gt3A_887, %and3A_890 : vector<16xi1>
    %and3A_892 = arith.andi %ge3A_878, %or3A_891 : vector<16xi1>
    %while3A_893 = scf.while (%while3A_1210 = %and3A_892) : (vector<16xi1>) -> vector<16xi1> {
      %reduce_or3A = arith.constant 1.000000e+00 : f32
      %reduce_or3A_1211 = arith.constant 0.000000e+00 : f32
      %reduce_or3A_1212 = vector.broadcast %reduce_or3A : f32 to vector<16xf32>
      %reduce_or3A_1213 = vector.broadcast %reduce_or3A_1211 : f32 to vector<16xf32>
      %reduce_or3A_1214 = arith.select %while3A_1210, %reduce_or3A_1212, %reduce_or3A_1213 : vector<16xi1>, vector<16xf32>
      %reduce_or3A_1215 = arith.constant true
      %reduce_or3A_1216 = vector.broadcast %reduce_or3A_1215 : i1 to vector<16xi1>
      %reduce_or3A_1217 = tpu.scan <max>, %reduce_or3A_1214 masked %reduce_or3A_1216 : vector<16xf32>, vector<16xi1> -> vector<16xf32>
      %reduce_or3A_1218 = vector.extract %reduce_or3A_1217[15] : f32 from vector<16xf32>
      %reduce_or3A_1219 = arith.constant 0.000000e+00 : f32
      %reduce_or3A_1220 = arith.cmpf ogt, %reduce_or3A_1218, %reduce_or3A_1219 : f32
      scf.condition(%reduce_or3A_1220) %while3A_1210 : vector<16xi1>
    } do {
    ^bb0(%while3A_1210: vector<16xi1>):
      tpu.vector_store_idx %arg9[%select_n3A_884], %get3A_869 masked %while3A_1210 : memref<256xf32, #tpu.memory_space<vmem>>[vector<16xi32>], vector<16xf32>, vector<16xi1>
      tpu.vector_store_idx %arg10[%select_n3A_884], %add3A_875 masked %while3A_1210 : memref<256xi32, #tpu.memory_space<vmem>>[vector<16xi32>], vector<16xi32>, vector<16xi1>
      %gather3A_1211 = tpu.vector_load_idx %arg9[%select_n3A_884] : memref<256xf32, #tpu.memory_space<vmem>>[vector<16xi32>], vector<16xf32>,
      %gather3A_1212 = tpu.vector_load_idx %arg10[%select_n3A_884] : memref<256xi32, #tpu.memory_space<vmem>>[vector<16xi32>], vector<16xi32>,
      %gt3A_1213 = arith.cmpf ogt, %get3A_869, %gather3A_1211 : vector<16xf32>
      %eq3A_1214 = arith.cmpf oeq, %get3A_869, %gather3A_1211 : vector<16xf32>
      %lt3A_1215 = arith.cmpi slt, %add3A_875, %gather3A_1212 : vector<16xi32>
      %and3A_1216 = arith.andi %eq3A_1214, %lt3A_1215 : vector<16xi1>
      %or3A_1217 = arith.ori %gt3A_1213, %and3A_1216 : vector<16xi1>
      %and3A_1218 = arith.andi %ge3A_878, %or3A_1217 : vector<16xi1>
      scf.yield %and3A_1218 : vector<16xi1>
    }
    %get3A_894 = arith.constant 480 : index
    %get3A_895 = tpu.vector_load %arg7[%get3A_894] {strides = array<i32>} : memref<512xf32, #tpu.memory_space<vmem>>, vector<16xf32>,
    %get3A_896 = arith.constant 480 : index
    %get3A_897 = tpu.vector_load %arg8[%get3A_896] {strides = array<i32>} : memref<512xi32, #tpu.memory_space<vmem>>, vector<16xi32>,
    %add3A_898 = arith.constant 480 : i32
    %add3A_899 = arith.addi %mul3A_0, %add3A_898 : i32
    %add3A_900 = vector.broadcast %add3A_899 : i32 to vector<16xi32>
    %add3A_901 = arith.addi %add3A_900, %iota3A : vector<16xi32>
    %ge3A_902 = arith.constant 1 : i32
    %ge3A_903 = vector.broadcast %ge3A_902 : i32 to vector<16xi32>
    %ge3A_904 = arith.cmpi sge, %get3A_897, %ge3A_903 : vector<16xi32>
    %sub3A_905 = arith.constant 1 : i32
    %sub3A_906 = vector.broadcast %sub3A_905 : i32 to vector<16xi32>
    %sub3A_907 = arith.subi %get3A_897, %sub3A_906 : vector<16xi32>
    %jit3A_908 = arith.constant 0 : i32
    %broadcast_in_dim3A_909 = vector.broadcast %jit3A_908 : i32 to vector<16xi32>
    %select_n3A_910 = arith.select %ge3A_904, %sub3A_907, %broadcast_in_dim3A_909 : vector<16xi1>, vector<16xi32>
    %gather3A_911 = tpu.vector_load_idx %arg9[%select_n3A_910] : memref<256xf32, #tpu.memory_space<vmem>>[vector<16xi32>], vector<16xf32>,
    %gather3A_912 = tpu.vector_load_idx %arg10[%select_n3A_910] : memref<256xi32, #tpu.memory_space<vmem>>[vector<16xi32>], vector<16xi32>,
    %gt3A_913 = arith.cmpf ogt, %get3A_895, %gather3A_911 : vector<16xf32>
    %eq3A_914 = arith.cmpf oeq, %get3A_895, %gather3A_911 : vector<16xf32>
    %lt3A_915 = arith.cmpi slt, %add3A_901, %gather3A_912 : vector<16xi32>
    %and3A_916 = arith.andi %eq3A_914, %lt3A_915 : vector<16xi1>
    %or3A_917 = arith.ori %gt3A_913, %and3A_916 : vector<16xi1>
    %and3A_918 = arith.andi %ge3A_904, %or3A_917 : vector<16xi1>
    %while3A_919 = scf.while (%while3A_1210 = %and3A_918) : (vector<16xi1>) -> vector<16xi1> {
      %reduce_or3A = arith.constant 1.000000e+00 : f32
      %reduce_or3A_1211 = arith.constant 0.000000e+00 : f32
      %reduce_or3A_1212 = vector.broadcast %reduce_or3A : f32 to vector<16xf32>
      %reduce_or3A_1213 = vector.broadcast %reduce_or3A_1211 : f32 to vector<16xf32>
      %reduce_or3A_1214 = arith.select %while3A_1210, %reduce_or3A_1212, %reduce_or3A_1213 : vector<16xi1>, vector<16xf32>
      %reduce_or3A_1215 = arith.constant true
      %reduce_or3A_1216 = vector.broadcast %reduce_or3A_1215 : i1 to vector<16xi1>
      %reduce_or3A_1217 = tpu.scan <max>, %reduce_or3A_1214 masked %reduce_or3A_1216 : vector<16xf32>, vector<16xi1> -> vector<16xf32>
      %reduce_or3A_1218 = vector.extract %reduce_or3A_1217[15] : f32 from vector<16xf32>
      %reduce_or3A_1219 = arith.constant 0.000000e+00 : f32
      %reduce_or3A_1220 = arith.cmpf ogt, %reduce_or3A_1218, %reduce_or3A_1219 : f32
      scf.condition(%reduce_or3A_1220) %while3A_1210 : vector<16xi1>
    } do {
    ^bb0(%while3A_1210: vector<16xi1>):
      tpu.vector_store_idx %arg9[%select_n3A_910], %get3A_895 masked %while3A_1210 : memref<256xf32, #tpu.memory_space<vmem>>[vector<16xi32>], vector<16xf32>, vector<16xi1>
      tpu.vector_store_idx %arg10[%select_n3A_910], %add3A_901 masked %while3A_1210 : memref<256xi32, #tpu.memory_space<vmem>>[vector<16xi32>], vector<16xi32>, vector<16xi1>
      %gather3A_1211 = tpu.vector_load_idx %arg9[%select_n3A_910] : memref<256xf32, #tpu.memory_space<vmem>>[vector<16xi32>], vector<16xf32>,
      %gather3A_1212 = tpu.vector_load_idx %arg10[%select_n3A_910] : memref<256xi32, #tpu.memory_space<vmem>>[vector<16xi32>], vector<16xi32>,
      %gt3A_1213 = arith.cmpf ogt, %get3A_895, %gather3A_1211 : vector<16xf32>
      %eq3A_1214 = arith.cmpf oeq, %get3A_895, %gather3A_1211 : vector<16xf32>
      %lt3A_1215 = arith.cmpi slt, %add3A_901, %gather3A_1212 : vector<16xi32>
      %and3A_1216 = arith.andi %eq3A_1214, %lt3A_1215 : vector<16xi1>
      %or3A_1217 = arith.ori %gt3A_1213, %and3A_1216 : vector<16xi1>
      %and3A_1218 = arith.andi %ge3A_904, %or3A_1217 : vector<16xi1>
      scf.yield %and3A_1218 : vector<16xi1>
    }
    %get3A_920 = arith.constant 496 : index
    %get3A_921 = tpu.vector_load %arg7[%get3A_920] {strides = array<i32>} : memref<512xf32, #tpu.memory_space<vmem>>, vector<16xf32>,
    %get3A_922 = arith.constant 496 : index
    %get3A_923 = tpu.vector_load %arg8[%get3A_922] {strides = array<i32>} : memref<512xi32, #tpu.memory_space<vmem>>, vector<16xi32>,
    %add3A_924 = arith.constant 496 : i32
    %add3A_925 = arith.addi %mul3A_0, %add3A_924 : i32
    %add3A_926 = vector.broadcast %add3A_925 : i32 to vector<16xi32>
    %add3A_927 = arith.addi %add3A_926, %iota3A : vector<16xi32>
    %ge3A_928 = arith.constant 1 : i32
    %ge3A_929 = vector.broadcast %ge3A_928 : i32 to vector<16xi32>
    %ge3A_930 = arith.cmpi sge, %get3A_923, %ge3A_929 : vector<16xi32>
    %sub3A_931 = arith.constant 1 : i32
    %sub3A_932 = vector.broadcast %sub3A_931 : i32 to vector<16xi32>
    %sub3A_933 = arith.subi %get3A_923, %sub3A_932 : vector<16xi32>
    %jit3A_934 = arith.constant 0 : i32
    %broadcast_in_dim3A_935 = vector.broadcast %jit3A_934 : i32 to vector<16xi32>
    %select_n3A_936 = arith.select %ge3A_930, %sub3A_933, %broadcast_in_dim3A_935 : vector<16xi1>, vector<16xi32>
    %gather3A_937 = tpu.vector_load_idx %arg9[%select_n3A_936] : memref<256xf32, #tpu.memory_space<vmem>>[vector<16xi32>], vector<16xf32>,
    %gather3A_938 = tpu.vector_load_idx %arg10[%select_n3A_936] : memref<256xi32, #tpu.memory_space<vmem>>[vector<16xi32>], vector<16xi32>,
    %gt3A_939 = arith.cmpf ogt, %get3A_921, %gather3A_937 : vector<16xf32>
    %eq3A_940 = arith.cmpf oeq, %get3A_921, %gather3A_937 : vector<16xf32>
    %lt3A_941 = arith.cmpi slt, %add3A_927, %gather3A_938 : vector<16xi32>
    %and3A_942 = arith.andi %eq3A_940, %lt3A_941 : vector<16xi1>
    %or3A_943 = arith.ori %gt3A_939, %and3A_942 : vector<16xi1>
    %and3A_944 = arith.andi %ge3A_930, %or3A_943 : vector<16xi1>
    %while3A_945 = scf.while (%while3A_1210 = %and3A_944) : (vector<16xi1>) -> vector<16xi1> {
      %reduce_or3A = arith.constant 1.000000e+00 : f32
      %reduce_or3A_1211 = arith.constant 0.000000e+00 : f32
      %reduce_or3A_1212 = vector.broadcast %reduce_or3A : f32 to vector<16xf32>
      %reduce_or3A_1213 = vector.broadcast %reduce_or3A_1211 : f32 to vector<16xf32>
      %reduce_or3A_1214 = arith.select %while3A_1210, %reduce_or3A_1212, %reduce_or3A_1213 : vector<16xi1>, vector<16xf32>
      %reduce_or3A_1215 = arith.constant true
      %reduce_or3A_1216 = vector.broadcast %reduce_or3A_1215 : i1 to vector<16xi1>
      %reduce_or3A_1217 = tpu.scan <max>, %reduce_or3A_1214 masked %reduce_or3A_1216 : vector<16xf32>, vector<16xi1> -> vector<16xf32>
      %reduce_or3A_1218 = vector.extract %reduce_or3A_1217[15] : f32 from vector<16xf32>
      %reduce_or3A_1219 = arith.constant 0.000000e+00 : f32
      %reduce_or3A_1220 = arith.cmpf ogt, %reduce_or3A_1218, %reduce_or3A_1219 : f32
      scf.condition(%reduce_or3A_1220) %while3A_1210 : vector<16xi1>
    } do {
    ^bb0(%while3A_1210: vector<16xi1>):
      tpu.vector_store_idx %arg9[%select_n3A_936], %get3A_921 masked %while3A_1210 : memref<256xf32, #tpu.memory_space<vmem>>[vector<16xi32>], vector<16xf32>, vector<16xi1>
      tpu.vector_store_idx %arg10[%select_n3A_936], %add3A_927 masked %while3A_1210 : memref<256xi32, #tpu.memory_space<vmem>>[vector<16xi32>], vector<16xi32>, vector<16xi1>
      %gather3A_1211 = tpu.vector_load_idx %arg9[%select_n3A_936] : memref<256xf32, #tpu.memory_space<vmem>>[vector<16xi32>], vector<16xf32>,
      %gather3A_1212 = tpu.vector_load_idx %arg10[%select_n3A_936] : memref<256xi32, #tpu.memory_space<vmem>>[vector<16xi32>], vector<16xi32>,
      %gt3A_1213 = arith.cmpf ogt, %get3A_921, %gather3A_1211 : vector<16xf32>
      %eq3A_1214 = arith.cmpf oeq, %get3A_921, %gather3A_1211 : vector<16xf32>
      %lt3A_1215 = arith.cmpi slt, %add3A_927, %gather3A_1212 : vector<16xi32>
      %and3A_1216 = arith.andi %eq3A_1214, %lt3A_1215 : vector<16xi1>
      %or3A_1217 = arith.ori %gt3A_1213, %and3A_1216 : vector<16xi1>
      %and3A_1218 = arith.andi %ge3A_930, %or3A_1217 : vector<16xi1>
      scf.yield %and3A_1218 : vector<16xi1>
    }
    "tpu.region"() ({
      %run_scoped3A = tpu.sem_alloc : memref<!tpu.dma_semaphore, #tpu.memory_space<semaphore_mem>>
      %dma_start3A_1210 = arith.constant 0 : i32
      %dma_start3A_1211 = tpu.memref_slice %arg11[%arg1, %dma_start3A_1210] : memref<16x256xf32, #tpu.memory_space<vmem_shared>> -> memref<1x256xf32, #tpu.memory_space<vmem_shared>>
      %dma_start3A_1212 = tpu.memref_squeeze %dma_start3A_1211 : memref<1x256xf32, #tpu.memory_space<vmem_shared>> -> memref<256xf32, #tpu.memory_space<vmem_shared>>
      %dma_start3A_1213 = arith.constant 0 : i32
      %dma_start3A_1214 = tpu.memref_slice %arg11[%arg1, %dma_start3A_1213] : memref<16x256xf32, #tpu.memory_space<vmem_shared>> -> memref<1x256xf32, #tpu.memory_space<vmem_shared>>
      %dma_start3A_1215 = tpu.memref_squeeze %dma_start3A_1214 : memref<1x256xf32, #tpu.memory_space<vmem_shared>> -> memref<256xf32, #tpu.memory_space<vmem_shared>>
      tpu.enqueue_dma source(%arg9 : memref<256xf32, #tpu.memory_space<vmem>>) target(%dma_start3A_1215 : memref<256xf32, #tpu.memory_space<vmem_shared>>) target_semaphore(%run_scoped3A : memref<!tpu.dma_semaphore, #tpu.memory_space<semaphore_mem>>)
      %dma_wait3A_1216 = arith.constant 0 : i32
      %dma_wait3A_1217 = tpu.memref_slice %arg11[%arg1, %dma_wait3A_1216] : memref<16x256xf32, #tpu.memory_space<vmem_shared>> -> memref<1x256xf32, #tpu.memory_space<vmem_shared>>
      %dma_wait3A_1218 = tpu.memref_squeeze %dma_wait3A_1217 : memref<1x256xf32, #tpu.memory_space<vmem_shared>> -> memref<256xf32, #tpu.memory_space<vmem_shared>>
      %dma_wait3A_1219 = arith.constant 0 : i32
      %dma_wait3A_1220 = tpu.memref_slice %arg11[%arg1, %dma_wait3A_1219] : memref<16x256xf32, #tpu.memory_space<vmem_shared>> -> memref<1x256xf32, #tpu.memory_space<vmem_shared>>
      %dma_wait3A_1221 = tpu.memref_squeeze %dma_wait3A_1220 : memref<1x256xf32, #tpu.memory_space<vmem_shared>> -> memref<256xf32, #tpu.memory_space<vmem_shared>>
      tpu.wait_dma2 semaphore(%run_scoped3A : memref<!tpu.dma_semaphore, #tpu.memory_space<semaphore_mem>>) src(%arg9 : memref<256xf32, #tpu.memory_space<vmem>>) dst(%dma_wait3A_1221 : memref<256xf32, #tpu.memory_space<vmem_shared>>)
      tpu.yield
    }) : () -> ()
    "tpu.region"() ({
      %run_scoped3A = tpu.sem_alloc : memref<!tpu.dma_semaphore, #tpu.memory_space<semaphore_mem>>
      %dma_start3A_1210 = arith.constant 0 : i32
      %dma_start3A_1211 = tpu.memref_slice %arg12[%arg1, %dma_start3A_1210] : memref<16x256xi32, #tpu.memory_space<vmem_shared>> -> memref<1x256xi32, #tpu.memory_space<vmem_shared>>
      %dma_start3A_1212 = tpu.memref_squeeze %dma_start3A_1211 : memref<1x256xi32, #tpu.memory_space<vmem_shared>> -> memref<256xi32, #tpu.memory_space<vmem_shared>>
      %dma_start3A_1213 = arith.constant 0 : i32
      %dma_start3A_1214 = tpu.memref_slice %arg12[%arg1, %dma_start3A_1213] : memref<16x256xi32, #tpu.memory_space<vmem_shared>> -> memref<1x256xi32, #tpu.memory_space<vmem_shared>>
      %dma_start3A_1215 = tpu.memref_squeeze %dma_start3A_1214 : memref<1x256xi32, #tpu.memory_space<vmem_shared>> -> memref<256xi32, #tpu.memory_space<vmem_shared>>
      tpu.enqueue_dma source(%arg10 : memref<256xi32, #tpu.memory_space<vmem>>) target(%dma_start3A_1215 : memref<256xi32, #tpu.memory_space<vmem_shared>>) target_semaphore(%run_scoped3A : memref<!tpu.dma_semaphore, #tpu.memory_space<semaphore_mem>>)
      %dma_wait3A_1216 = arith.constant 0 : i32
      %dma_wait3A_1217 = tpu.memref_slice %arg12[%arg1, %dma_wait3A_1216] : memref<16x256xi32, #tpu.memory_space<vmem_shared>> -> memref<1x256xi32, #tpu.memory_space<vmem_shared>>
      %dma_wait3A_1218 = tpu.memref_squeeze %dma_wait3A_1217 : memref<1x256xi32, #tpu.memory_space<vmem_shared>> -> memref<256xi32, #tpu.memory_space<vmem_shared>>
      %dma_wait3A_1219 = arith.constant 0 : i32
      %dma_wait3A_1220 = tpu.memref_slice %arg12[%arg1, %dma_wait3A_1219] : memref<16x256xi32, #tpu.memory_space<vmem_shared>> -> memref<1x256xi32, #tpu.memory_space<vmem_shared>>
      %dma_wait3A_1221 = tpu.memref_squeeze %dma_wait3A_1220 : memref<1x256xi32, #tpu.memory_space<vmem_shared>> -> memref<256xi32, #tpu.memory_space<vmem_shared>>
      tpu.wait_dma2 semaphore(%run_scoped3A : memref<!tpu.dma_semaphore, #tpu.memory_space<semaphore_mem>>) src(%arg10 : memref<256xi32, #tpu.memory_space<vmem>>) dst(%dma_wait3A_1221 : memref<256xi32, #tpu.memory_space<vmem_shared>>)
      tpu.yield
    }) : () -> ()
    %barrier3A = arith.constant 0 : index
    tpu.barrier barrier_id(%barrier3A)
    "tpu.region"() ({
      %run_scoped3A = tpu.sem_alloc : memref<!tpu.dma_semaphore, #tpu.memory_space<semaphore_mem>>
      tpu.enqueue_dma source(%arg11 : memref<16x256xf32, #tpu.memory_space<vmem_shared>>) target(%arg13 : memref<16x256xf32, #tpu.memory_space<vmem>>) target_semaphore(%run_scoped3A : memref<!tpu.dma_semaphore, #tpu.memory_space<semaphore_mem>>)
      tpu.wait_dma2 semaphore(%run_scoped3A : memref<!tpu.dma_semaphore, #tpu.memory_space<semaphore_mem>>) src(%arg11 : memref<16x256xf32, #tpu.memory_space<vmem_shared>>) dst(%arg13 : memref<16x256xf32, #tpu.memory_space<vmem>>)
      tpu.yield
    }) : () -> ()
    "tpu.region"() ({
      %run_scoped3A = tpu.sem_alloc : memref<!tpu.dma_semaphore, #tpu.memory_space<semaphore_mem>>
      tpu.enqueue_dma source(%arg12 : memref<16x256xi32, #tpu.memory_space<vmem_shared>>) target(%arg14 : memref<16x256xi32, #tpu.memory_space<vmem>>) target_semaphore(%run_scoped3A : memref<!tpu.dma_semaphore, #tpu.memory_space<semaphore_mem>>)
      tpu.wait_dma2 semaphore(%run_scoped3A : memref<!tpu.dma_semaphore, #tpu.memory_space<semaphore_mem>>) src(%arg12 : memref<16x256xi32, #tpu.memory_space<vmem_shared>>) dst(%arg14 : memref<16x256xi32, #tpu.memory_space<vmem>>)
      tpu.yield
    }) : () -> ()
    %broadcast_in_dim3A_946 = arith.constant -1.000000e+00 : f32
    %broadcast_in_dim3A_947 = vector.broadcast %broadcast_in_dim3A_946 : f32 to vector<16xf32>
    %broadcast_in_dim3A_948 = arith.constant 1073741824 : i32
    %broadcast_in_dim3A_949 = vector.broadcast %broadcast_in_dim3A_948 : i32 to vector<16xi32>
    %mul3A_950 = arith.constant 16 : i32
    %mul3A_951 = arith.muli %arg1, %mul3A_950 : i32
    %get3A_952 = arith.constant 0 : i32
    %get3A_953 = arith.index_cast %get3A_952 : i32 to index
    %get3A_954 = arith.index_cast %mul3A_951 : i32 to index
    %get3A_955 = tpu.vector_load %arg13[%get3A_953, %get3A_954] {strides = array<i32>} : memref<16x256xf32, #tpu.memory_space<vmem>>, vector<16xf32>,
    %get3A_956 = arith.constant 0 : i32
    %get3A_957 = arith.index_cast %get3A_956 : i32 to index
    %get3A_958 = arith.index_cast %mul3A_951 : i32 to index
    %get3A_959 = tpu.vector_load %arg14[%get3A_957, %get3A_958] {strides = array<i32>} : memref<16x256xi32, #tpu.memory_space<vmem>>, vector<16xi32>,
    %gt3A_960 = arith.cmpf ogt, %get3A_955, %broadcast_in_dim3A_947 : vector<16xf32>
    %eq3A_961 = arith.cmpf oeq, %get3A_955, %broadcast_in_dim3A_947 : vector<16xf32>
    %lt3A_962 = arith.cmpi slt, %get3A_959, %broadcast_in_dim3A_949 : vector<16xi32>
    %and3A_963 = arith.andi %eq3A_961, %lt3A_962 : vector<16xi1>
    %or3A_964 = arith.ori %gt3A_960, %and3A_963 : vector<16xi1>
    %select_n3A_965 = arith.select %or3A_964, %get3A_955, %broadcast_in_dim3A_947 : vector<16xi1>, vector<16xf32>
    %select_n3A_966 = arith.select %or3A_964, %get3A_959, %broadcast_in_dim3A_949 : vector<16xi1>, vector<16xi32>
    %get3A_967 = arith.constant 1 : i32
    %get3A_968 = arith.index_cast %get3A_967 : i32 to index
    %get3A_969 = arith.index_cast %mul3A_951 : i32 to index
    %get3A_970 = tpu.vector_load %arg13[%get3A_968, %get3A_969] {strides = array<i32>} : memref<16x256xf32, #tpu.memory_space<vmem>>, vector<16xf32>,
    %get3A_971 = arith.constant 1 : i32
    %get3A_972 = arith.index_cast %get3A_971 : i32 to index
    %get3A_973 = arith.index_cast %mul3A_951 : i32 to index
    %get3A_974 = tpu.vector_load %arg14[%get3A_972, %get3A_973] {strides = array<i32>} : memref<16x256xi32, #tpu.memory_space<vmem>>, vector<16xi32>,
    %gt3A_975 = arith.cmpf ogt, %get3A_970, %select_n3A_965 : vector<16xf32>
    %eq3A_976 = arith.cmpf oeq, %get3A_970, %select_n3A_965 : vector<16xf32>
    %lt3A_977 = arith.cmpi slt, %get3A_974, %select_n3A_966 : vector<16xi32>
    %and3A_978 = arith.andi %eq3A_976, %lt3A_977 : vector<16xi1>
    %or3A_979 = arith.ori %gt3A_975, %and3A_978 : vector<16xi1>
    %select_n3A_980 = arith.select %or3A_979, %get3A_970, %select_n3A_965 : vector<16xi1>, vector<16xf32>
    %select_n3A_981 = arith.select %or3A_979, %get3A_974, %select_n3A_966 : vector<16xi1>, vector<16xi32>
    %get3A_982 = arith.constant 2 : i32
    %get3A_983 = arith.index_cast %get3A_982 : i32 to index
    %get3A_984 = arith.index_cast %mul3A_951 : i32 to index
    %get3A_985 = tpu.vector_load %arg13[%get3A_983, %get3A_984] {strides = array<i32>} : memref<16x256xf32, #tpu.memory_space<vmem>>, vector<16xf32>,
    %get3A_986 = arith.constant 2 : i32
    %get3A_987 = arith.index_cast %get3A_986 : i32 to index
    %get3A_988 = arith.index_cast %mul3A_951 : i32 to index
    %get3A_989 = tpu.vector_load %arg14[%get3A_987, %get3A_988] {strides = array<i32>} : memref<16x256xi32, #tpu.memory_space<vmem>>, vector<16xi32>,
    %gt3A_990 = arith.cmpf ogt, %get3A_985, %select_n3A_980 : vector<16xf32>
    %eq3A_991 = arith.cmpf oeq, %get3A_985, %select_n3A_980 : vector<16xf32>
    %lt3A_992 = arith.cmpi slt, %get3A_989, %select_n3A_981 : vector<16xi32>
    %and3A_993 = arith.andi %eq3A_991, %lt3A_992 : vector<16xi1>
    %or3A_994 = arith.ori %gt3A_990, %and3A_993 : vector<16xi1>
    %select_n3A_995 = arith.select %or3A_994, %get3A_985, %select_n3A_980 : vector<16xi1>, vector<16xf32>
    %select_n3A_996 = arith.select %or3A_994, %get3A_989, %select_n3A_981 : vector<16xi1>, vector<16xi32>
    %get3A_997 = arith.constant 3 : i32
    %get3A_998 = arith.index_cast %get3A_997 : i32 to index
    %get3A_999 = arith.index_cast %mul3A_951 : i32 to index
    %get3A_1000 = tpu.vector_load %arg13[%get3A_998, %get3A_999] {strides = array<i32>} : memref<16x256xf32, #tpu.memory_space<vmem>>, vector<16xf32>,
    %get3A_1001 = arith.constant 3 : i32
    %get3A_1002 = arith.index_cast %get3A_1001 : i32 to index
    %get3A_1003 = arith.index_cast %mul3A_951 : i32 to index
    %get3A_1004 = tpu.vector_load %arg14[%get3A_1002, %get3A_1003] {strides = array<i32>} : memref<16x256xi32, #tpu.memory_space<vmem>>, vector<16xi32>,
    %gt3A_1005 = arith.cmpf ogt, %get3A_1000, %select_n3A_995 : vector<16xf32>
    %eq3A_1006 = arith.cmpf oeq, %get3A_1000, %select_n3A_995 : vector<16xf32>
    %lt3A_1007 = arith.cmpi slt, %get3A_1004, %select_n3A_996 : vector<16xi32>
    %and3A_1008 = arith.andi %eq3A_1006, %lt3A_1007 : vector<16xi1>
    %or3A_1009 = arith.ori %gt3A_1005, %and3A_1008 : vector<16xi1>
    %select_n3A_1010 = arith.select %or3A_1009, %get3A_1000, %select_n3A_995 : vector<16xi1>, vector<16xf32>
    %select_n3A_1011 = arith.select %or3A_1009, %get3A_1004, %select_n3A_996 : vector<16xi1>, vector<16xi32>
    %get3A_1012 = arith.constant 4 : i32
    %get3A_1013 = arith.index_cast %get3A_1012 : i32 to index
    %get3A_1014 = arith.index_cast %mul3A_951 : i32 to index
    %get3A_1015 = tpu.vector_load %arg13[%get3A_1013, %get3A_1014] {strides = array<i32>} : memref<16x256xf32, #tpu.memory_space<vmem>>, vector<16xf32>,
    %get3A_1016 = arith.constant 4 : i32
    %get3A_1017 = arith.index_cast %get3A_1016 : i32 to index
    %get3A_1018 = arith.index_cast %mul3A_951 : i32 to index
    %get3A_1019 = tpu.vector_load %arg14[%get3A_1017, %get3A_1018] {strides = array<i32>} : memref<16x256xi32, #tpu.memory_space<vmem>>, vector<16xi32>,
    %gt3A_1020 = arith.cmpf ogt, %get3A_1015, %select_n3A_1010 : vector<16xf32>
    %eq3A_1021 = arith.cmpf oeq, %get3A_1015, %select_n3A_1010 : vector<16xf32>
    %lt3A_1022 = arith.cmpi slt, %get3A_1019, %select_n3A_1011 : vector<16xi32>
    %and3A_1023 = arith.andi %eq3A_1021, %lt3A_1022 : vector<16xi1>
    %or3A_1024 = arith.ori %gt3A_1020, %and3A_1023 : vector<16xi1>
    %select_n3A_1025 = arith.select %or3A_1024, %get3A_1015, %select_n3A_1010 : vector<16xi1>, vector<16xf32>
    %select_n3A_1026 = arith.select %or3A_1024, %get3A_1019, %select_n3A_1011 : vector<16xi1>, vector<16xi32>
    %get3A_1027 = arith.constant 5 : i32
    %get3A_1028 = arith.index_cast %get3A_1027 : i32 to index
    %get3A_1029 = arith.index_cast %mul3A_951 : i32 to index
    %get3A_1030 = tpu.vector_load %arg13[%get3A_1028, %get3A_1029] {strides = array<i32>} : memref<16x256xf32, #tpu.memory_space<vmem>>, vector<16xf32>,
    %get3A_1031 = arith.constant 5 : i32
    %get3A_1032 = arith.index_cast %get3A_1031 : i32 to index
    %get3A_1033 = arith.index_cast %mul3A_951 : i32 to index
    %get3A_1034 = tpu.vector_load %arg14[%get3A_1032, %get3A_1033] {strides = array<i32>} : memref<16x256xi32, #tpu.memory_space<vmem>>, vector<16xi32>,
    %gt3A_1035 = arith.cmpf ogt, %get3A_1030, %select_n3A_1025 : vector<16xf32>
    %eq3A_1036 = arith.cmpf oeq, %get3A_1030, %select_n3A_1025 : vector<16xf32>
    %lt3A_1037 = arith.cmpi slt, %get3A_1034, %select_n3A_1026 : vector<16xi32>
    %and3A_1038 = arith.andi %eq3A_1036, %lt3A_1037 : vector<16xi1>
    %or3A_1039 = arith.ori %gt3A_1035, %and3A_1038 : vector<16xi1>
    %select_n3A_1040 = arith.select %or3A_1039, %get3A_1030, %select_n3A_1025 : vector<16xi1>, vector<16xf32>
    %select_n3A_1041 = arith.select %or3A_1039, %get3A_1034, %select_n3A_1026 : vector<16xi1>, vector<16xi32>
    %get3A_1042 = arith.constant 6 : i32
    %get3A_1043 = arith.index_cast %get3A_1042 : i32 to index
    %get3A_1044 = arith.index_cast %mul3A_951 : i32 to index
    %get3A_1045 = tpu.vector_load %arg13[%get3A_1043, %get3A_1044] {strides = array<i32>} : memref<16x256xf32, #tpu.memory_space<vmem>>, vector<16xf32>,
    %get3A_1046 = arith.constant 6 : i32
    %get3A_1047 = arith.index_cast %get3A_1046 : i32 to index
    %get3A_1048 = arith.index_cast %mul3A_951 : i32 to index
    %get3A_1049 = tpu.vector_load %arg14[%get3A_1047, %get3A_1048] {strides = array<i32>} : memref<16x256xi32, #tpu.memory_space<vmem>>, vector<16xi32>,
    %gt3A_1050 = arith.cmpf ogt, %get3A_1045, %select_n3A_1040 : vector<16xf32>
    %eq3A_1051 = arith.cmpf oeq, %get3A_1045, %select_n3A_1040 : vector<16xf32>
    %lt3A_1052 = arith.cmpi slt, %get3A_1049, %select_n3A_1041 : vector<16xi32>
    %and3A_1053 = arith.andi %eq3A_1051, %lt3A_1052 : vector<16xi1>
    %or3A_1054 = arith.ori %gt3A_1050, %and3A_1053 : vector<16xi1>
    %select_n3A_1055 = arith.select %or3A_1054, %get3A_1045, %select_n3A_1040 : vector<16xi1>, vector<16xf32>
    %select_n3A_1056 = arith.select %or3A_1054, %get3A_1049, %select_n3A_1041 : vector<16xi1>, vector<16xi32>
    %get3A_1057 = arith.constant 7 : i32
    %get3A_1058 = arith.index_cast %get3A_1057 : i32 to index
    %get3A_1059 = arith.index_cast %mul3A_951 : i32 to index
    %get3A_1060 = tpu.vector_load %arg13[%get3A_1058, %get3A_1059] {strides = array<i32>} : memref<16x256xf32, #tpu.memory_space<vmem>>, vector<16xf32>,
    %get3A_1061 = arith.constant 7 : i32
    %get3A_1062 = arith.index_cast %get3A_1061 : i32 to index
    %get3A_1063 = arith.index_cast %mul3A_951 : i32 to index
    %get3A_1064 = tpu.vector_load %arg14[%get3A_1062, %get3A_1063] {strides = array<i32>} : memref<16x256xi32, #tpu.memory_space<vmem>>, vector<16xi32>,
    %gt3A_1065 = arith.cmpf ogt, %get3A_1060, %select_n3A_1055 : vector<16xf32>
    %eq3A_1066 = arith.cmpf oeq, %get3A_1060, %select_n3A_1055 : vector<16xf32>
    %lt3A_1067 = arith.cmpi slt, %get3A_1064, %select_n3A_1056 : vector<16xi32>
    %and3A_1068 = arith.andi %eq3A_1066, %lt3A_1067 : vector<16xi1>
    %or3A_1069 = arith.ori %gt3A_1065, %and3A_1068 : vector<16xi1>
    %select_n3A_1070 = arith.select %or3A_1069, %get3A_1060, %select_n3A_1055 : vector<16xi1>, vector<16xf32>
    %select_n3A_1071 = arith.select %or3A_1069, %get3A_1064, %select_n3A_1056 : vector<16xi1>, vector<16xi32>
    %get3A_1072 = arith.constant 8 : i32
    %get3A_1073 = arith.index_cast %get3A_1072 : i32 to index
    %get3A_1074 = arith.index_cast %mul3A_951 : i32 to index
    %get3A_1075 = tpu.vector_load %arg13[%get3A_1073, %get3A_1074] {strides = array<i32>} : memref<16x256xf32, #tpu.memory_space<vmem>>, vector<16xf32>,
    %get3A_1076 = arith.constant 8 : i32
    %get3A_1077 = arith.index_cast %get3A_1076 : i32 to index
    %get3A_1078 = arith.index_cast %mul3A_951 : i32 to index
    %get3A_1079 = tpu.vector_load %arg14[%get3A_1077, %get3A_1078] {strides = array<i32>} : memref<16x256xi32, #tpu.memory_space<vmem>>, vector<16xi32>,
    %gt3A_1080 = arith.cmpf ogt, %get3A_1075, %select_n3A_1070 : vector<16xf32>
    %eq3A_1081 = arith.cmpf oeq, %get3A_1075, %select_n3A_1070 : vector<16xf32>
    %lt3A_1082 = arith.cmpi slt, %get3A_1079, %select_n3A_1071 : vector<16xi32>
    %and3A_1083 = arith.andi %eq3A_1081, %lt3A_1082 : vector<16xi1>
    %or3A_1084 = arith.ori %gt3A_1080, %and3A_1083 : vector<16xi1>
    %select_n3A_1085 = arith.select %or3A_1084, %get3A_1075, %select_n3A_1070 : vector<16xi1>, vector<16xf32>
    %select_n3A_1086 = arith.select %or3A_1084, %get3A_1079, %select_n3A_1071 : vector<16xi1>, vector<16xi32>
    %get3A_1087 = arith.constant 9 : i32
    %get3A_1088 = arith.index_cast %get3A_1087 : i32 to index
    %get3A_1089 = arith.index_cast %mul3A_951 : i32 to index
    %get3A_1090 = tpu.vector_load %arg13[%get3A_1088, %get3A_1089] {strides = array<i32>} : memref<16x256xf32, #tpu.memory_space<vmem>>, vector<16xf32>,
    %get3A_1091 = arith.constant 9 : i32
    %get3A_1092 = arith.index_cast %get3A_1091 : i32 to index
    %get3A_1093 = arith.index_cast %mul3A_951 : i32 to index
    %get3A_1094 = tpu.vector_load %arg14[%get3A_1092, %get3A_1093] {strides = array<i32>} : memref<16x256xi32, #tpu.memory_space<vmem>>, vector<16xi32>,
    %gt3A_1095 = arith.cmpf ogt, %get3A_1090, %select_n3A_1085 : vector<16xf32>
    %eq3A_1096 = arith.cmpf oeq, %get3A_1090, %select_n3A_1085 : vector<16xf32>
    %lt3A_1097 = arith.cmpi slt, %get3A_1094, %select_n3A_1086 : vector<16xi32>
    %and3A_1098 = arith.andi %eq3A_1096, %lt3A_1097 : vector<16xi1>
    %or3A_1099 = arith.ori %gt3A_1095, %and3A_1098 : vector<16xi1>
    %select_n3A_1100 = arith.select %or3A_1099, %get3A_1090, %select_n3A_1085 : vector<16xi1>, vector<16xf32>
    %select_n3A_1101 = arith.select %or3A_1099, %get3A_1094, %select_n3A_1086 : vector<16xi1>, vector<16xi32>
    %get3A_1102 = arith.constant 10 : i32
    %get3A_1103 = arith.index_cast %get3A_1102 : i32 to index
    %get3A_1104 = arith.index_cast %mul3A_951 : i32 to index
    %get3A_1105 = tpu.vector_load %arg13[%get3A_1103, %get3A_1104] {strides = array<i32>} : memref<16x256xf32, #tpu.memory_space<vmem>>, vector<16xf32>,
    %get3A_1106 = arith.constant 10 : i32
    %get3A_1107 = arith.index_cast %get3A_1106 : i32 to index
    %get3A_1108 = arith.index_cast %mul3A_951 : i32 to index
    %get3A_1109 = tpu.vector_load %arg14[%get3A_1107, %get3A_1108] {strides = array<i32>} : memref<16x256xi32, #tpu.memory_space<vmem>>, vector<16xi32>,
    %gt3A_1110 = arith.cmpf ogt, %get3A_1105, %select_n3A_1100 : vector<16xf32>
    %eq3A_1111 = arith.cmpf oeq, %get3A_1105, %select_n3A_1100 : vector<16xf32>
    %lt3A_1112 = arith.cmpi slt, %get3A_1109, %select_n3A_1101 : vector<16xi32>
    %and3A_1113 = arith.andi %eq3A_1111, %lt3A_1112 : vector<16xi1>
    %or3A_1114 = arith.ori %gt3A_1110, %and3A_1113 : vector<16xi1>
    %select_n3A_1115 = arith.select %or3A_1114, %get3A_1105, %select_n3A_1100 : vector<16xi1>, vector<16xf32>
    %select_n3A_1116 = arith.select %or3A_1114, %get3A_1109, %select_n3A_1101 : vector<16xi1>, vector<16xi32>
    %get3A_1117 = arith.constant 11 : i32
    %get3A_1118 = arith.index_cast %get3A_1117 : i32 to index
    %get3A_1119 = arith.index_cast %mul3A_951 : i32 to index
    %get3A_1120 = tpu.vector_load %arg13[%get3A_1118, %get3A_1119] {strides = array<i32>} : memref<16x256xf32, #tpu.memory_space<vmem>>, vector<16xf32>,
    %get3A_1121 = arith.constant 11 : i32
    %get3A_1122 = arith.index_cast %get3A_1121 : i32 to index
    %get3A_1123 = arith.index_cast %mul3A_951 : i32 to index
    %get3A_1124 = tpu.vector_load %arg14[%get3A_1122, %get3A_1123] {strides = array<i32>} : memref<16x256xi32, #tpu.memory_space<vmem>>, vector<16xi32>,
    %gt3A_1125 = arith.cmpf ogt, %get3A_1120, %select_n3A_1115 : vector<16xf32>
    %eq3A_1126 = arith.cmpf oeq, %get3A_1120, %select_n3A_1115 : vector<16xf32>
    %lt3A_1127 = arith.cmpi slt, %get3A_1124, %select_n3A_1116 : vector<16xi32>
    %and3A_1128 = arith.andi %eq3A_1126, %lt3A_1127 : vector<16xi1>
    %or3A_1129 = arith.ori %gt3A_1125, %and3A_1128 : vector<16xi1>
    %select_n3A_1130 = arith.select %or3A_1129, %get3A_1120, %select_n3A_1115 : vector<16xi1>, vector<16xf32>
    %select_n3A_1131 = arith.select %or3A_1129, %get3A_1124, %select_n3A_1116 : vector<16xi1>, vector<16xi32>
    %get3A_1132 = arith.constant 12 : i32
    %get3A_1133 = arith.index_cast %get3A_1132 : i32 to index
    %get3A_1134 = arith.index_cast %mul3A_951 : i32 to index
    %get3A_1135 = tpu.vector_load %arg13[%get3A_1133, %get3A_1134] {strides = array<i32>} : memref<16x256xf32, #tpu.memory_space<vmem>>, vector<16xf32>,
    %get3A_1136 = arith.constant 12 : i32
    %get3A_1137 = arith.index_cast %get3A_1136 : i32 to index
    %get3A_1138 = arith.index_cast %mul3A_951 : i32 to index
    %get3A_1139 = tpu.vector_load %arg14[%get3A_1137, %get3A_1138] {strides = array<i32>} : memref<16x256xi32, #tpu.memory_space<vmem>>, vector<16xi32>,
    %gt3A_1140 = arith.cmpf ogt, %get3A_1135, %select_n3A_1130 : vector<16xf32>
    %eq3A_1141 = arith.cmpf oeq, %get3A_1135, %select_n3A_1130 : vector<16xf32>
    %lt3A_1142 = arith.cmpi slt, %get3A_1139, %select_n3A_1131 : vector<16xi32>
    %and3A_1143 = arith.andi %eq3A_1141, %lt3A_1142 : vector<16xi1>
    %or3A_1144 = arith.ori %gt3A_1140, %and3A_1143 : vector<16xi1>
    %select_n3A_1145 = arith.select %or3A_1144, %get3A_1135, %select_n3A_1130 : vector<16xi1>, vector<16xf32>
    %select_n3A_1146 = arith.select %or3A_1144, %get3A_1139, %select_n3A_1131 : vector<16xi1>, vector<16xi32>
    %get3A_1147 = arith.constant 13 : i32
    %get3A_1148 = arith.index_cast %get3A_1147 : i32 to index
    %get3A_1149 = arith.index_cast %mul3A_951 : i32 to index
    %get3A_1150 = tpu.vector_load %arg13[%get3A_1148, %get3A_1149] {strides = array<i32>} : memref<16x256xf32, #tpu.memory_space<vmem>>, vector<16xf32>,
    %get3A_1151 = arith.constant 13 : i32
    %get3A_1152 = arith.index_cast %get3A_1151 : i32 to index
    %get3A_1153 = arith.index_cast %mul3A_951 : i32 to index
    %get3A_1154 = tpu.vector_load %arg14[%get3A_1152, %get3A_1153] {strides = array<i32>} : memref<16x256xi32, #tpu.memory_space<vmem>>, vector<16xi32>,
    %gt3A_1155 = arith.cmpf ogt, %get3A_1150, %select_n3A_1145 : vector<16xf32>
    %eq3A_1156 = arith.cmpf oeq, %get3A_1150, %select_n3A_1145 : vector<16xf32>
    %lt3A_1157 = arith.cmpi slt, %get3A_1154, %select_n3A_1146 : vector<16xi32>
    %and3A_1158 = arith.andi %eq3A_1156, %lt3A_1157 : vector<16xi1>
    %or3A_1159 = arith.ori %gt3A_1155, %and3A_1158 : vector<16xi1>
    %select_n3A_1160 = arith.select %or3A_1159, %get3A_1150, %select_n3A_1145 : vector<16xi1>, vector<16xf32>
    %select_n3A_1161 = arith.select %or3A_1159, %get3A_1154, %select_n3A_1146 : vector<16xi1>, vector<16xi32>
    %get3A_1162 = arith.constant 14 : i32
    %get3A_1163 = arith.index_cast %get3A_1162 : i32 to index
    %get3A_1164 = arith.index_cast %mul3A_951 : i32 to index
    %get3A_1165 = tpu.vector_load %arg13[%get3A_1163, %get3A_1164] {strides = array<i32>} : memref<16x256xf32, #tpu.memory_space<vmem>>, vector<16xf32>,
    %get3A_1166 = arith.constant 14 : i32
    %get3A_1167 = arith.index_cast %get3A_1166 : i32 to index
    %get3A_1168 = arith.index_cast %mul3A_951 : i32 to index
    %get3A_1169 = tpu.vector_load %arg14[%get3A_1167, %get3A_1168] {strides = array<i32>} : memref<16x256xi32, #tpu.memory_space<vmem>>, vector<16xi32>,
    %gt3A_1170 = arith.cmpf ogt, %get3A_1165, %select_n3A_1160 : vector<16xf32>
    %eq3A_1171 = arith.cmpf oeq, %get3A_1165, %select_n3A_1160 : vector<16xf32>
    %lt3A_1172 = arith.cmpi slt, %get3A_1169, %select_n3A_1161 : vector<16xi32>
    %and3A_1173 = arith.andi %eq3A_1171, %lt3A_1172 : vector<16xi1>
    %or3A_1174 = arith.ori %gt3A_1170, %and3A_1173 : vector<16xi1>
    %select_n3A_1175 = arith.select %or3A_1174, %get3A_1165, %select_n3A_1160 : vector<16xi1>, vector<16xf32>
    %select_n3A_1176 = arith.select %or3A_1174, %get3A_1169, %select_n3A_1161 : vector<16xi1>, vector<16xi32>
    %get3A_1177 = arith.constant 15 : i32
    %get3A_1178 = arith.index_cast %get3A_1177 : i32 to index
    %get3A_1179 = arith.index_cast %mul3A_951 : i32 to index
    %get3A_1180 = tpu.vector_load %arg13[%get3A_1178, %get3A_1179] {strides = array<i32>} : memref<16x256xf32, #tpu.memory_space<vmem>>, vector<16xf32>,
    %get3A_1181 = arith.constant 15 : i32
    %get3A_1182 = arith.index_cast %get3A_1181 : i32 to index
    %get3A_1183 = arith.index_cast %mul3A_951 : i32 to index
    %get3A_1184 = tpu.vector_load %arg14[%get3A_1182, %get3A_1183] {strides = array<i32>} : memref<16x256xi32, #tpu.memory_space<vmem>>, vector<16xi32>,
    %gt3A_1185 = arith.cmpf ogt, %get3A_1180, %select_n3A_1175 : vector<16xf32>
    %eq3A_1186 = arith.cmpf oeq, %get3A_1180, %select_n3A_1175 : vector<16xf32>
    %lt3A_1187 = arith.cmpi slt, %get3A_1184, %select_n3A_1176 : vector<16xi32>
    %and3A_1188 = arith.andi %eq3A_1186, %lt3A_1187 : vector<16xi1>
    %or3A_1189 = arith.ori %gt3A_1185, %and3A_1188 : vector<16xi1>
    %select_n3A_1190 = arith.select %or3A_1189, %get3A_1180, %select_n3A_1175 : vector<16xi1>, vector<16xf32>
    %select_n3A_1191 = arith.select %or3A_1189, %get3A_1184, %select_n3A_1176 : vector<16xi1>, vector<16xi32>
    %ge3A_1192 = arith.constant 0.000000e+00 : f32
    %ge3A_1193 = vector.broadcast %ge3A_1192 : f32 to vector<16xf32>
    %ge3A_1194 = arith.cmpf oge, %select_n3A_1190, %ge3A_1193 : vector<16xf32>
    %jit3A_1195 = arith.constant 0 : i32
    %broadcast_in_dim3A_1196 = vector.broadcast %jit3A_1195 : i32 to vector<16xi32>
    %select_n3A_1197 = arith.select %ge3A_1194, %select_n3A_1191, %broadcast_in_dim3A_1196 : vector<16xi1>, vector<16xi32>
    %swap3A_1198 = arith.constant 0 : index
    %swap3A_1199 = tpu.vector_load %arg15[%swap3A_1198] {strides = array<i32>} : memref<16xi32, #tpu.memory_space<vmem>>, vector<16xi32>,
    tpu.vector_store %arg15[%swap3A_1198], %select_n3A_1197 {strides = array<i32>} : memref<16xi32, #tpu.memory_space<vmem>>, vector<16xi32>,
    %swap3A_1200 = arith.constant 0 : index
    %swap3A_1201 = tpu.vector_load %arg17[%swap3A_1200] {strides = array<i32>} : memref<16xf32, #tpu.memory_space<vmem>>, vector<16xf32>,
    tpu.vector_store %arg17[%swap3A_1200], %select_n3A_1190 {strides = array<i32>} : memref<16xf32, #tpu.memory_space<vmem>>, vector<16xf32>,
    %dma_start3A = arith.constant 0 : i32
    %dma_start3A_1202 = arith.constant 0 : i32
    %dma_start3A_1203 = tpu.memref_slice %arg4[%dma_start3A, %dma_start3A_1202] : memref<8192x16xf32, #tpu.memory_space<hbm>> -> memref<8192x16xf32, #tpu.memory_space<hbm>>
    tpu.enqueue_indirect_dma source(%dma_start3A_1203 : memref<8192x16xf32, #tpu.memory_space<hbm>>) target(%arg16 : memref<16x16xf32, #tpu.memory_space<vmem>>) offsets(%arg15 : memref<16xi32, #tpu.memory_space<vmem>>) semaphore(%arg18 : memref<!tpu.dma_semaphore, #tpu.memory_space<semaphore_mem>>)
    %dma_wait3A = arith.constant 0 : i32
    %dma_wait3A_1204 = arith.constant 0 : i32
    %dma_wait3A_1205 = tpu.memref_slice %arg4[%dma_wait3A, %dma_wait3A_1204] : memref<8192x16xf32, #tpu.memory_space<hbm>> -> memref<8192x16xf32, #tpu.memory_space<hbm>>
    tpu.wait_indirect_dma semaphore(%arg18 : memref<!tpu.dma_semaphore, #tpu.memory_space<semaphore_mem>>) src(%dma_wait3A_1205 : memref<8192x16xf32, #tpu.memory_space<hbm>>) dst(%arg16 : memref<16x16xf32, #tpu.memory_space<vmem>>)
    %mul3A_1206 = arith.constant 16 : i32
    %mul3A_1207 = arith.muli %arg1, %mul3A_1206 : i32
    "tpu.region"() ({
      %run_scoped3A = tpu.sem_alloc : memref<!tpu.dma_semaphore, #tpu.memory_space<semaphore_mem>>
      %dma_start3A_1210 = arith.constant 0 : i32
      %dma_start3A_1211 = tpu.memref_slice %arg5[%mul3A_1207, %dma_start3A_1210] : memref<256x16xf32, #tpu.memory_space<hbm>> -> memref<16x16xf32, #tpu.memory_space<hbm>>
      %dma_start3A_1212 = arith.constant 0 : i32
      %dma_start3A_1213 = tpu.memref_slice %arg5[%mul3A_1207, %dma_start3A_1212] : memref<256x16xf32, #tpu.memory_space<hbm>> -> memref<16x16xf32, #tpu.memory_space<hbm>>
      tpu.enqueue_dma source(%arg16 : memref<16x16xf32, #tpu.memory_space<vmem>>) target(%dma_start3A_1213 : memref<16x16xf32, #tpu.memory_space<hbm>>) target_semaphore(%run_scoped3A : memref<!tpu.dma_semaphore, #tpu.memory_space<semaphore_mem>>)
      %dma_wait3A_1214 = arith.constant 0 : i32
      %dma_wait3A_1215 = tpu.memref_slice %arg5[%mul3A_1207, %dma_wait3A_1214] : memref<256x16xf32, #tpu.memory_space<hbm>> -> memref<16x16xf32, #tpu.memory_space<hbm>>
      %dma_wait3A_1216 = arith.constant 0 : i32
      %dma_wait3A_1217 = tpu.memref_slice %arg5[%mul3A_1207, %dma_wait3A_1216] : memref<256x16xf32, #tpu.memory_space<hbm>> -> memref<16x16xf32, #tpu.memory_space<hbm>>
      tpu.wait_dma2 semaphore(%run_scoped3A : memref<!tpu.dma_semaphore, #tpu.memory_space<semaphore_mem>>) src(%arg16 : memref<16x16xf32, #tpu.memory_space<vmem>>) dst(%dma_wait3A_1217 : memref<16x16xf32, #tpu.memory_space<hbm>>)
      tpu.yield
    }) : () -> ()
    %mul3A_1208 = arith.constant 16 : i32
    %mul3A_1209 = arith.muli %arg1, %mul3A_1208 : i32
    "tpu.region"() ({
      %run_scoped3A = tpu.sem_alloc : memref<!tpu.dma_semaphore, #tpu.memory_space<semaphore_mem>>
      %dma_start3A_1210 = tpu.memref_slice %arg6[%mul3A_1209] : memref<256xf32, #tpu.memory_space<hbm>> -> memref<16xf32, #tpu.memory_space<hbm>>
      %dma_start3A_1211 = tpu.memref_slice %arg6[%mul3A_1209] : memref<256xf32, #tpu.memory_space<hbm>> -> memref<16xf32, #tpu.memory_space<hbm>>
      tpu.enqueue_dma source(%arg17 : memref<16xf32, #tpu.memory_space<vmem>>) target(%dma_start3A_1211 : memref<16xf32, #tpu.memory_space<hbm>>) target_semaphore(%run_scoped3A : memref<!tpu.dma_semaphore, #tpu.memory_space<semaphore_mem>>)
      %dma_wait3A_1212 = tpu.memref_slice %arg6[%mul3A_1209] : memref<256xf32, #tpu.memory_space<hbm>> -> memref<16xf32, #tpu.memory_space<hbm>>
      %dma_wait3A_1213 = tpu.memref_slice %arg6[%mul3A_1209] : memref<256xf32, #tpu.memory_space<hbm>> -> memref<16xf32, #tpu.memory_space<hbm>>
      tpu.wait_dma2 semaphore(%run_scoped3A : memref<!tpu.dma_semaphore, #tpu.memory_space<semaphore_mem>>) src(%arg17 : memref<16xf32, #tpu.memory_space<vmem>>) dst(%dma_wait3A_1213 : memref<16xf32, #tpu.memory_space<hbm>>)
      tpu.yield
    }) : () -> ()
    return
  }
}

module attributes {stable_mosaic.version = 14 : i64} {
  func.func @_dense_kernel(%arg0: i32, %arg1: memref<2048x1xf32, #tpu.memory_space<vmem>>, %arg2: memref<2048x1xi32, #tpu.memory_space<vmem>>, %arg3: memref<2048x16xf32, #tpu.memory_space<vmem>>, %arg4: memref<256x16xf32, #tpu.memory_space<vmem>>, %arg5: memref<1x256xf32, #tpu.memory_space<vmem>>, %arg6: memref<1x1xf32, #tpu.memory_space<vmem>>, %arg7: memref<1x256xf32, #tpu.memory_space<vmem>>) attributes {dimension_semantics = [#tpu.dimension_semantics<arbitrary>], iteration_bounds = array<i64: 4>, scalar_prefetch = 0 : i64, scratch_operands = 1 : i64, tpu.core_type = #tpu.core_type<tc>, window_params = [{transform_indices = @transform_0, window_bounds = array<i64: 2048, 1>}, {transform_indices = @transform_1, window_bounds = array<i64: 2048, 1>}, {transform_indices = @transform_2, window_bounds = array<i64: 2048, 16>}, {pipeline_mode = #tpu.pipeline_mode<synchronous>, transform_indices = @transform_3, window_bounds = array<i64: 256, 16>}, {pipeline_mode = #tpu.pipeline_mode<synchronous>, transform_indices = @transform_4, window_bounds = array<i64: 1, 256>}, {pipeline_mode = #tpu.pipeline_mode<synchronous>, transform_indices = @transform_5, window_bounds = array<i64: 1, 1>}]} {
    %eq3A = arith.constant 0 : i32
    %eq3A_0 = arith.cmpi eq, %arg0, %eq3A : i32
    %convert_element_type3A = arith.extui %eq3A_0 : i1 to i32
    %cond3A = arith.constant 0 : i32
    %cond3A_1 = arith.cmpi ne, %convert_element_type3A, %cond3A : i32
    scf.if %cond3A_1 {
      %broadcast_in_dim3A_67 = arith.constant 0.000000e+00 : f32
      %broadcast_in_dim3A_68 = vector.broadcast %broadcast_in_dim3A_67 : f32 to vector<1x256xf32>
      %swap3A_69 = arith.constant 0 : index
      %swap3A_70 = arith.constant 0 : index
      %swap3A_71 = vector.load %arg7[%swap3A_69, %swap3A_70] : memref<1x256xf32, #tpu.memory_space<vmem>>, vector<1x256xf32>
      tpu.vector_store %arg7[%swap3A_69, %swap3A_70], %broadcast_in_dim3A_68 {strides = array<i32>} : memref<1x256xf32, #tpu.memory_space<vmem>>, vector<1x256xf32>,
    } else {
    }
    %get3A = arith.constant 0 : index
    %get3A_2 = arith.constant 0 : index
    %get3A_3 = vector.load %arg1[%get3A, %get3A_2] : memref<2048x1xf32, #tpu.memory_space<vmem>>, vector<2048x1xf32>
    %add3A = arith.constant 1.000000e+00 : f32
    %add3A_4 = vector.broadcast %add3A : f32 to vector<2048x1xf32>
    %add3A_5 = arith.addf %add3A_4, %get3A_3 : vector<2048x1xf32>
    %sub3A = arith.constant 1.000000e+00 : f32
    %sub3A_6 = vector.broadcast %sub3A : f32 to vector<2048x1xf32>
    %sub3A_7 = arith.subf %sub3A_6, %get3A_3 : vector<2048x1xf32>
    %div3A = arith.divf %add3A_5, %sub3A_7 : vector<2048x1xf32>
    %log3A = math.log %div3A : vector<2048x1xf32>
    %mul3A = arith.constant 5.000000e-01 : f32
    %mul3A_8 = vector.broadcast %mul3A : f32 to vector<2048x1xf32>
    %mul3A_9 = arith.mulf %mul3A_8, %log3A : vector<2048x1xf32>
    %mul3A_10 = arith.mulf %mul3A_9, %mul3A_9 : vector<2048x1xf32>
    %add3A_11 = arith.constant 0.00999999977 : f32
    %add3A_12 = vector.broadcast %add3A_11 : f32 to vector<2048x1xf32>
    %add3A_13 = arith.addf %mul3A_10, %add3A_12 : vector<2048x1xf32>
    %get3A_14 = arith.constant 0 : index
    %get3A_15 = arith.constant 0 : index
    %get3A_16 = vector.load %arg3[%get3A_14, %get3A_15] : memref<2048x16xf32, #tpu.memory_space<vmem>>, vector<2048x16xf32>
    %get3A_17 = arith.constant 0 : index
    %get3A_18 = arith.constant 0 : index
    %get3A_19 = vector.load %arg4[%get3A_17, %get3A_18] : memref<256x16xf32, #tpu.memory_space<vmem>>, vector<256x16xf32>
    %mul3A_20 = arith.mulf %get3A_19, %get3A_19 : vector<256x16xf32>
    %reduce_sum3A = arith.constant dense<0.000000e+00> : vector<256xf32>
    %reduce_sum3A_21 = vector.multi_reduction <add>, %mul3A_20, %reduce_sum3A [1] : vector<256x16xf32> to vector<256xf32>
    %broadcast_in_dim3A = vector.shape_cast %reduce_sum3A_21 : vector<256xf32> to vector<256x1xf32>
    %mul3A_22 = arith.constant -2.000000e+00 : f32
    %mul3A_23 = vector.broadcast %mul3A_22 : f32 to vector<256x16xf32>
    %mul3A_24 = arith.mulf %mul3A_23, %get3A_19 : vector<256x16xf32>
    %broadcast_in_dim3A_25 = arith.constant 1.000000e+00 : f32
    %broadcast_in_dim3A_26 = vector.broadcast %broadcast_in_dim3A_25 : f32 to vector<256x1xf32>
    %concatenate3A = tpu.concatenate %mul3A_24, %broadcast_in_dim3A, %broadcast_in_dim3A_26 in 1 : vector<256x16xf32>, vector<256x1xf32>, vector<256x1xf32> -> vector<256x18xf32>
    %mul3A_27 = arith.mulf %get3A_16, %get3A_16 : vector<2048x16xf32>
    %reduce_sum3A_28 = arith.constant dense<0.000000e+00> : vector<2048xf32>
    %reduce_sum3A_29 = vector.multi_reduction <add>, %mul3A_27, %reduce_sum3A_28 [1] : vector<2048x16xf32> to vector<2048xf32>
    %broadcast_in_dim3A_30 = vector.shape_cast %reduce_sum3A_29 : vector<2048xf32> to vector<2048x1xf32>
    %broadcast_in_dim3A_31 = arith.constant 1.000000e+00 : f32
    %broadcast_in_dim3A_32 = vector.broadcast %broadcast_in_dim3A_31 : f32 to vector<2048x1xf32>
    %concatenate3A_33 = tpu.concatenate %get3A_16, %broadcast_in_dim3A_32, %broadcast_in_dim3A_30 in 1 : vector<2048x16xf32>, vector<2048x1xf32>, vector<2048x1xf32> -> vector<2048x18xf32>
    %dot_general3A = arith.constant dense<0.000000e+00> : vector<2048x256xf32>
    %dot_general3A_34 = tpu.matmul %concatenate3A_33, %concatenate3A, %dot_general3A {dimension_numbers = #tpu.dot_dimension_numbers<[1], [1], [0], [0], [0, 0, 1, 0], [], []>, transpose_lhs_hint = false} : vector<2048x18xf32>, vector<256x18xf32>, vector<2048x256xf32> -> vector<2048x256xf32>
    %max3A = arith.constant 0.000000e+00 : f32
    %max3A_35 = vector.broadcast %max3A : f32 to vector<2048x256xf32>
    %max3A_36 = arith.maximumf %dot_general3A_34, %max3A_35 : vector<2048x256xf32>
    %sqrt3A = math.sqrt %max3A_36 : vector<2048x256xf32>
    %mul3A_37 = arith.constant 1.000000e+01 : f32
    %mul3A_38 = vector.broadcast %mul3A_37 : f32 to vector<2048x256xf32>
    %mul3A_39 = arith.mulf %mul3A_38, %sqrt3A : vector<2048x256xf32>
    %sub3A_40 = arith.constant 1.000000e+01 : f32
    %sub3A_41 = vector.broadcast %sub3A_40 : f32 to vector<2048x256xf32>
    %sub3A_42 = arith.subf %sub3A_41, %mul3A_39 : vector<2048x256xf32>
    %max3A_43 = arith.constant 0.000000e+00 : f32
    %max3A_44 = vector.broadcast %max3A_43 : f32 to vector<2048x256xf32>
    %max3A_45 = arith.maximumf %sub3A_42, %max3A_44 : vector<2048x256xf32>
    %iota3A = tpu.iota {dimensions = array<i32: 1>} : vector<2048x256xi32>
    %get3A_46 = arith.constant 0 : index
    %get3A_47 = arith.constant 0 : index
    %get3A_48 = vector.load %arg2[%get3A_46, %get3A_47] : memref<2048x1xi32, #tpu.memory_space<vmem>>, vector<2048x1xi32>
    %add3A_49 = arith.constant 1 : i32
    %add3A_50 = vector.broadcast %add3A_49 : i32 to vector<2048x256xi32>
    %add3A_51 = arith.addi %iota3A, %add3A_50 : vector<2048x256xi32>
    %eq3A_52 = vector.broadcast %get3A_48 : vector<2048x1xi32> to vector<2048x256xi32>
    %eq3A_53 = arith.cmpi eq, %eq3A_52, %add3A_51 : vector<2048x256xi32>
    %select_n3A = arith.select %eq3A_53, %max3A_36, %max3A_45 : vector<2048x256xi1>, vector<2048x256xf32>
    %get3A_54 = arith.constant 0 : index
    %get3A_55 = arith.constant 0 : index
    %get3A_56 = vector.load %arg7[%get3A_54, %get3A_55] : memref<1x256xf32, #tpu.memory_space<vmem>>, vector<1x256xf32>
    %dot_general3A_57 = arith.constant dense<0.000000e+00> : vector<1x256xf32>
    %dot_general3A_58 = tpu.matmul %add3A_13, %select_n3A, %dot_general3A_57 {dimension_numbers = #tpu.dot_dimension_numbers<[0], [0], [1], [1], [0, 1, 1, 1], [], []>, transpose_lhs_hint = false} : vector<2048x1xf32>, vector<2048x256xf32>, vector<1x256xf32> -> vector<1x256xf32>
    %add3A_59 = arith.addf %get3A_56, %dot_general3A_58 : vector<1x256xf32>
    %swap3A = arith.constant 0 : index
    %swap3A_60 = arith.constant 0 : index
    %swap3A_61 = vector.load %arg7[%swap3A, %swap3A_60] : memref<1x256xf32, #tpu.memory_space<vmem>>, vector<1x256xf32>
    tpu.vector_store %arg7[%swap3A, %swap3A_60], %add3A_59 {strides = array<i32>} : memref<1x256xf32, #tpu.memory_space<vmem>>, vector<1x256xf32>,
    %eq3A_62 = arith.constant 3 : i32
    %eq3A_63 = arith.cmpi eq, %arg0, %eq3A_62 : i32
    %convert_element_type3A_64 = arith.extui %eq3A_63 : i1 to i32
    %cond3A_65 = arith.constant 0 : i32
    %cond3A_66 = arith.cmpi ne, %convert_element_type3A_64, %cond3A_65 : i32
    scf.if %cond3A_66 {
      %get3A_67 = arith.constant 0 : index
      %get3A_68 = arith.constant 0 : index
      %get3A_69 = vector.load %arg5[%get3A_67, %get3A_68] : memref<1x256xf32, #tpu.memory_space<vmem>>, vector<1x256xf32>
      %ge3A = arith.constant 0.000000e+00 : f32
      %ge3A_70 = vector.broadcast %ge3A : f32 to vector<1x256xf32>
      %ge3A_71 = arith.cmpf oge, %get3A_69, %ge3A_70 : vector<1x256xf32>
      %convert_element_type3A_72 = arith.extui %ge3A_71 : vector<1x256xi1> to vector<1x256xi32>
      %convert_element_type3A_73 = arith.sitofp %convert_element_type3A_72 : vector<1x256xi32> to vector<1x256xf32>
      %ge3A_74 = arith.constant 0.000000e+00 : f32
      %ge3A_75 = vector.broadcast %ge3A_74 : f32 to vector<1x256xf32>
      %ge3A_76 = arith.cmpf oge, %get3A_69, %ge3A_75 : vector<1x256xf32>
      %jit3A = arith.constant 0.000000e+00 : f32
      %broadcast_in_dim3A_77 = vector.broadcast %jit3A : f32 to vector<1x256xf32>
      %select_n3A_78 = arith.select %ge3A_76, %get3A_69, %broadcast_in_dim3A_77 : vector<1x256xi1>, vector<1x256xf32>
      %add3A_79 = arith.constant 1.000000e+00 : f32
      %add3A_80 = vector.broadcast %add3A_79 : f32 to vector<1x256xf32>
      %add3A_81 = arith.addf %add3A_80, %select_n3A_78 : vector<1x256xf32>
      %sub3A_82 = arith.constant 1.000000e+00 : f32
      %sub3A_83 = vector.broadcast %sub3A_82 : f32 to vector<1x256xf32>
      %sub3A_84 = arith.subf %sub3A_83, %select_n3A_78 : vector<1x256xf32>
      %div3A_85 = arith.divf %add3A_81, %sub3A_84 : vector<1x256xf32>
      %log3A_86 = math.log %div3A_85 : vector<1x256xf32>
      %mul3A_87 = arith.constant 5.000000e-01 : f32
      %mul3A_88 = vector.broadcast %mul3A_87 : f32 to vector<1x256xf32>
      %mul3A_89 = arith.mulf %mul3A_88, %log3A_86 : vector<1x256xf32>
      %mul3A_90 = arith.mulf %mul3A_89, %mul3A_89 : vector<1x256xf32>
      %add3A_91 = arith.constant 0.00999999977 : f32
      %add3A_92 = vector.broadcast %add3A_91 : f32 to vector<1x256xf32>
      %add3A_93 = arith.addf %mul3A_90, %add3A_92 : vector<1x256xf32>
      %get3A_94 = arith.constant 0 : index
      %get3A_95 = arith.constant 0 : index
      %get3A_96 = vector.load %arg7[%get3A_94, %get3A_95] : memref<1x256xf32, #tpu.memory_space<vmem>>, vector<1x256xf32>
      %mul3A_97 = arith.mulf %add3A_93, %get3A_96 : vector<1x256xf32>
      %mul3A_98 = arith.mulf %mul3A_97, %convert_element_type3A_73 : vector<1x256xf32>
      %reduce_sum3A_99 = vector.shape_cast %mul3A_98 : vector<1x256xf32> to vector<1x1x256xf32>
      %reduce_sum3A_100 = arith.constant dense<0.000000e+00> : vector<1xf32>
      %reduce_sum3A_101 = vector.multi_reduction <add>, %reduce_sum3A_99, %reduce_sum3A_100 [1, 2] : vector<1x1x256xf32> to vector<1xf32>
      %reduce_sum3A_102 = vector.shape_cast %reduce_sum3A_101 : vector<1xf32> to vector<1x1x1xf32>
      %reduce_sum3A_103 = vector.extract %reduce_sum3A_102[0, 0, 0] : f32 from vector<1x1x1xf32>
      %broadcast_in_dim3A_104 = vector.broadcast %reduce_sum3A_103 : f32 to vector<1x1xf32>
      %div3A_105 = arith.constant 8.192000e+03 : f32
      %div3A_106 = vector.broadcast %div3A_105 : f32 to vector<1x1xf32>
      %div3A_107 = arith.divf %broadcast_in_dim3A_104, %div3A_106 : vector<1x1xf32>
      %swap3A_108 = arith.constant 0 : index
      %swap3A_109 = arith.constant 0 : index
      %swap3A_110 = vector.load %arg6[%swap3A_108, %swap3A_109] : memref<1x1xf32, #tpu.memory_space<vmem>>, vector<1x1xf32>
      tpu.vector_store %arg6[%swap3A_108, %swap3A_109], %div3A_107 {strides = array<i32>} : memref<1x1xf32, #tpu.memory_space<vmem>>, vector<1x1xf32>,
    } else {
    }
    return
  }
  func.func @transform_0(%arg0: i32) -> (i32, i32) {
    %c0_i32 = arith.constant 0 : i32
    %c0_i32_0 = arith.constant 0 : i32
    return %arg0, %c0_i32 : i32, i32
  }
  func.func @transform_1(%arg0: i32) -> (i32, i32) {
    %c0_i32 = arith.constant 0 : i32
    %c0_i32_0 = arith.constant 0 : i32
    return %arg0, %c0_i32 : i32, i32
  }
  func.func @transform_2(%arg0: i32) -> (i32, i32) {
    %c0_i32 = arith.constant 0 : i32
    %c0_i32_0 = arith.constant 0 : i32
    return %arg0, %c0_i32 : i32, i32
  }
  func.func @transform_3(%arg0: i32) -> (i32, i32) {
    %c0_i32 = arith.constant 0 : i32
    %c0_i32_0 = arith.constant 0 : i32
    %c0_i32_1 = arith.constant 0 : i32
    return %c0_i32, %c0_i32_0 : i32, i32
  }
  func.func @transform_4(%arg0: i32) -> (i32, i32) {
    %c0_i32 = arith.constant 0 : i32
    %c0_i32_0 = arith.constant 0 : i32
    %c0_i32_1 = arith.constant 0 : i32
    return %c0_i32, %c0_i32_0 : i32, i32
  }
  func.func @transform_5(%arg0: i32) -> (i32, i32) {
    %c0_i32 = arith.constant 0 : i32
    %c0_i32_0 = arith.constant 0 : i32
    %c0_i32_1 = arith.constant 0 : i32
    return %c0_i32, %c0_i32_0 : i32, i32
  }
}

</mosaic_0001>

<sc_bundles>
// kernel: _potential_loss.4.cloned.1.call-start
scs
__scs_entry_jumppad:
0x0: {  	(pc) =	sbr.rel $0x88, $3  }
0x1: {  	(tag) =	ssettag $0x0;
	lr =	simm.s32 $0x1  }
0x2: {  	[smem:$0x3F9E] =	sst lr;
	_ =	strace $0xD0000000  }
0x3: {  	_ = 	snop  }
0x4: {  	_ = 	snop  }
0x5: {  	_ = 	snop  }
0x6: {  	_ = 	snop  }
0x7: {  	_ = 	snop  }
__scs_overlays_trampoline_lowered:
0x8: {  	[smem:$0x3FAD] =	sst s0  }
0x9: {  	[smem:$0x3FAE] =	sst s1  }
0xa: {  	[smem:$0x3FAF] =	sst s2  }
0xb: {  	[smem:$0x3FB0] =	sst s3  }
0xc: {  	[smem:$0x3FB1] =	sst s4  }
0xd: {  	[smem:$0x3FB2] =	sst s5  }
0xe: {  	[smem:$0x3FB3] =	sst s6  }
0xf: {  	[smem:$0x3FB4] =	sst s7  }
0x10: {  	[smem:$0x3FB5] =	sst s8  }
0x11: {  	[smem:$0x3FB6] =	sst s9;
	s0 =	simm.s32 @!p0 $0x0  }
0x12: {  	s1 =	sld [smem:$0x3F9C];
	s0 =	simm.s32 @p0 $0x1  }
0x13: {  	[smem:$0x3FB7] =	sst s0;
	s0 =	simm.s32 @!p1 $0x0  }
0x14: {  	s2 =	sld [smem:$0x3F9B];
	s0 =	simm.s32 @p1 $0x1  }
0x15: {  	[smem:$0x3FB8] =	sst s0;
	s0 =	simm.s32 @!p2 $0x0  }
0x16: {  	s3 =	sld [smem:$0x3FDB];
	s0 =	simm.s32 @p2 $0x1  }
0x17: {  	s4 =	simm.s32 $0x1BF5;
	[smem:$0x3FBA] =	sst s0  }
0x18: {  	s0 =	sld [smem:$0x3F9D];
	_ =	swait.ge [sflag:s4], $0x0  }
0x19: {  	s7 =	sld [smem:$0x3F9E]  }
0x1a: {  	s8 =	sadd.s32 $0xFFFFE003, lr  }
0x1b: {  	s9 =	sadd.s32 $0xFFFFFEF7, lr;
	s5 =	simm.s32 $0xFFFFFFFF;
	p2 =	slt.u32 s8, $0xFFFFF086  }
0x1c: {  	p1 =	slt.u32 s9, $0xF7A;
	s5 =	simm.s32 @!p2 $0x0  }
0x1d: {  	s5 =	simm.s32 @p1 $0x1;
	p0 =	seq.s32 s7, s2  }
0x1e: {  	s7 =	smul.u32 @!p0 $0xF7A, s2;
	p2 =	seq.s32 @!p0 s5, $0x0  }
0x1f: {  	s9 =	smul.u32 $0xF7A, s1;
	s8 =	simm.s32 @!p0 $0x1BF5;
	p2 =	por !p2, p0  }
0x20: {  	[sflag:s8] =	ssyncset.s32 @!p0 $0xFFFFF086;
	s6 =	sadd.s32 @!p0 s3, s7;
	s7 =	simm.s32 @!p0 $0x108  }
0x21: {  	s3 =	sadd.s32 s3, s9;
	s6 =	sadd.s32 @!p0 $0x88, s6;
	s7 =	simm.s32 @p2 $0x1082  }
0x22: {  	[simem:s7], [sflag:s8] =	dma.local @!p0 [hbm:s6], $0xF7A  }
0x23: {  	s9 =	sor.u32 $0xD0000000, s2;
	s6 =	simm.s32 $0x108;
	_ =	swait.ge @!p0 [sflag:s8], $0x0  }
0x24: {  	s3 =	sadd.s32 $0x88, s3;
	s6 =	simm.s32 @!p1 $0x1082;
	[sflag:s4] =	ssyncset.s32 $0xFFFFF086  }
0x25: {  	[simem:s6], [sflag:s4] =	dma.local [hbm:s3], $0xF7A  }
0x26: {  	[smem:$0x3F9E] =	sst s1;
	(tag) =	ssettag s2;
	_ =	strace s9  }
0x27: {  	s1 =	sld [smem:$0x3FAE]  }
0x28: {  	s2 =	sld [smem:$0x3FAF]  }
0x29: {  	s4 =	sld [smem:$0x3FB1]  }
0x2a: {  	p0 =	seq.s32 s5, $0x0;
	s5 =	sld [smem:$0x3FB2]  }
0x2b: {  	s6 =	sld [smem:$0x3FB3]  }
0x2c: {  	s7 =	sld [smem:$0x3FB4]  }
0x2d: {  	s3 =	simm.s32 $0x108;
	s8 =	sld [smem:$0x3FB5]  }
0x2e: {  	s3 =	simm.s32 @!p0 $0x1082;
	s9 =	sld [smem:$0x3FB6]  }
0x2f: {  	lr =	sadd.s32 s0, s3;
	s0 =	sld [smem:$0x3FAD]  }
0x30: {  	s3 =	sld [smem:$0x3FB0]  }
0x31: {  	[smem:$0x3FB9] =	sst s10  }
0x32: {  	s10 =	sld [smem:$0x3FB7];
	_ =	sdelay $0x3  }
0x33: {  	p0 =	seq.s32 s10, $0x1;
	s10 =	sld [smem:$0x3FB9];
	_ =	sdelay $0x3  }
0x34: {  	[smem:$0x3FB9] =	sst s10  }
0x35: {  	s10 =	sld [smem:$0x3FB8];
	_ =	sdelay $0x3  }
0x36: {  	p1 =	seq.s32 s10, $0x1;
	s10 =	sld [smem:$0x3FB9];
	_ =	sdelay $0x3  }
0x37: {  	[smem:$0x3FB9] =	sst s10  }
0x38: {  	s10 =	sld [smem:$0x3FBA]  }
0x39: {  	_ = 	snop;
	(pc) =	sbr.ind lr, $3  }
0x3a: {  	_ = 	snop  }
0x3b: {  	_ = 	snop  }
0x3c: {  	p2 =	seq.s32 s10, $0x1;
	s10 =	sld [smem:$0x3FB9]  }
0x3d: {  	_ =	shalt  }
0x3e: {  	_ =	shalt  }
0x3f: {  	_ =	shalt  }
0x40: {  	_ =	shalt  }
0x41: {  	_ =	shalt  }
0x42: {  	_ =	shalt  }
0x43: {  	_ =	shalt  }
0x44: {  	_ =	shalt  }
0x45: {  	_ =	shalt  }
0x46: {  	_ =	shalt  }
0x47: {  	_ =	shalt  }
0x48: {  	_ =	shalt  }
0x49: {  	_ =	shalt  }
0x4a: {  	_ =	shalt  }
0x4b: {  	_ =	shalt  }
0x4c: {  	_ =	shalt  }
0x4d: {  	_ =	shalt  }
0x4e: {  	_ =	shalt  }
0x4f: {  	_ =	shalt  }
0x50: {  	_ =	shalt  }
0x51: {  	_ =	shalt  }
0x52: {  	_ =	shalt  }
0x53: {  	_ =	shalt  }
0x54: {  	_ =	shalt  }
0x55: {  	_ =	shalt  }
0x56: {  	_ =	shalt  }
0x57: {  	_ =	shalt  }
0x58: {  	_ =	shalt  }
0x59: {  	_ =	shalt  }
0x5a: {  	_ =	shalt  }
0x5b: {  	_ =	shalt  }
0x5c: {  	_ =	shalt  }
0x5d: {  	_ =	shalt  }
0x5e: {  	_ =	shalt  }
0x5f: {  	_ =	shalt  }
0x60: {  	_ =	shalt  }
0x61: {  	_ =	shalt  }
0x62: {  	_ =	shalt  }
0x63: {  	_ =	shalt  }
0x64: {  	_ =	shalt  }
0x65: {  	_ =	shalt  }
0x66: {  	_ =	shalt  }
0x67: {  	_ =	shalt  }
0x68: {  	_ =	shalt  }
0x69: {  	_ =	shalt  }
0x6a: {  	_ =	shalt  }
0x6b: {  	_ =	shalt  }
0x6c: {  	_ =	shalt  }
0x6d: {  	_ =	shalt  }
0x6e: {  	_ =	shalt  }
0x6f: {  	_ =	shalt  }
0x70: {  	_ =	shalt  }
0x71: {  	_ =	shalt  }
0x72: {  	_ =	shalt  }
0x73: {  	_ =	shalt  }
0x74: {  	_ =	shalt  }
0x75: {  	_ =	shalt  }
0x76: {  	_ =	shalt  }
0x77: {  	_ =	shalt  }
0x78: {  	_ =	shalt  }
0x79: {  	_ =	shalt  }
0x7a: {  	_ =	shalt  }
0x7b: {  	_ =	shalt  }
0x7c: {  	_ =	shalt  }
0x7d: {  	_ =	shalt  }
0x7e: {  	_ =	shalt  }
0x7f: {  	_ =	shalt  }
0x80: {  	_ =	shalt  }
0x81: {  	_ =	shalt  }
0x82: {  	_ =	shalt  }
0x83: {  	_ =	shalt  }
0x84: {  	_ =	shalt  }
0x85: {  	_ =	shalt  }
0x86: {  	_ =	shalt  }
0x87: {  	_ =	shalt  }
.Lfunc_end0:
.L_simem_size_0:
called_computation_lowered:
.L_overlay_start_0:
0x88: {  	s0 =	sld [smem:$0x3FD9]  }
0x89: {  	s1 =	sld [smem:$0x3FFE];
	_ =	sdelay $0x3  }
0x8a: {  	s0 =	sadd.s32 s1, s0  }
0x8b: {  	[smem:$0x3FC5] =	sst s0  }
0x8c: {  	_ = 	snop  }
0x8d: {  	s0 =	sld [smem:$0x3FC9]  }
0x8e: {  	s16 =	sld [smem:$0x3FC7];
	(tm) =	ssettm $0x1  }
0x8f: {  	s2 =	sld [smem:$0x3FFB];
	_ =	sdelay $0x3  }
0x90: {  	_ =	strace s2  }
0x91: {  	s2 =	sld [smem:$0x3FFC];
	_ =	sdelay $0x3  }
0x92: {  	_ =	strace s2  }
0x93: {  	s2 =	sld [smem:$0x3FFD];
	_ =	sdelay $0x3  }
0x94: {  	_ =	strace s2  }
0x95: {  	_ =	strace $0x8FFFFFFF  }
0x96: {  	s17 =	sld [smem:$0x3FDB];
	_ =	sdelay $0x1  }
0x97: {  	s3 =	simm.s32 $_scs_section_size  }
0x98: {  	s4 =	simm.s32 $_size__tile_overlayer_lowered;
	s5 =	simm.s32 $_tile_overlayer_lowered  }
0x99: {  	s20 =	simm.s32 $0x1BFF;
	s19 =	sshll.u32 s5, $0x1;
	s2 =	sadd.s32 s3, s17  }
0x9a: {  	s6 =	simm.s32 $0x0;
	s18 =	sshll.u32 s4, $0x1;
	s4 =	sadd.s32 s19, s2  }
0x9b: {  	[timem:s6], [sflag:s20] =	dma.local [hbm:s4], s18  }
0x9c: {  	_ =	swait.ge [sflag:s20], s18  }
0x9d: {  	s3 =	ssub.s32 $0x0, s18;
	[sflag:s20] =	ssyncset.done $0x0  }
0x9e: {  	[sflag:s20] =	ssyncadd.s32 s3;
	_ =	sdelay $0x1  }
0x9f: {  	s21 =	simm.s32 $0x1B8B  }
0xa0: {  	_ =	swait.ge [sflag:s21], $0x1  }
0xa1: {  	[sflag:s21] =	ssyncset.done $0x0  }
0xa2: {  	s23 =	simm.s32 $0x1B8E;
	s22 =	sld [smem:$0x3FFE];
	[sflag:s21] =	ssyncadd.s32 $0xFFFFFFFF  }
0xa3: {  	s24 =	simm.s32 $execute0_lowered;
	[smem:$0x3FD2] =	sst s23  }
0xa4: {  	s4 =	sshll.u32 s24, $0x1;
	_ =	strace $0x80000046;
	[dreg:$0x1] =	wrdreg $0xFFFFFFFF  }
0xa5: {  	s25 =	simm.s32 $_size_execute0_lowered;
	s2 =	sadd.s32 s2, s4;
	[dreg:$0x0] =	wrdreg $0x0  }
0xa6: {  	s4 =	sshll.u32 s25, $0x1;
	[dreg:$0x2] =	wrdreg s2  }
0xa7: {  	[dreg:$0x3] =	wrdreg s4  }
0xa8: {  	[dreg:$0x4] =	wrdreg $0xC0  }
0xa9: {  	_ =	task [dreg:s6], $0x5FFFF  }
0xaa: {  	[dreg:$0x1] =	wrdreg $0xFFFFFFFF  }
0xab: {  	[dreg:$0x0] =	wrdreg $0x60  }
0xac: {  	[dreg:$0x2] =	wrdreg s0  }
0xad: {  	[dreg:$0x3] =	wrdreg s16  }
0xae: {  	[dreg:$0x4] =	wrdreg s22  }
0xaf: {  	[dreg:$0x5] =	wrdreg $0x6000  }
0xb0: {  	[dreg:$0x6] =	wrdreg $0x7000  }
0xb1: {  	[dreg:$0x7] =	wrdreg $0x9  }
0xb2: {  	_ =	task.clear_ibuf [dreg:s6], $0x8FFFF;
	_ =	strace $0x90000046  }
0xb3: {  	s26 =	simm.s32 $0x9;
	_ =	strace $0x80000048  }
0xb4: {  	_ =	swait.ge [sflag:s26], $0x1  }
0xb5: {  	[sflag:s26] =	ssyncadd.s32 $0xFFFFFFFF  }
0xb6: {  	_ =	strace $0x90000048  }
0xb7: {  	_ =	sfence  }
0xb8: {  	s28 =	sld [smem:$0x0];
	_ =	sdelay $0x1  }
0xb9: {  	s29 =	srdreg.scid  }
0xba: {  	s30 =	sshll.u32 s29, $0xD;
	s31 =	sshrl.u32 s29, $0x2  }
0xbb: {  	s1 =	sand.u32 $0x1, s29;
	s2 =	sand.u32 $0x4000, s30;
	s0 =	sadd.s32 s31, s28  }
0xbc: {  	s1 =	sor.u32 s2, s1;
	s0 =	sshll.u32 s0, $0x11  }
0xbd: {  	s0 =	sor.u32 s0, s1  }
0xbe: {  	s0 =	sadd.s32 $0x8F2B, s0  }
0xbf: {  	[sflag:s0] =	ssyncadd.remote.s32 $0x1  }
0xc0: {  	_ =	sfence.sel $0xFFFF  }
0xc1: {  	[dreg:$0x0] =	wrdreg $0xFFFFFFFF;
	(pc) =	sbr.abs _section_cstart, $3  }
0xc2: {  	[dreg:$0x1] =	wrdreg $0xFFFFFFFF  }
0xc3: {  	_ =	task.clear_ibuf [dreg:s6], $0x2FFFF;
	_ =	strace $0x9FFFFFFF  }
0xc4: {  	(tm) =	ssettm $0x7FFFFFFF  }
0xc5: {  	_ =	shalt  }
tec
execute0_lowered:
.L_overlay_start_1:
0x0: {  	(tag) =	ssettag $0x1  }
0x1: {  	s5 =	rddreg [dreg:$0x0]  }
0x2: {  	s6 =	rddreg [dreg:$0x1]  }
0x3: {  	s4 =	rddreg [dreg:$0x2]  }
0x4: {  	s3 =	rddreg [dreg:$0x3]  }
0x5: {  	s2 =	rddreg [dreg:$0x4]  }
0x6: {  	s0 =	rddreg [dreg:$0x5];
	s7 =	simm.s32 $0x0;
	s1 =	stileid.u32  }
0x7: {  	[smem:$0x7FF] =	sst s7;
	s8 =	sshll.u32 s1, $0x6  }
0x8: {  	s28 =	simm.s32 $0x2;
	_ =	strace $0x80000047;
	s5 =	sadd.s32 s5, s8  }
0x9: {  	[tilespmem:s7], [sflag:$0x2] =	stream.linear.gather [hbm4b:s5+s7], $0x200, $0x38;
	[tilespmem:$0x2920] =	vst v63  }
0xa: {  	_ =	swait.ge [sflag:s28], $0x200  }
0xb: {  	[sflag:s28] =	ssyncset.done $0x0  }
0xc: {  	s29 =	simm.s32 $0x200;
	s6 =	sadd.s32 s6, s8;
	[sflag:s28] =	ssyncadd.s32 $0xFFFFFE00  }
0xd: {  	[tilespmem:s29], [sflag:$0x2] =	stream.linear.gather [hbm4b:s6+s7], $0x200, $0x38;
	[tilespmem:$0x2920] =	vst v63  }
0xe: {  	_ =	swait.ge [sflag:s28], $0x200  }
0xf: {  	[sflag:s28] =	ssyncset.done $0x0  }
0x10: {  	v0 =	vimm.f32 $-1.000000000e+00;
	[sflag:s28] =	ssyncadd.s32 $0xFFFFFE00  }
0x11: {  	v2 =	vimm.s32 $0x40000000;
	[tilespmem:$0x400] =	vst v0  }
0x12: {  	[tilespmem:$0x500] =	vst v2  }
0x13: {  	[tilespmem:$0x410] =	vst v0  }
0x14: {  	[tilespmem:$0x510] =	vst v2  }
0x15: {  	[tilespmem:$0x420] =	vst v0  }
0x16: {  	[tilespmem:$0x520] =	vst v2  }
0x17: {  	[tilespmem:$0x430] =	vst v0  }
0x18: {  	[tilespmem:$0x530] =	vst v2  }
0x19: {  	[tilespmem:$0x440] =	vst v0  }
0x1a: {  	[tilespmem:$0x540] =	vst v2  }
0x1b: {  	[tilespmem:$0x450] =	vst v0  }
0x1c: {  	[tilespmem:$0x550] =	vst v2  }
0x1d: {  	[tilespmem:$0x460] =	vst v0  }
0x1e: {  	[tilespmem:$0x560] =	vst v2  }
0x1f: {  	[tilespmem:$0x470] =	vst v0  }
0x20: {  	[tilespmem:$0x570] =	vst v2  }
0x21: {  	[tilespmem:$0x480] =	vst v0  }
0x22: {  	[tilespmem:$0x580] =	vst v2  }
0x23: {  	[tilespmem:$0x490] =	vst v0  }
0x24: {  	[tilespmem:$0x590] =	vst v2  }
0x25: {  	[tilespmem:$0x4A0] =	vst v0;
	v3 =	vld [tilespmem:$0x200]  }
0x26: {  	[tilespmem:$0x5A0] =	vst v2  }
0x27: {  	[tilespmem:$0x4B0] =	vst v0  }
0x28: {  	[tilespmem:$0x5B0] =	vst v2  }
0x29: {  	[tilespmem:$0x4C0] =	vst v0  }
0x2a: {  	[tilespmem:$0x5C0] =	vst v2;
	vm0 =	vgt.s32 v3, $0x1  }
0x2b: {  	[tilespmem:$0x4D0] =	vst v0;
	v1 =	vnsel vm0, $0x1, v3  }
0x2c: {  	[tilespmem:$0x5D0] =	vst v2;
	v1 =	vadd.s32 $0xFFFFFFFF, v1  }
0x2d: {  	[tilespmem:$0x4E0] =	vst v0  }
0x2e: {  	[tilespmem:$0x5E0] =	vst v2  }
0x2f: {  	[tilespmem:$0x4F0] =	vst v0  }
0x30: {  	s6 =	simm.s32 $0x400;
	[tilespmem:$0x5F0] =	vst v2;
	v4 =	vld [tilespmem:$0x0]  }
0x31: {  	s7 =	simm.s32 $0x500;
	v2 =	vld.idx.msk [tilespmem:v1+s6+$0x0], $0xffff  }
0x32: {  	v6 =	vld.idx.msk [tilespmem:v1+s7+$0x0], $0xffff;
	_ =	sdelay $0x2  }
0x33: {  	s5 =	sshll.u32 s1, $0x9;
	v0 =	vlaneseq.u32  }
0x34: {  	v5 =	vor.u32 s5, v0  }
0x35: {  	vm0 =	veq.f32 v4, v2;
	vm1 =	vlt.s32 v5, v6  }
0x36: {  	vm2 =	vgt.f32 v4, v2;
	vm1 =	vmand vm0, vm1  }
0x37: {  	vm0 =	vgt.s32 v3, $0x0;
	vm1 =	vmor vm2, vm1  }
0x38: {  	v3 =	vimm.f32 $0.0e+00;
	vm1 =	vmand vm0, vm1  }
0x39: {  	v2 =	vsel vm1, $0x3F800000, v3  }
0x3a: {  	(xrf0) =	vmax.scan.msk.f32 $0xffff, v2;
	_ =	sdelay $0x5  }
0x3b: {  	v2, _, _ =	vpop (xrf0)  }
0x3c: {  	(v2sf) =	vpush v2, $0xF;
	_ =	sdelay $0xe  }
0x3d: {  	s30 =	spop (v2sf)  }
0x3e: {  	p0 =	sgt.f32 s30, $0.0e+00  }
.Ltmp0:
0x3f: {  	_ = 	snop;
	(pc) =	sbr.rel @!p0 .LBB2_2-.Ltmp0, $3  }
0x40: {  	_ =	sdelay $0x1  }
0x41: {  	s31 =	sor.u32 $0x10, s5  }
0x42: {  	s8 =	sor.u32 $0x20, s5;
	v2 =	vor.u32 s31, v0  }
.LBB2_1:
0x43: {  	[tilespmem:v1+s6+$0x0] =	vst.idx.msk vm1, v4  }
0x44: {  	[tilespmem:v1+s7+$0x0] =	vst.idx.msk vm1, v5  }
0x45: {  	v6 =	vld.idx.msk [tilespmem:v1+s6+$0x0], $0xffff  }
0x46: {  	v7 =	vld.idx.msk [tilespmem:v1+s7+$0x0], $0xffff;
	_ =	sdelay $0x4  }
0x47: {  	vm1 =	veq.f32 v4, v6;
	vm2 =	vlt.s32 v5, v7  }
0x48: {  	vm3 =	vgt.f32 v4, v6;
	vm1 =	vmand vm1, vm2  }
0x49: {  	vm1 =	vmor vm3, vm1  }
0x4a: {  	vm1 =	vmand vm0, vm1  }
0x4b: {  	v6 =	vsel vm1, $0x3F800000, v3  }
0x4c: {  	(xrf0) =	vmax.scan.msk.f32 $0xffff, v6;
	_ =	sdelay $0x5  }
0x4d: {  	v6, _, _ =	vpop (xrf0)  }
0x4e: {  	(v2sf) =	vpush v6, $0xF;
	_ =	sdelay $0xe  }
0x4f: {  	s9 =	spop (v2sf)  }
0x50: {  	p0 =	sgt.f32 s9, $0.0e+00  }
.Ltmp1:
0x51: {  	_ = 	snop;
	(pc) =	sbr.rel @p0 .LBB2_1-.Ltmp1, $1  }
0x52: {  	_ =	sdelay $0x3  }
.LBB2_2:
0x53: {  	v1 =	vld [tilespmem:$0x210];
	_ =	sdelay $0x4  }
0x54: {  	vm0 =	vgt.s32 v1, $0x1  }
0x55: {  	v4 =	vnsel vm0, $0x1, v1  }
0x56: {  	v4 =	vadd.s32 $0xFFFFFFFF, v4;
	_ =	sdelay $0x3  }
0x57: {  	v5 =	vld [tilespmem:$0x10]  }
0x58: {  	v6 =	vld.idx.msk [tilespmem:v4+s6+$0x0], $0xffff  }
0x59: {  	v7 =	vld.idx.msk [tilespmem:v4+s7+$0x0], $0xffff;
	_ =	sdelay $0x4  }
0x5a: {  	vm0 =	veq.f32 v5, v6;
	vm1 =	vlt.s32 v2, v7  }
0x5b: {  	vm2 =	vgt.f32 v5, v6;
	vm1 =	vmand vm0, vm1  }
0x5c: {  	vm0 =	vgt.s32 v1, $0x0;
	vm1 =	vmor vm2, vm1  }
0x5d: {  	vm1 =	vmand vm0, vm1  }
0x5e: {  	v1 =	vsel vm1, $0x3F800000, v3  }
0x5f: {  	(xrf0) =	vmax.scan.msk.f32 $0xffff, v1;
	_ =	sdelay $0x5  }
0x60: {  	v1, _, _ =	vpop (xrf0)  }
0x61: {  	(v2sf) =	vpush v1, $0xF;
	_ =	sdelay $0xe  }
0x62: {  	s31 =	spop (v2sf)  }
0x63: {  	p0 =	sgt.f32 s31, $0.0e+00  }
.Ltmp2:
0x64: {  	_ = 	snop;
	(pc) =	sbr.rel @!p0 .LBB2_5-.Ltmp2, $2  }
0x65: {  	_ =	sdelay $0x2  }
0x66: {  	s6 =	sor.u32 $0x30, s5;
	v1 =	vor.u32 s8, v0  }
0x67: {  	s7 =	simm.s32 $0x400;
	s8 =	simm.s32 $0x500;
	v3 =	vimm.f32 $0.0e+00  }
.LBB2_4:
0x68: {  	[tilespmem:v4+s7+$0x0] =	vst.idx.msk vm1, v5  }
0x69: {  	[tilespmem:v4+s8+$0x0] =	vst.idx.msk vm1, v2  }
0x6a: {  	v6 =	vld.idx.msk [tilespmem:v4+s7+$0x0], $0xffff  }
0x6b: {  	v7 =	vld.idx.msk [tilespmem:v4+s8+$0x0], $0xffff;
	_ =	sdelay $0x4  }
0x6c: {  	vm1 =	veq.f32 v5, v6;
	vm2 =	vlt.s32 v2, v7  }
0x6d: {  	vm3 =	vgt.f32 v5, v6;
	vm1 =	vmand vm1, vm2  }
0x6e: {  	vm1 =	vmor vm3, vm1  }
0x6f: {  	vm1 =	vmand vm0, vm1  }
0x70: {  	v6 =	vsel vm1, $0x3F800000, v3  }
0x71: {  	(xrf0) =	vmax.scan.msk.f32 $0xffff, v6;
	_ =	sdelay $0x5  }
0x72: {  	v6, _, _ =	vpop (xrf0)  }
0x73: {  	(v2sf) =	vpush v6, $0xF;
	_ =	sdelay $0xe  }
0x74: {  	s9 =	spop (v2sf)  }
0x75: {  	p0 =	sgt.f32 s9, $0.0e+00  }
.Ltmp3:
0x76: {  	_ = 	snop;
	(pc) =	sbr.rel @p0 .LBB2_4-.Ltmp3, $1  }
0x77: {  	_ =	sdelay $0x3  }
.LBB2_5:
0x78: {  	v2 =	vld [tilespmem:$0x220];
	_ =	sdelay $0x4  }
0x79: {  	vm0 =	vgt.s32 v2, $0x1  }
0x7a: {  	v3 =	vnsel vm0, $0x1, v2  }
0x7b: {  	v4 =	vadd.s32 $0xFFFFFFFF, v3;
	_ =	sdelay $0x3  }
0x7c: {  	v5 =	vld [tilespmem:$0x20];
	s7 =	simm.s32 $0x400  }
0x7d: {  	s8 =	simm.s32 $0x500;
	v3 =	vld.idx.msk [tilespmem:v4+s7+$0x0], $0xffff  }
0x7e: {  	v6 =	vld.idx.msk [tilespmem:v4+s8+$0x0], $0xffff;
	_ =	sdelay $0x4  }
0x7f: {  	vm0 =	veq.f32 v5, v3;
	vm1 =	vlt.s32 v1, v6  }
0x80: {  	vm2 =	vgt.f32 v5, v3;
	vm1 =	vmand vm0, vm1  }
0x81: {  	vm0 =	vgt.s32 v2, $0x0;
	vm1 =	vmor vm2, vm1  }
0x82: {  	v3 =	vimm.f32 $0.0e+00;
	vm1 =	vmand vm0, vm1  }
0x83: {  	v2 =	vsel vm1, $0x3F800000, v3  }
0x84: {  	(xrf0) =	vmax.scan.msk.f32 $0xffff, v2;
	_ =	sdelay $0x5  }
0x85: {  	v2, _, _ =	vpop (xrf0)  }
0x86: {  	(v2sf) =	vpush v2, $0xF;
	_ =	sdelay $0xe  }
0x87: {  	s9 =	spop (v2sf)  }
0x88: {  	p0 =	sgt.f32 s9, $0.0e+00  }
.Ltmp4:
0x89: {  	_ = 	snop;
	(pc) =	sbr.rel @!p0 .LBB2_7-.Ltmp4, $2  }
0x8a: {  	_ =	sdelay $0x2  }
0x8b: {  	v2 =	vor.u32 s6, v0;
	s9 =	sor.u32 $0x40, s5  }
.LBB2_6:
0x8c: {  	[tilespmem:v4+s7+$0x0] =	vst.idx.msk vm1, v5  }
0x8d: {  	[tilespmem:v4+s8+$0x0] =	vst.idx.msk vm1, v1  }
0x8e: {  	v6 =	vld.idx.msk [tilespmem:v4+s7+$0x0], $0xffff  }
0x8f: {  	v7 =	vld.idx.msk [tilespmem:v4+s8+$0x0], $0xffff;
	_ =	sdelay $0x4  }
0x90: {  	vm1 =	veq.f32 v5, v6;
	vm2 =	vlt.s32 v1, v7  }
0x91: {  	vm3 =	vgt.f32 v5, v6;
	vm1 =	vmand vm1, vm2  }
0x92: {  	vm1 =	vmor vm3, vm1  }
0x93: {  	vm1 =	vmand vm0, vm1  }
0x94: {  	v6 =	vsel vm1, $0x3F800000, v3  }
0x95: {  	(xrf0) =	vmax.scan.msk.f32 $0xffff, v6;
	_ =	sdelay $0x5  }
0x96: {  	v6, _, _ =	vpop (xrf0)  }
0x97: {  	(v2sf) =	vpush v6, $0xF;
	_ =	sdelay $0xe  }
0x98: {  	s6 =	spop (v2sf)  }
0x99: {  	p0 =	sgt.f32 s6, $0.0e+00  }
.Ltmp5:
0x9a: {  	_ = 	snop;
	(pc) =	sbr.rel @p0 .LBB2_6-.Ltmp5, $1  }
0x9b: {  	_ =	sdelay $0x3  }
.LBB2_7:
0x9c: {  	v1 =	vld [tilespmem:$0x230];
	_ =	sdelay $0x4  }
0x9d: {  	vm0 =	vgt.s32 v1, $0x1  }
0x9e: {  	v4 =	vnsel vm0, $0x1, v1  }
0x9f: {  	v4 =	vadd.s32 $0xFFFFFFFF, v4;
	_ =	sdelay $0x3  }
0xa0: {  	v5 =	vld [tilespmem:$0x30]  }
0xa1: {  	v6 =	vld.idx.msk [tilespmem:v4+s7+$0x0], $0xffff  }
0xa2: {  	v7 =	vld.idx.msk [tilespmem:v4+s8+$0x0], $0xffff;
	_ =	sdelay $0x4  }
0xa3: {  	vm0 =	veq.f32 v5, v6;
	vm1 =	vlt.s32 v2, v7  }
0xa4: {  	vm2 =	vgt.f32 v5, v6;
	vm1 =	vmand vm0, vm1  }
0xa5: {  	vm0 =	vgt.s32 v1, $0x0;
	vm1 =	vmor vm2, vm1  }
0xa6: {  	vm1 =	vmand vm0, vm1  }
0xa7: {  	v1 =	vsel vm1, $0x3F800000, v3  }
0xa8: {  	(xrf0) =	vmax.scan.msk.f32 $0xffff, v1;
	_ =	sdelay $0x5  }
0xa9: {  	v1, _, _ =	vpop (xrf0)  }
0xaa: {  	(v2sf) =	vpush v1, $0xF;
	_ =	sdelay $0xe  }
0xab: {  	s6 =	spop (v2sf)  }
0xac: {  	p0 =	sgt.f32 s6, $0.0e+00  }
.Ltmp6:
0xad: {  	_ = 	snop;
	(pc) =	sbr.rel @!p0 .LBB2_10-.Ltmp6, $2  }
0xae: {  	_ =	sdelay $0x2  }
0xaf: {  	v1 =	vor.u32 s9, v0;
	s6 =	sor.u32 $0x50, s5  }
0xb0: {  	s7 =	simm.s32 $0x400;
	s8 =	simm.s32 $0x500;
	v3 =	vimm.f32 $0.0e+00  }
.LBB2_9:
0xb1: {  	[tilespmem:v4+s7+$0x0] =	vst.idx.msk vm1, v5  }
0xb2: {  	[tilespmem:v4+s8+$0x0] =	vst.idx.msk vm1, v2  }
0xb3: {  	v6 =	vld.idx.msk [tilespmem:v4+s7+$0x0], $0xffff  }
0xb4: {  	v7 =	vld.idx.msk [tilespmem:v4+s8+$0x0], $0xffff;
	_ =	sdelay $0x4  }
0xb5: {  	vm1 =	veq.f32 v5, v6;
	vm2 =	vlt.s32 v2, v7  }
0xb6: {  	vm3 =	vgt.f32 v5, v6;
	vm1 =	vmand vm1, vm2  }
0xb7: {  	vm1 =	vmor vm3, vm1  }
0xb8: {  	vm1 =	vmand vm0, vm1  }
0xb9: {  	v6 =	vsel vm1, $0x3F800000, v3  }
0xba: {  	(xrf0) =	vmax.scan.msk.f32 $0xffff, v6;
	_ =	sdelay $0x5  }
0xbb: {  	v6, _, _ =	vpop (xrf0)  }
0xbc: {  	(v2sf) =	vpush v6, $0xF;
	_ =	sdelay $0xe  }
0xbd: {  	s9 =	spop (v2sf)  }
0xbe: {  	p0 =	sgt.f32 s9, $0.0e+00  }
.Ltmp7:
0xbf: {  	_ = 	snop;
	(pc) =	sbr.rel @p0 .LBB2_9-.Ltmp7, $1  }
0xc0: {  	_ =	sdelay $0x3  }
.LBB2_10:
0xc1: {  	v2 =	vld [tilespmem:$0x240];
	_ =	sdelay $0x4  }
0xc2: {  	vm0 =	vgt.s32 v2, $0x1  }
0xc3: {  	v3 =	vnsel vm0, $0x1, v2  }
0xc4: {  	v4 =	vadd.s32 $0xFFFFFFFF, v3;
	_ =	sdelay $0x3  }
0xc5: {  	v5 =	vld [tilespmem:$0x40];
	s7 =	simm.s32 $0x400  }
0xc6: {  	s8 =	simm.s32 $0x500;
	v3 =	vld.idx.msk [tilespmem:v4+s7+$0x0], $0xffff  }
0xc7: {  	v6 =	vld.idx.msk [tilespmem:v4+s8+$0x0], $0xffff;
	_ =	sdelay $0x4  }
0xc8: {  	vm0 =	veq.f32 v5, v3;
	vm1 =	vlt.s32 v1, v6  }
0xc9: {  	vm2 =	vgt.f32 v5, v3;
	vm1 =	vmand vm0, vm1  }
0xca: {  	vm0 =	vgt.s32 v2, $0x0;
	vm1 =	vmor vm2, vm1  }
0xcb: {  	v3 =	vimm.f32 $0.0e+00;
	vm1 =	vmand vm0, vm1  }
0xcc: {  	v2 =	vsel vm1, $0x3F800000, v3  }
0xcd: {  	(xrf0) =	vmax.scan.msk.f32 $0xffff, v2;
	_ =	sdelay $0x5  }
0xce: {  	v2, _, _ =	vpop (xrf0)  }
0xcf: {  	(v2sf) =	vpush v2, $0xF;
	_ =	sdelay $0xe  }
0xd0: {  	s9 =	spop (v2sf)  }
0xd1: {  	p0 =	sgt.f32 s9, $0.0e+00  }
.Ltmp8:
0xd2: {  	_ = 	snop;
	(pc) =	sbr.rel @!p0 .LBB2_12-.Ltmp8, $2  }
0xd3: {  	_ =	sdelay $0x2  }
0xd4: {  	v2 =	vor.u32 s6, v0;
	s9 =	sor.u32 $0x60, s5  }
.LBB2_11:
0xd5: {  	[tilespmem:v4+s7+$0x0] =	vst.idx.msk vm1, v5  }
0xd6: {  	[tilespmem:v4+s8+$0x0] =	vst.idx.msk vm1, v1  }
0xd7: {  	v6 =	vld.idx.msk [tilespmem:v4+s7+$0x0], $0xffff  }
0xd8: {  	v7 =	vld.idx.msk [tilespmem:v4+s8+$0x0], $0xffff;
	_ =	sdelay $0x4  }
0xd9: {  	vm1 =	veq.f32 v5, v6;
	vm2 =	vlt.s32 v1, v7  }
0xda: {  	vm3 =	vgt.f32 v5, v6;
	vm1 =	vmand vm1, vm2  }
0xdb: {  	vm1 =	vmor vm3, vm1  }
0xdc: {  	vm1 =	vmand vm0, vm1  }
0xdd: {  	v6 =	vsel vm1, $0x3F800000, v3  }
0xde: {  	(xrf0) =	vmax.scan.msk.f32 $0xffff, v6;
	_ =	sdelay $0x5  }
0xdf: {  	v6, _, _ =	vpop (xrf0)  }
0xe0: {  	(v2sf) =	vpush v6, $0xF;
	_ =	sdelay $0xe  }
0xe1: {  	s6 =	spop (v2sf)  }
0xe2: {  	p0 =	sgt.f32 s6, $0.0e+00  }
.Ltmp9:
0xe3: {  	_ = 	snop;
	(pc) =	sbr.rel @p0 .LBB2_11-.Ltmp9, $1  }
0xe4: {  	_ =	sdelay $0x3  }
.LBB2_12:
0xe5: {  	v1 =	vld [tilespmem:$0x250];
	_ =	sdelay $0x4  }
0xe6: {  	vm0 =	vgt.s32 v1, $0x1  }
0xe7: {  	v4 =	vnsel vm0, $0x1, v1  }
0xe8: {  	v4 =	vadd.s32 $0xFFFFFFFF, v4;
	_ =	sdelay $0x3  }
0xe9: {  	v5 =	vld [tilespmem:$0x50]  }
0xea: {  	v6 =	vld.idx.msk [tilespmem:v4+s7+$0x0], $0xffff  }
0xeb: {  	v7 =	vld.idx.msk [tilespmem:v4+s8+$0x0], $0xffff;
	_ =	sdelay $0x4  }
0xec: {  	vm0 =	veq.f32 v5, v6;
	vm1 =	vlt.s32 v2, v7  }
0xed: {  	vm2 =	vgt.f32 v5, v6;
	vm1 =	vmand vm0, vm1  }
0xee: {  	vm0 =	vgt.s32 v1, $0x0;
	vm1 =	vmor vm2, vm1  }
0xef: {  	vm1 =	vmand vm0, vm1  }
0xf0: {  	v1 =	vsel vm1, $0x3F800000, v3  }
0xf1: {  	(xrf0) =	vmax.scan.msk.f32 $0xffff, v1;
	_ =	sdelay $0x5  }
0xf2: {  	v1, _, _ =	vpop (xrf0)  }
0xf3: {  	(v2sf) =	vpush v1, $0xF;
	_ =	sdelay $0xe  }
0xf4: {  	s6 =	spop (v2sf)  }
0xf5: {  	p0 =	sgt.f32 s6, $0.0e+00  }
.Ltmp10:
0xf6: {  	_ = 	snop;
	(pc) =	sbr.rel @!p0 .LBB2_15-.Ltmp10, $2  }
0xf7: {  	_ =	sdelay $0x2  }
0xf8: {  	v1 =	vor.u32 s9, v0;
	s6 =	sor.u32 $0x70, s5  }
0xf9: {  	s7 =	simm.s32 $0x400;
	s8 =	simm.s32 $0x500;
	v3 =	vimm.f32 $0.0e+00  }
.LBB2_14:
0xfa: {  	[tilespmem:v4+s7+$0x0] =	vst.idx.msk vm1, v5  }
0xfb: {  	[tilespmem:v4+s8+$0x0] =	vst.idx.msk vm1, v2  }
0xfc: {  	v6 =	vld.idx.msk [tilespmem:v4+s7+$0x0], $0xffff  }
0xfd: {  	v7 =	vld.idx.msk [tilespmem:v4+s8+$0x0], $0xffff;
	_ =	sdelay $0x4  }
0xfe: {  	vm1 =	veq.f32 v5, v6;
	vm2 =	vlt.s32 v2, v7  }
0xff: {  	vm3 =	vgt.f32 v5, v6;
	vm1 =	vmand vm1, vm2  }
0x100: {  	vm1 =	vmor vm3, vm1  }
0x101: {  	vm1 =	vmand vm0, vm1  }
0x102: {  	v6 =	vsel vm1, $0x3F800000, v3  }
0x103: {  	(xrf0) =	vmax.scan.msk.f32 $0xffff, v6;
	_ =	sdelay $0x5  }
0x104: {  	v6, _, _ =	vpop (xrf0)  }
0x105: {  	(v2sf) =	vpush v6, $0xF;
	_ =	sdelay $0xe  }
0x106: {  	s9 =	spop (v2sf)  }
0x107: {  	p0 =	sgt.f32 s9, $0.0e+00  }
.Ltmp11:
0x108: {  	_ = 	snop;
	(pc) =	sbr.rel @p0 .LBB2_14-.Ltmp11, $1  }
0x109: {  	_ =	sdelay $0x3  }
.LBB2_15:
0x10a: {  	v2 =	vld [tilespmem:$0x260];
	_ =	sdelay $0x4  }
0x10b: {  	vm0 =	vgt.s32 v2, $0x1  }
0x10c: {  	v3 =	vnsel vm0, $0x1, v2  }
0x10d: {  	v4 =	vadd.s32 $0xFFFFFFFF, v3;
	_ =	sdelay $0x3  }
0x10e: {  	v5 =	vld [tilespmem:$0x60];
	s7 =	simm.s32 $0x400  }
0x10f: {  	s8 =	simm.s32 $0x500;
	v3 =	vld.idx.msk [tilespmem:v4+s7+$0x0], $0xffff  }
0x110: {  	v6 =	vld.idx.msk [tilespmem:v4+s8+$0x0], $0xffff;
	_ =	sdelay $0x4  }
0x111: {  	vm0 =	veq.f32 v5, v3;
	vm1 =	vlt.s32 v1, v6  }
0x112: {  	vm2 =	vgt.f32 v5, v3;
	vm1 =	vmand vm0, vm1  }
0x113: {  	vm0 =	vgt.s32 v2, $0x0;
	vm1 =	vmor vm2, vm1  }
0x114: {  	v3 =	vimm.f32 $0.0e+00;
	vm1 =	vmand vm0, vm1  }
0x115: {  	v2 =	vsel vm1, $0x3F800000, v3  }
0x116: {  	(xrf0) =	vmax.scan.msk.f32 $0xffff, v2;
	_ =	sdelay $0x5  }
0x117: {  	v2, _, _ =	vpop (xrf0)  }
0x118: {  	(v2sf) =	vpush v2, $0xF;
	_ =	sdelay $0xe  }
0x119: {  	s9 =	spop (v2sf)  }
0x11a: {  	p0 =	sgt.f32 s9, $0.0e+00  }
.Ltmp12:
0x11b: {  	_ = 	snop;
	(pc) =	sbr.rel @!p0 .LBB2_17-.Ltmp12, $2  }
0x11c: {  	_ =	sdelay $0x2  }
0x11d: {  	v2 =	vor.u32 s6, v0;
	s9 =	sor.u32 $0x80, s5  }
.LBB2_16:
0x11e: {  	[tilespmem:v4+s7+$0x0] =	vst.idx.msk vm1, v5  }
0x11f: {  	[tilespmem:v4+s8+$0x0] =	vst.idx.msk vm1, v1  }
0x120: {  	v6 =	vld.idx.msk [tilespmem:v4+s7+$0x0], $0xffff  }
0x121: {  	v7 =	vld.idx.msk [tilespmem:v4+s8+$0x0], $0xffff;
	_ =	sdelay $0x4  }
0x122: {  	vm1 =	veq.f32 v5, v6;
	vm2 =	vlt.s32 v1, v7  }
0x123: {  	vm3 =	vgt.f32 v5, v6;
	vm1 =	vmand vm1, vm2  }
0x124: {  	vm1 =	vmor vm3, vm1  }
0x125: {  	vm1 =	vmand vm0, vm1  }
0x126: {  	v6 =	vsel vm1, $0x3F800000, v3  }
0x127: {  	(xrf0) =	vmax.scan.msk.f32 $0xffff, v6;
	_ =	sdelay $0x5  }
0x128: {  	v6, _, _ =	vpop (xrf0)  }
0x129: {  	(v2sf) =	vpush v6, $0xF;
	_ =	sdelay $0xe  }
0x12a: {  	s6 =	spop (v2sf)  }
0x12b: {  	p0 =	sgt.f32 s6, $0.0e+00  }
.Ltmp13:
0x12c: {  	_ = 	snop;
	(pc) =	sbr.rel @p0 .LBB2_16-.Ltmp13, $1  }
0x12d: {  	_ =	sdelay $0x3  }
.LBB2_17:
0x12e: {  	v1 =	vld [tilespmem:$0x270];
	_ =	sdelay $0x4  }
0x12f: {  	vm0 =	vgt.s32 v1, $0x1  }
0x130: {  	v4 =	vnsel vm0, $0x1, v1  }
0x131: {  	v4 =	vadd.s32 $0xFFFFFFFF, v4;
	_ =	sdelay $0x3  }
0x132: {  	v5 =	vld [tilespmem:$0x70]  }
0x133: {  	v6 =	vld.idx.msk [tilespmem:v4+s7+$0x0], $0xffff  }
0x134: {  	v7 =	vld.idx.msk [tilespmem:v4+s8+$0x0], $0xffff;
	_ =	sdelay $0x4  }
0x135: {  	vm0 =	veq.f32 v5, v6;
	vm1 =	vlt.s32 v2, v7  }
0x136: {  	vm2 =	vgt.f32 v5, v6;
	vm1 =	vmand vm0, vm1  }
0x137: {  	vm0 =	vgt.s32 v1, $0x0;
	vm1 =	vmor vm2, vm1  }
0x138: {  	vm1 =	vmand vm0, vm1  }
0x139: {  	v1 =	vsel vm1, $0x3F800000, v3  }
0x13a: {  	(xrf0) =	vmax.scan.msk.f32 $0xffff, v1;
	_ =	sdelay $0x5  }
0x13b: {  	v1, _, _ =	vpop (xrf0)  }
0x13c: {  	(v2sf) =	vpush v1, $0xF;
	_ =	sdelay $0xe  }
0x13d: {  	s6 =	spop (v2sf)  }
0x13e: {  	p0 =	sgt.f32 s6, $0.0e+00  }
.Ltmp14:
0x13f: {  	_ = 	snop;
	(pc) =	sbr.rel @!p0 .LBB2_20-.Ltmp14, $2  }
0x140: {  	_ =	sdelay $0x2  }
0x141: {  	v1 =	vor.u32 s9, v0;
	s6 =	sor.u32 $0x90, s5  }
0x142: {  	s7 =	simm.s32 $0x400;
	s8 =	simm.s32 $0x500;
	v3 =	vimm.f32 $0.0e+00  }
.LBB2_19:
0x143: {  	[tilespmem:v4+s7+$0x0] =	vst.idx.msk vm1, v5  }
0x144: {  	[tilespmem:v4+s8+$0x0] =	vst.idx.msk vm1, v2  }
0x145: {  	v6 =	vld.idx.msk [tilespmem:v4+s7+$0x0], $0xffff  }
0x146: {  	v7 =	vld.idx.msk [tilespmem:v4+s8+$0x0], $0xffff;
	_ =	sdelay $0x4  }
0x147: {  	vm1 =	veq.f32 v5, v6;
	vm2 =	vlt.s32 v2, v7  }
0x148: {  	vm3 =	vgt.f32 v5, v6;
	vm1 =	vmand vm1, vm2  }
0x149: {  	vm1 =	vmor vm3, vm1  }
0x14a: {  	vm1 =	vmand vm0, vm1  }
0x14b: {  	v6 =	vsel vm1, $0x3F800000, v3  }
0x14c: {  	(xrf0) =	vmax.scan.msk.f32 $0xffff, v6;
	_ =	sdelay $0x5  }
0x14d: {  	v6, _, _ =	vpop (xrf0)  }
0x14e: {  	(v2sf) =	vpush v6, $0xF;
	_ =	sdelay $0xe  }
0x14f: {  	s9 =	spop (v2sf)  }
0x150: {  	p0 =	sgt.f32 s9, $0.0e+00  }
.Ltmp15:
0x151: {  	_ = 	snop;
	(pc) =	sbr.rel @p0 .LBB2_19-.Ltmp15, $1  }
0x152: {  	_ =	sdelay $0x3  }
.LBB2_20:
0x153: {  	v2 =	vld [tilespmem:$0x280];
	_ =	sdelay $0x4  }
0x154: {  	vm0 =	vgt.s32 v2, $0x1  }
0x155: {  	v3 =	vnsel vm0, $0x1, v2  }
0x156: {  	v4 =	vadd.s32 $0xFFFFFFFF, v3;
	_ =	sdelay $0x3  }
0x157: {  	v5 =	vld [tilespmem:$0x80];
	s7 =	simm.s32 $0x400  }
0x158: {  	s8 =	simm.s32 $0x500;
	v3 =	vld.idx.msk [tilespmem:v4+s7+$0x0], $0xffff  }
0x159: {  	v6 =	vld.idx.msk [tilespmem:v4+s8+$0x0], $0xffff;
	_ =	sdelay $0x4  }
0x15a: {  	vm0 =	veq.f32 v5, v3;
	vm1 =	vlt.s32 v1, v6  }
0x15b: {  	vm2 =	vgt.f32 v5, v3;
	vm1 =	vmand vm0, vm1  }
0x15c: {  	vm0 =	vgt.s32 v2, $0x0;
	vm1 =	vmor vm2, vm1  }
0x15d: {  	v3 =	vimm.f32 $0.0e+00;
	vm1 =	vmand vm0, vm1  }
0x15e: {  	v2 =	vsel vm1, $0x3F800000, v3  }
0x15f: {  	(xrf0) =	vmax.scan.msk.f32 $0xffff, v2;
	_ =	sdelay $0x5  }
0x160: {  	v2, _, _ =	vpop (xrf0)  }
0x161: {  	(v2sf) =	vpush v2, $0xF;
	_ =	sdelay $0xe  }
0x162: {  	s9 =	spop (v2sf)  }
0x163: {  	p0 =	sgt.f32 s9, $0.0e+00  }
.Ltmp16:
0x164: {  	_ = 	snop;
	(pc) =	sbr.rel @!p0 .LBB2_22-.Ltmp16, $2  }
0x165: {  	_ =	sdelay $0x2  }
0x166: {  	v2 =	vor.u32 s6, v0;
	s9 =	sor.u32 $0xA0, s5  }
.LBB2_21:
0x167: {  	[tilespmem:v4+s7+$0x0] =	vst.idx.msk vm1, v5  }
0x168: {  	[tilespmem:v4+s8+$0x0] =	vst.idx.msk vm1, v1  }
0x169: {  	v6 =	vld.idx.msk [tilespmem:v4+s7+$0x0], $0xffff  }
0x16a: {  	v7 =	vld.idx.msk [tilespmem:v4+s8+$0x0], $0xffff;
	_ =	sdelay $0x4  }
0x16b: {  	vm1 =	veq.f32 v5, v6;
	vm2 =	vlt.s32 v1, v7  }
0x16c: {  	vm3 =	vgt.f32 v5, v6;
	vm1 =	vmand vm1, vm2  }
0x16d: {  	vm1 =	vmor vm3, vm1  }
0x16e: {  	vm1 =	vmand vm0, vm1  }
0x16f: {  	v6 =	vsel vm1, $0x3F800000, v3  }
0x170: {  	(xrf0) =	vmax.scan.msk.f32 $0xffff, v6;
	_ =	sdelay $0x5  }
0x171: {  	v6, _, _ =	vpop (xrf0)  }
0x172: {  	(v2sf) =	vpush v6, $0xF;
	_ =	sdelay $0xe  }
0x173: {  	s6 =	spop (v2sf)  }
0x174: {  	p0 =	sgt.f32 s6, $0.0e+00  }
.Ltmp17:
0x175: {  	_ = 	snop;
	(pc) =	sbr.rel @p0 .LBB2_21-.Ltmp17, $1  }
0x176: {  	_ =	sdelay $0x3  }
.LBB2_22:
0x177: {  	v1 =	vld [tilespmem:$0x290];
	_ =	sdelay $0x4  }
0x178: {  	vm0 =	vgt.s32 v1, $0x1  }
0x179: {  	v4 =	vnsel vm0, $0x1, v1  }
0x17a: {  	v4 =	vadd.s32 $0xFFFFFFFF, v4;
	_ =	sdelay $0x3  }
0x17b: {  	v5 =	vld [tilespmem:$0x90]  }
0x17c: {  	v6 =	vld.idx.msk [tilespmem:v4+s7+$0x0], $0xffff  }
0x17d: {  	v7 =	vld.idx.msk [tilespmem:v4+s8+$0x0], $0xffff;
	_ =	sdelay $0x4  }
0x17e: {  	vm0 =	veq.f32 v5, v6;
	vm1 =	vlt.s32 v2, v7  }
0x17f: {  	vm2 =	vgt.f32 v5, v6;
	vm1 =	vmand vm0, vm1  }
0x180: {  	vm0 =	vgt.s32 v1, $0x0;
	vm1 =	vmor vm2, vm1  }
0x181: {  	vm1 =	vmand vm0, vm1  }
0x182: {  	v1 =	vsel vm1, $0x3F800000, v3  }
0x183: {  	(xrf0) =	vmax.scan.msk.f32 $0xffff, v1;
	_ =	sdelay $0x5  }
0x184: {  	v1, _, _ =	vpop (xrf0)  }
0x185: {  	(v2sf) =	vpush v1, $0xF;
	_ =	sdelay $0xe  }
0x186: {  	s6 =	spop (v2sf)  }
0x187: {  	p0 =	sgt.f32 s6, $0.0e+00  }
.Ltmp18:
0x188: {  	_ = 	snop;
	(pc) =	sbr.rel @!p0 .LBB2_25-.Ltmp18, $2  }
0x189: {  	_ =	sdelay $0x2  }
0x18a: {  	v1 =	vor.u32 s9, v0;
	s6 =	sor.u32 $0xB0, s5  }
0x18b: {  	s7 =	simm.s32 $0x400;
	s8 =	simm.s32 $0x500;
	v3 =	vimm.f32 $0.0e+00  }
.LBB2_24:
0x18c: {  	[tilespmem:v4+s7+$0x0] =	vst.idx.msk vm1, v5  }
0x18d: {  	[tilespmem:v4+s8+$0x0] =	vst.idx.msk vm1, v2  }
0x18e: {  	v6 =	vld.idx.msk [tilespmem:v4+s7+$0x0], $0xffff  }
0x18f: {  	v7 =	vld.idx.msk [tilespmem:v4+s8+$0x0], $0xffff;
	_ =	sdelay $0x4  }
0x190: {  	vm1 =	veq.f32 v5, v6;
	vm2 =	vlt.s32 v2, v7  }
0x191: {  	vm3 =	vgt.f32 v5, v6;
	vm1 =	vmand vm1, vm2  }
0x192: {  	vm1 =	vmor vm3, vm1  }
0x193: {  	vm1 =	vmand vm0, vm1  }
0x194: {  	v6 =	vsel vm1, $0x3F800000, v3  }
0x195: {  	(xrf0) =	vmax.scan.msk.f32 $0xffff, v6;
	_ =	sdelay $0x5  }
0x196: {  	v6, _, _ =	vpop (xrf0)  }
0x197: {  	(v2sf) =	vpush v6, $0xF;
	_ =	sdelay $0xe  }
0x198: {  	s9 =	spop (v2sf)  }
0x199: {  	p0 =	sgt.f32 s9, $0.0e+00  }
.Ltmp19:
0x19a: {  	_ = 	snop;
	(pc) =	sbr.rel @p0 .LBB2_24-.Ltmp19, $1  }
0x19b: {  	_ =	sdelay $0x3  }
.LBB2_25:
0x19c: {  	v2 =	vld [tilespmem:$0x2A0];
	_ =	sdelay $0x4  }
0x19d: {  	vm0 =	vgt.s32 v2, $0x1  }
0x19e: {  	v3 =	vnsel vm0, $0x1, v2  }
0x19f: {  	v4 =	vadd.s32 $0xFFFFFFFF, v3;
	_ =	sdelay $0x3  }
0x1a0: {  	v5 =	vld [tilespmem:$0xA0];
	s7 =	simm.s32 $0x400  }
0x1a1: {  	s8 =	simm.s32 $0x500;
	v3 =	vld.idx.msk [tilespmem:v4+s7+$0x0], $0xffff  }
0x1a2: {  	v6 =	vld.idx.msk [tilespmem:v4+s8+$0x0], $0xffff;
	_ =	sdelay $0x4  }
0x1a3: {  	vm0 =	veq.f32 v5, v3;
	vm1 =	vlt.s32 v1, v6  }
0x1a4: {  	vm2 =	vgt.f32 v5, v3;
	vm1 =	vmand vm0, vm1  }
0x1a5: {  	vm0 =	vgt.s32 v2, $0x0;
	vm1 =	vmor vm2, vm1  }
0x1a6: {  	v3 =	vimm.f32 $0.0e+00;
	vm1 =	vmand vm0, vm1  }
0x1a7: {  	v2 =	vsel vm1, $0x3F800000, v3  }
0x1a8: {  	(xrf0) =	vmax.scan.msk.f32 $0xffff, v2;
	_ =	sdelay $0x5  }
0x1a9: {  	v2, _, _ =	vpop (xrf0)  }
0x1aa: {  	(v2sf) =	vpush v2, $0xF;
	_ =	sdelay $0xe  }
0x1ab: {  	s9 =	spop (v2sf)  }
0x1ac: {  	p0 =	sgt.f32 s9, $0.0e+00  }
.Ltmp20:
0x1ad: {  	_ = 	snop;
	(pc) =	sbr.rel @!p0 .LBB2_27-.Ltmp20, $2  }
0x1ae: {  	_ =	sdelay $0x2  }
0x1af: {  	v2 =	vor.u32 s6, v0;
	s9 =	sor.u32 $0xC0, s5  }
.LBB2_26:
0x1b0: {  	[tilespmem:v4+s7+$0x0] =	vst.idx.msk vm1, v5  }
0x1b1: {  	[tilespmem:v4+s8+$0x0] =	vst.idx.msk vm1, v1  }
0x1b2: {  	v6 =	vld.idx.msk [tilespmem:v4+s7+$0x0], $0xffff  }
0x1b3: {  	v7 =	vld.idx.msk [tilespmem:v4+s8+$0x0], $0xffff;
	_ =	sdelay $0x4  }
0x1b4: {  	vm1 =	veq.f32 v5, v6;
	vm2 =	vlt.s32 v1, v7  }
0x1b5: {  	vm3 =	vgt.f32 v5, v6;
	vm1 =	vmand vm1, vm2  }
0x1b6: {  	vm1 =	vmor vm3, vm1  }
0x1b7: {  	vm1 =	vmand vm0, vm1  }
0x1b8: {  	v6 =	vsel vm1, $0x3F800000, v3  }
0x1b9: {  	(xrf0) =	vmax.scan.msk.f32 $0xffff, v6;
	_ =	sdelay $0x5  }
0x1ba: {  	v6, _, _ =	vpop (xrf0)  }
0x1bb: {  	(v2sf) =	vpush v6, $0xF;
	_ =	sdelay $0xe  }
0x1bc: {  	s6 =	spop (v2sf)  }
0x1bd: {  	p0 =	sgt.f32 s6, $0.0e+00  }
.Ltmp21:
0x1be: {  	_ = 	snop;
	(pc) =	sbr.rel @p0 .LBB2_26-.Ltmp21, $1  }
0x1bf: {  	_ =	sdelay $0x3  }
.LBB2_27:
0x1c0: {  	v1 =	vld [tilespmem:$0x2B0];
	_ =	sdelay $0x4  }
0x1c1: {  	vm0 =	vgt.s32 v1, $0x1  }
0x1c2: {  	v4 =	vnsel vm0, $0x1, v1  }
0x1c3: {  	v4 =	vadd.s32 $0xFFFFFFFF, v4;
	_ =	sdelay $0x3  }
0x1c4: {  	v5 =	vld [tilespmem:$0xB0]  }
0x1c5: {  	v6 =	vld.idx.msk [tilespmem:v4+s7+$0x0], $0xffff  }
0x1c6: {  	v7 =	vld.idx.msk [tilespmem:v4+s8+$0x0], $0xffff;
	_ =	sdelay $0x4  }
0x1c7: {  	vm0 =	veq.f32 v5, v6;
	vm1 =	vlt.s32 v2, v7  }
0x1c8: {  	vm2 =	vgt.f32 v5, v6;
	vm1 =	vmand vm0, vm1  }
0x1c9: {  	vm0 =	vgt.s32 v1, $0x0;
	vm1 =	vmor vm2, vm1  }
0x1ca: {  	vm1 =	vmand vm0, vm1  }
0x1cb: {  	v1 =	vsel vm1, $0x3F800000, v3  }
0x1cc: {  	(xrf0) =	vmax.scan.msk.f32 $0xffff, v1;
	_ =	sdelay $0x5  }
0x1cd: {  	v1, _, _ =	vpop (xrf0)  }
0x1ce: {  	(v2sf) =	vpush v1, $0xF;
	_ =	sdelay $0xe  }
0x1cf: {  	s6 =	spop (v2sf)  }
0x1d0: {  	p0 =	sgt.f32 s6, $0.0e+00  }
.Ltmp22:
0x1d1: {  	_ = 	snop;
	(pc) =	sbr.rel @!p0 .LBB2_30-.Ltmp22, $2  }
0x1d2: {  	_ =	sdelay $0x2  }
0x1d3: {  	v1 =	vor.u32 s9, v0;
	s6 =	sor.u32 $0xD0, s5  }
0x1d4: {  	s7 =	simm.s32 $0x400;
	s8 =	simm.s32 $0x500;
	v3 =	vimm.f32 $0.0e+00  }
.LBB2_29:
0x1d5: {  	[tilespmem:v4+s7+$0x0] =	vst.idx.msk vm1, v5  }
0x1d6: {  	[tilespmem:v4+s8+$0x0] =	vst.idx.msk vm1, v2  }
0x1d7: {  	v6 =	vld.idx.msk [tilespmem:v4+s7+$0x0], $0xffff  }
0x1d8: {  	v7 =	vld.idx.msk [tilespmem:v4+s8+$0x0], $0xffff;
	_ =	sdelay $0x4  }
0x1d9: {  	vm1 =	veq.f32 v5, v6;
	vm2 =	vlt.s32 v2, v7  }
0x1da: {  	vm3 =	vgt.f32 v5, v6;
	vm1 =	vmand vm1, vm2  }
0x1db: {  	vm1 =	vmor vm3, vm1  }
0x1dc: {  	vm1 =	vmand vm0, vm1  }
0x1dd: {  	v6 =	vsel vm1, $0x3F800000, v3  }
0x1de: {  	(xrf0) =	vmax.scan.msk.f32 $0xffff, v6;
	_ =	sdelay $0x5  }
0x1df: {  	v6, _, _ =	vpop (xrf0)  }
0x1e0: {  	(v2sf) =	vpush v6, $0xF;
	_ =	sdelay $0xe  }
0x1e1: {  	s9 =	spop (v2sf)  }
0x1e2: {  	p0 =	sgt.f32 s9, $0.0e+00  }
.Ltmp23:
0x1e3: {  	_ = 	snop;
	(pc) =	sbr.rel @p0 .LBB2_29-.Ltmp23, $1  }
0x1e4: {  	_ =	sdelay $0x3  }
.LBB2_30:
0x1e5: {  	v2 =	vld [tilespmem:$0x2C0];
	_ =	sdelay $0x4  }
0x1e6: {  	vm0 =	vgt.s32 v2, $0x1  }
0x1e7: {  	v3 =	vnsel vm0, $0x1, v2  }
0x1e8: {  	v4 =	vadd.s32 $0xFFFFFFFF, v3;
	_ =	sdelay $0x3  }
0x1e9: {  	v5 =	vld [tilespmem:$0xC0];
	s7 =	simm.s32 $0x400  }
0x1ea: {  	s8 =	simm.s32 $0x500;
	v3 =	vld.idx.msk [tilespmem:v4+s7+$0x0], $0xffff  }
0x1eb: {  	v6 =	vld.idx.msk [tilespmem:v4+s8+$0x0], $0xffff;
	_ =	sdelay $0x4  }
0x1ec: {  	vm0 =	veq.f32 v5, v3;
	vm1 =	vlt.s32 v1, v6  }
0x1ed: {  	vm2 =	vgt.f32 v5, v3;
	vm1 =	vmand vm0, vm1  }
0x1ee: {  	vm0 =	vgt.s32 v2, $0x0;
	vm1 =	vmor vm2, vm1  }
0x1ef: {  	v3 =	vimm.f32 $0.0e+00;
	vm1 =	vmand vm0, vm1  }
0x1f0: {  	v2 =	vsel vm1, $0x3F800000, v3  }
0x1f1: {  	(xrf0) =	vmax.scan.msk.f32 $0xffff, v2;
	_ =	sdelay $0x5  }
0x1f2: {  	v2, _, _ =	vpop (xrf0)  }
0x1f3: {  	(v2sf) =	vpush v2, $0xF;
	_ =	sdelay $0xe  }
0x1f4: {  	s9 =	spop (v2sf)  }
0x1f5: {  	p0 =	sgt.f32 s9, $0.0e+00  }
.Ltmp24:
0x1f6: {  	_ = 	snop;
	(pc) =	sbr.rel @!p0 .LBB2_32-.Ltmp24, $2  }
0x1f7: {  	_ =	sdelay $0x2  }
0x1f8: {  	v2 =	vor.u32 s6, v0;
	s9 =	sor.u32 $0xE0, s5  }
.LBB2_31:
0x1f9: {  	[tilespmem:v4+s7+$0x0] =	vst.idx.msk vm1, v5  }
0x1fa: {  	[tilespmem:v4+s8+$0x0] =	vst.idx.msk vm1, v1  }
0x1fb: {  	v6 =	vld.idx.msk [tilespmem:v4+s7+$0x0], $0xffff  }
0x1fc: {  	v7 =	vld.idx.msk [tilespmem:v4+s8+$0x0], $0xffff;
	_ =	sdelay $0x4  }
0x1fd: {  	vm1 =	veq.f32 v5, v6;
	vm2 =	vlt.s32 v1, v7  }
0x1fe: {  	vm3 =	vgt.f32 v5, v6;
	vm1 =	vmand vm1, vm2  }
0x1ff: {  	vm1 =	vmor vm3, vm1  }
0x200: {  	vm1 =	vmand vm0, vm1  }
0x201: {  	v6 =	vsel vm1, $0x3F800000, v3  }
0x202: {  	(xrf0) =	vmax.scan.msk.f32 $0xffff, v6;
	_ =	sdelay $0x5  }
0x203: {  	v6, _, _ =	vpop (xrf0)  }
0x204: {  	(v2sf) =	vpush v6, $0xF;
	_ =	sdelay $0xe  }
0x205: {  	s6 =	spop (v2sf)  }
0x206: {  	p0 =	sgt.f32 s6, $0.0e+00  }
.Ltmp25:
0x207: {  	_ = 	snop;
	(pc) =	sbr.rel @p0 .LBB2_31-.Ltmp25, $1  }
0x208: {  	_ =	sdelay $0x3  }
.LBB2_32:
0x209: {  	v1 =	vld [tilespmem:$0x2D0];
	_ =	sdelay $0x4  }
0x20a: {  	vm0 =	vgt.s32 v1, $0x1  }
0x20b: {  	v4 =	vnsel vm0, $0x1, v1  }
0x20c: {  	v4 =	vadd.s32 $0xFFFFFFFF, v4;
	_ =	sdelay $0x3  }
0x20d: {  	v5 =	vld [tilespmem:$0xD0]  }
0x20e: {  	v6 =	vld.idx.msk [tilespmem:v4+s7+$0x0], $0xffff  }
0x20f: {  	v7 =	vld.idx.msk [tilespmem:v4+s8+$0x0], $0xffff;
	_ =	sdelay $0x4  }
0x210: {  	vm0 =	veq.f32 v5, v6;
	vm1 =	vlt.s32 v2, v7  }
0x211: {  	vm2 =	vgt.f32 v5, v6;
	vm1 =	vmand vm0, vm1  }
0x212: {  	vm0 =	vgt.s32 v1, $0x0;
	vm1 =	vmor vm2, vm1  }
0x213: {  	vm1 =	vmand vm0, vm1  }
0x214: {  	v1 =	vsel vm1, $0x3F800000, v3  }
0x215: {  	(xrf0) =	vmax.scan.msk.f32 $0xffff, v1;
	_ =	sdelay $0x5  }
0x216: {  	v1, _, _ =	vpop (xrf0)  }
0x217: {  	(v2sf) =	vpush v1, $0xF;
	_ =	sdelay $0xe  }
0x218: {  	s6 =	spop (v2sf)  }
0x219: {  	p0 =	sgt.f32 s6, $0.0e+00  }
.Ltmp26:
0x21a: {  	_ = 	snop;
	(pc) =	sbr.rel @!p0 .LBB2_35-.Ltmp26, $2  }
0x21b: {  	_ =	sdelay $0x2  }
0x21c: {  	v1 =	vor.u32 s9, v0;
	s6 =	sor.u32 $0xF0, s5  }
0x21d: {  	s7 =	simm.s32 $0x400;
	s8 =	simm.s32 $0x500;
	v3 =	vimm.f32 $0.0e+00  }
.LBB2_34:
0x21e: {  	[tilespmem:v4+s7+$0x0] =	vst.idx.msk vm1, v5  }
0x21f: {  	[tilespmem:v4+s8+$0x0] =	vst.idx.msk vm1, v2  }
0x220: {  	v6 =	vld.idx.msk [tilespmem:v4+s7+$0x0], $0xffff  }
0x221: {  	v7 =	vld.idx.msk [tilespmem:v4+s8+$0x0], $0xffff;
	_ =	sdelay $0x4  }
0x222: {  	vm1 =	veq.f32 v5, v6;
	vm2 =	vlt.s32 v2, v7  }
0x223: {  	vm3 =	vgt.f32 v5, v6;
	vm1 =	vmand vm1, vm2  }
0x224: {  	vm1 =	vmor vm3, vm1  }
0x225: {  	vm1 =	vmand vm0, vm1  }
0x226: {  	v6 =	vsel vm1, $0x3F800000, v3  }
0x227: {  	(xrf0) =	vmax.scan.msk.f32 $0xffff, v6;
	_ =	sdelay $0x5  }
0x228: {  	v6, _, _ =	vpop (xrf0)  }
0x229: {  	(v2sf) =	vpush v6, $0xF;
	_ =	sdelay $0xe  }
0x22a: {  	s9 =	spop (v2sf)  }
0x22b: {  	p0 =	sgt.f32 s9, $0.0e+00  }
.Ltmp27:
0x22c: {  	_ = 	snop;
	(pc) =	sbr.rel @p0 .LBB2_34-.Ltmp27, $1  }
0x22d: {  	_ =	sdelay $0x3  }
.LBB2_35:
0x22e: {  	v2 =	vld [tilespmem:$0x2E0];
	_ =	sdelay $0x4  }
0x22f: {  	vm0 =	vgt.s32 v2, $0x1  }
0x230: {  	v3 =	vnsel vm0, $0x1, v2  }
0x231: {  	v4 =	vadd.s32 $0xFFFFFFFF, v3;
	_ =	sdelay $0x3  }
0x232: {  	v5 =	vld [tilespmem:$0xE0];
	s7 =	simm.s32 $0x400  }
0x233: {  	s8 =	simm.s32 $0x500;
	v3 =	vld.idx.msk [tilespmem:v4+s7+$0x0], $0xffff  }
0x234: {  	v6 =	vld.idx.msk [tilespmem:v4+s8+$0x0], $0xffff;
	_ =	sdelay $0x4  }
0x235: {  	vm0 =	veq.f32 v5, v3;
	vm1 =	vlt.s32 v1, v6  }
0x236: {  	vm2 =	vgt.f32 v5, v3;
	vm1 =	vmand vm0, vm1  }
0x237: {  	vm0 =	vgt.s32 v2, $0x0;
	vm1 =	vmor vm2, vm1  }
0x238: {  	v3 =	vimm.f32 $0.0e+00;
	vm1 =	vmand vm0, vm1  }
0x239: {  	v2 =	vsel vm1, $0x3F800000, v3  }
0x23a: {  	(xrf0) =	vmax.scan.msk.f32 $0xffff, v2;
	_ =	sdelay $0x5  }
0x23b: {  	v2, _, _ =	vpop (xrf0)  }
0x23c: {  	(v2sf) =	vpush v2, $0xF;
	_ =	sdelay $0xe  }
0x23d: {  	s9 =	spop (v2sf)  }
0x23e: {  	p0 =	sgt.f32 s9, $0.0e+00  }
.Ltmp28:
0x23f: {  	_ = 	snop;
	(pc) =	sbr.rel @!p0 .LBB2_37-.Ltmp28, $2  }
0x240: {  	_ =	sdelay $0x2  }
0x241: {  	v2 =	vor.u32 s6, v0;
	s9 =	sor.u32 $0x100, s5  }
.LBB2_36:
0x242: {  	[tilespmem:v4+s7+$0x0] =	vst.idx.msk vm1, v5  }
0x243: {  	[tilespmem:v4+s8+$0x0] =	vst.idx.msk vm1, v1  }
0x244: {  	v6 =	vld.idx.msk [tilespmem:v4+s7+$0x0], $0xffff  }
0x245: {  	v7 =	vld.idx.msk [tilespmem:v4+s8+$0x0], $0xffff;
	_ =	sdelay $0x4  }
0x246: {  	vm1 =	veq.f32 v5, v6;
	vm2 =	vlt.s32 v1, v7  }
0x247: {  	vm3 =	vgt.f32 v5, v6;
	vm1 =	vmand vm1, vm2  }
0x248: {  	vm1 =	vmor vm3, vm1  }
0x249: {  	vm1 =	vmand vm0, vm1  }
0x24a: {  	v6 =	vsel vm1, $0x3F800000, v3  }
0x24b: {  	(xrf0) =	vmax.scan.msk.f32 $0xffff, v6;
	_ =	sdelay $0x5  }
0x24c: {  	v6, _, _ =	vpop (xrf0)  }
0x24d: {  	(v2sf) =	vpush v6, $0xF;
	_ =	sdelay $0xe  }
0x24e: {  	s6 =	spop (v2sf)  }
0x24f: {  	p0 =	sgt.f32 s6, $0.0e+00  }
.Ltmp29:
0x250: {  	_ = 	snop;
	(pc) =	sbr.rel @p0 .LBB2_36-.Ltmp29, $1  }
0x251: {  	_ =	sdelay $0x3  }
.LBB2_37:
0x252: {  	v1 =	vld [tilespmem:$0x2F0];
	_ =	sdelay $0x4  }
0x253: {  	vm0 =	vgt.s32 v1, $0x1  }
0x254: {  	v4 =	vnsel vm0, $0x1, v1  }
0x255: {  	v4 =	vadd.s32 $0xFFFFFFFF, v4;
	_ =	sdelay $0x3  }
0x256: {  	v5 =	vld [tilespmem:$0xF0]  }
0x257: {  	v6 =	vld.idx.msk [tilespmem:v4+s7+$0x0], $0xffff  }
0x258: {  	v7 =	vld.idx.msk [tilespmem:v4+s8+$0x0], $0xffff;
	_ =	sdelay $0x4  }
0x259: {  	vm0 =	veq.f32 v5, v6;
	vm1 =	vlt.s32 v2, v7  }
0x25a: {  	vm2 =	vgt.f32 v5, v6;
	vm1 =	vmand vm0, vm1  }
0x25b: {  	vm0 =	vgt.s32 v1, $0x0;
	vm1 =	vmor vm2, vm1  }
0x25c: {  	vm1 =	vmand vm0, vm1  }
0x25d: {  	v1 =	vsel vm1, $0x3F800000, v3  }
0x25e: {  	(xrf0) =	vmax.scan.msk.f32 $0xffff, v1;
	_ =	sdelay $0x5  }
0x25f: {  	v1, _, _ =	vpop (xrf0)  }
0x260: {  	(v2sf) =	vpush v1, $0xF;
	_ =	sdelay $0xe  }
0x261: {  	s6 =	spop (v2sf)  }
0x262: {  	p0 =	sgt.f32 s6, $0.0e+00  }
.Ltmp30:
0x263: {  	_ = 	snop;
	(pc) =	sbr.rel @!p0 .LBB2_40-.Ltmp30, $2  }
0x264: {  	_ =	sdelay $0x2  }
0x265: {  	v1 =	vor.u32 s9, v0;
	s6 =	sor.u32 $0x110, s5  }
0x266: {  	s7 =	simm.s32 $0x400;
	s8 =	simm.s32 $0x500;
	v3 =	vimm.f32 $0.0e+00  }
.LBB2_39:
0x267: {  	[tilespmem:v4+s7+$0x0] =	vst.idx.msk vm1, v5  }
0x268: {  	[tilespmem:v4+s8+$0x0] =	vst.idx.msk vm1, v2  }
0x269: {  	v6 =	vld.idx.msk [tilespmem:v4+s7+$0x0], $0xffff  }
0x26a: {  	v7 =	vld.idx.msk [tilespmem:v4+s8+$0x0], $0xffff;
	_ =	sdelay $0x4  }
0x26b: {  	vm1 =	veq.f32 v5, v6;
	vm2 =	vlt.s32 v2, v7  }
0x26c: {  	vm3 =	vgt.f32 v5, v6;
	vm1 =	vmand vm1, vm2  }
0x26d: {  	vm1 =	vmor vm3, vm1  }
0x26e: {  	vm1 =	vmand vm0, vm1  }
0x26f: {  	v6 =	vsel vm1, $0x3F800000, v3  }
0x270: {  	(xrf0) =	vmax.scan.msk.f32 $0xffff, v6;
	_ =	sdelay $0x5  }
0x271: {  	v6, _, _ =	vpop (xrf0)  }
0x272: {  	(v2sf) =	vpush v6, $0xF;
	_ =	sdelay $0xe  }
0x273: {  	s9 =	spop (v2sf)  }
0x274: {  	p0 =	sgt.f32 s9, $0.0e+00  }
.Ltmp31:
0x275: {  	_ = 	snop;
	(pc) =	sbr.rel @p0 .LBB2_39-.Ltmp31, $1  }
0x276: {  	_ =	sdelay $0x3  }
.LBB2_40:
0x277: {  	v2 =	vld [tilespmem:$0x300];
	_ =	sdelay $0x4  }
0x278: {  	vm0 =	vgt.s32 v2, $0x1  }
0x279: {  	v3 =	vnsel vm0, $0x1, v2  }
0x27a: {  	v4 =	vadd.s32 $0xFFFFFFFF, v3;
	_ =	sdelay $0x3  }
0x27b: {  	v5 =	vld [tilespmem:$0x100];
	s7 =	simm.s32 $0x400  }
0x27c: {  	s8 =	simm.s32 $0x500;
	v3 =	vld.idx.msk [tilespmem:v4+s7+$0x0], $0xffff  }
0x27d: {  	v6 =	vld.idx.msk [tilespmem:v4+s8+$0x0], $0xffff;
	_ =	sdelay $0x4  }
0x27e: {  	vm0 =	veq.f32 v5, v3;
	vm1 =	vlt.s32 v1, v6  }
0x27f: {  	vm2 =	vgt.f32 v5, v3;
	vm1 =	vmand vm0, vm1  }
0x280: {  	vm0 =	vgt.s32 v2, $0x0;
	vm1 =	vmor vm2, vm1  }
0x281: {  	v3 =	vimm.f32 $0.0e+00;
	vm1 =	vmand vm0, vm1  }
0x282: {  	v2 =	vsel vm1, $0x3F800000, v3  }
0x283: {  	(xrf0) =	vmax.scan.msk.f32 $0xffff, v2;
	_ =	sdelay $0x5  }
0x284: {  	v2, _, _ =	vpop (xrf0)  }
0x285: {  	(v2sf) =	vpush v2, $0xF;
	_ =	sdelay $0xe  }
0x286: {  	s9 =	spop (v2sf)  }
0x287: {  	p0 =	sgt.f32 s9, $0.0e+00  }
.Ltmp32:
0x288: {  	_ = 	snop;
	(pc) =	sbr.rel @!p0 .LBB2_42-.Ltmp32, $2  }
0x289: {  	_ =	sdelay $0x2  }
0x28a: {  	v2 =	vor.u32 s6, v0;
	s9 =	sor.u32 $0x120, s5  }
.LBB2_41:
0x28b: {  	[tilespmem:v4+s7+$0x0] =	vst.idx.msk vm1, v5  }
0x28c: {  	[tilespmem:v4+s8+$0x0] =	vst.idx.msk vm1, v1  }
0x28d: {  	v6 =	vld.idx.msk [tilespmem:v4+s7+$0x0], $0xffff  }
0x28e: {  	v7 =	vld.idx.msk [tilespmem:v4+s8+$0x0], $0xffff;
	_ =	sdelay $0x4  }
0x28f: {  	vm1 =	veq.f32 v5, v6;
	vm2 =	vlt.s32 v1, v7  }
0x290: {  	vm3 =	vgt.f32 v5, v6;
	vm1 =	vmand vm1, vm2  }
0x291: {  	vm1 =	vmor vm3, vm1  }
0x292: {  	vm1 =	vmand vm0, vm1  }
0x293: {  	v6 =	vsel vm1, $0x3F800000, v3  }
0x294: {  	(xrf0) =	vmax.scan.msk.f32 $0xffff, v6;
	_ =	sdelay $0x5  }
0x295: {  	v6, _, _ =	vpop (xrf0)  }
0x296: {  	(v2sf) =	vpush v6, $0xF;
	_ =	sdelay $0xe  }
0x297: {  	s6 =	spop (v2sf)  }
0x298: {  	p0 =	sgt.f32 s6, $0.0e+00  }
.Ltmp33:
0x299: {  	_ = 	snop;
	(pc) =	sbr.rel @p0 .LBB2_41-.Ltmp33, $1  }
0x29a: {  	_ =	sdelay $0x3  }
.LBB2_42:
0x29b: {  	v1 =	vld [tilespmem:$0x310];
	_ =	sdelay $0x4  }
0x29c: {  	vm0 =	vgt.s32 v1, $0x1  }
0x29d: {  	v4 =	vnsel vm0, $0x1, v1  }
0x29e: {  	v4 =	vadd.s32 $0xFFFFFFFF, v4;
	_ =	sdelay $0x3  }
0x29f: {  	v5 =	vld [tilespmem:$0x110]  }
0x2a0: {  	v6 =	vld.idx.msk [tilespmem:v4+s7+$0x0], $0xffff  }
0x2a1: {  	v7 =	vld.idx.msk [tilespmem:v4+s8+$0x0], $0xffff;
	_ =	sdelay $0x4  }
0x2a2: {  	vm0 =	veq.f32 v5, v6;
	vm1 =	vlt.s32 v2, v7  }
0x2a3: {  	vm2 =	vgt.f32 v5, v6;
	vm1 =	vmand vm0, vm1  }
0x2a4: {  	vm0 =	vgt.s32 v1, $0x0;
	vm1 =	vmor vm2, vm1  }
0x2a5: {  	vm1 =	vmand vm0, vm1  }
0x2a6: {  	v1 =	vsel vm1, $0x3F800000, v3  }
0x2a7: {  	(xrf0) =	vmax.scan.msk.f32 $0xffff, v1;
	_ =	sdelay $0x5  }
0x2a8: {  	v1, _, _ =	vpop (xrf0)  }
0x2a9: {  	(v2sf) =	vpush v1, $0xF;
	_ =	sdelay $0xe  }
0x2aa: {  	s6 =	spop (v2sf)  }
0x2ab: {  	p0 =	sgt.f32 s6, $0.0e+00  }
.Ltmp34:
0x2ac: {  	_ = 	snop;
	(pc) =	sbr.rel @!p0 .LBB2_45-.Ltmp34, $2  }
0x2ad: {  	_ =	sdelay $0x2  }
0x2ae: {  	v1 =	vor.u32 s9, v0;
	s6 =	sor.u32 $0x130, s5  }
0x2af: {  	s7 =	simm.s32 $0x400;
	s8 =	simm.s32 $0x500;
	v3 =	vimm.f32 $0.0e+00  }
.LBB2_44:
0x2b0: {  	[tilespmem:v4+s7+$0x0] =	vst.idx.msk vm1, v5  }
0x2b1: {  	[tilespmem:v4+s8+$0x0] =	vst.idx.msk vm1, v2  }
0x2b2: {  	v6 =	vld.idx.msk [tilespmem:v4+s7+$0x0], $0xffff  }
0x2b3: {  	v7 =	vld.idx.msk [tilespmem:v4+s8+$0x0], $0xffff;
	_ =	sdelay $0x4  }
0x2b4: {  	vm1 =	veq.f32 v5, v6;
	vm2 =	vlt.s32 v2, v7  }
0x2b5: {  	vm3 =	vgt.f32 v5, v6;
	vm1 =	vmand vm1, vm2  }
0x2b6: {  	vm1 =	vmor vm3, vm1  }
0x2b7: {  	vm1 =	vmand vm0, vm1  }
0x2b8: {  	v6 =	vsel vm1, $0x3F800000, v3  }
0x2b9: {  	(xrf0) =	vmax.scan.msk.f32 $0xffff, v6;
	_ =	sdelay $0x5  }
0x2ba: {  	v6, _, _ =	vpop (xrf0)  }
0x2bb: {  	(v2sf) =	vpush v6, $0xF;
	_ =	sdelay $0xe  }
0x2bc: {  	s9 =	spop (v2sf)  }
0x2bd: {  	p0 =	sgt.f32 s9, $0.0e+00  }
.Ltmp35:
0x2be: {  	_ = 	snop;
	(pc) =	sbr.rel @p0 .LBB2_44-.Ltmp35, $1  }
0x2bf: {  	_ =	sdelay $0x3  }
.LBB2_45:
0x2c0: {  	v2 =	vld [tilespmem:$0x320];
	_ =	sdelay $0x4  }
0x2c1: {  	vm0 =	vgt.s32 v2, $0x1  }
0x2c2: {  	v3 =	vnsel vm0, $0x1, v2  }
0x2c3: {  	v4 =	vadd.s32 $0xFFFFFFFF, v3;
	_ =	sdelay $0x3  }
0x2c4: {  	v5 =	vld [tilespmem:$0x120];
	s7 =	simm.s32 $0x400  }
0x2c5: {  	s8 =	simm.s32 $0x500;
	v3 =	vld.idx.msk [tilespmem:v4+s7+$0x0], $0xffff  }
0x2c6: {  	v6 =	vld.idx.msk [tilespmem:v4+s8+$0x0], $0xffff;
	_ =	sdelay $0x4  }
0x2c7: {  	vm0 =	veq.f32 v5, v3;
	vm1 =	vlt.s32 v1, v6  }
0x2c8: {  	vm2 =	vgt.f32 v5, v3;
	vm1 =	vmand vm0, vm1  }
0x2c9: {  	vm0 =	vgt.s32 v2, $0x0;
	vm1 =	vmor vm2, vm1  }
0x2ca: {  	v3 =	vimm.f32 $0.0e+00;
	vm1 =	vmand vm0, vm1  }
0x2cb: {  	v2 =	vsel vm1, $0x3F800000, v3  }
0x2cc: {  	(xrf0) =	vmax.scan.msk.f32 $0xffff, v2;
	_ =	sdelay $0x5  }
0x2cd: {  	v2, _, _ =	vpop (xrf0)  }
0x2ce: {  	(v2sf) =	vpush v2, $0xF;
	_ =	sdelay $0xe  }
0x2cf: {  	s9 =	spop (v2sf)  }
0x2d0: {  	p0 =	sgt.f32 s9, $0.0e+00  }
.Ltmp36:
0x2d1: {  	_ = 	snop;
	(pc) =	sbr.rel @!p0 .LBB2_47-.Ltmp36, $2  }
0x2d2: {  	_ =	sdelay $0x2  }
0x2d3: {  	v2 =	vor.u32 s6, v0;
	s9 =	sor.u32 $0x140, s5  }
.LBB2_46:
0x2d4: {  	[tilespmem:v4+s7+$0x0] =	vst.idx.msk vm1, v5  }
0x2d5: {  	[tilespmem:v4+s8+$0x0] =	vst.idx.msk vm1, v1  }
0x2d6: {  	v6 =	vld.idx.msk [tilespmem:v4+s7+$0x0], $0xffff  }
0x2d7: {  	v7 =	vld.idx.msk [tilespmem:v4+s8+$0x0], $0xffff;
	_ =	sdelay $0x4  }
0x2d8: {  	vm1 =	veq.f32 v5, v6;
	vm2 =	vlt.s32 v1, v7  }
0x2d9: {  	vm3 =	vgt.f32 v5, v6;
	vm1 =	vmand vm1, vm2  }
0x2da: {  	vm1 =	vmor vm3, vm1  }
0x2db: {  	vm1 =	vmand vm0, vm1  }
0x2dc: {  	v6 =	vsel vm1, $0x3F800000, v3  }
0x2dd: {  	(xrf0) =	vmax.scan.msk.f32 $0xffff, v6;
	_ =	sdelay $0x5  }
0x2de: {  	v6, _, _ =	vpop (xrf0)  }
0x2df: {  	(v2sf) =	vpush v6, $0xF;
	_ =	sdelay $0xe  }
0x2e0: {  	s6 =	spop (v2sf)  }
0x2e1: {  	p0 =	sgt.f32 s6, $0.0e+00  }
.Ltmp37:
0x2e2: {  	_ = 	snop;
	(pc) =	sbr.rel @p0 .LBB2_46-.Ltmp37, $1  }
0x2e3: {  	_ =	sdelay $0x3  }
.LBB2_47:
0x2e4: {  	v1 =	vld [tilespmem:$0x330];
	_ =	sdelay $0x4  }
0x2e5: {  	vm0 =	vgt.s32 v1, $0x1  }
0x2e6: {  	v4 =	vnsel vm0, $0x1, v1  }
0x2e7: {  	v4 =	vadd.s32 $0xFFFFFFFF, v4;
	_ =	sdelay $0x3  }
0x2e8: {  	v5 =	vld [tilespmem:$0x130]  }
0x2e9: {  	v6 =	vld.idx.msk [tilespmem:v4+s7+$0x0], $0xffff  }
0x2ea: {  	v7 =	vld.idx.msk [tilespmem:v4+s8+$0x0], $0xffff;
	_ =	sdelay $0x4  }
0x2eb: {  	vm0 =	veq.f32 v5, v6;
	vm1 =	vlt.s32 v2, v7  }
0x2ec: {  	vm2 =	vgt.f32 v5, v6;
	vm1 =	vmand vm0, vm1  }
0x2ed: {  	vm0 =	vgt.s32 v1, $0x0;
	vm1 =	vmor vm2, vm1  }
0x2ee: {  	vm1 =	vmand vm0, vm1  }
0x2ef: {  	v1 =	vsel vm1, $0x3F800000, v3  }
0x2f0: {  	(xrf0) =	vmax.scan.msk.f32 $0xffff, v1;
	_ =	sdelay $0x5  }
0x2f1: {  	v1, _, _ =	vpop (xrf0)  }
0x2f2: {  	(v2sf) =	vpush v1, $0xF;
	_ =	sdelay $0xe  }
0x2f3: {  	s6 =	spop (v2sf)  }
0x2f4: {  	p0 =	sgt.f32 s6, $0.0e+00  }
.Ltmp38:
0x2f5: {  	_ = 	snop;
	(pc) =	sbr.rel @!p0 .LBB2_50-.Ltmp38, $2  }
0x2f6: {  	_ =	sdelay $0x2  }
0x2f7: {  	v1 =	vor.u32 s9, v0;
	s6 =	sor.u32 $0x150, s5  }
0x2f8: {  	s7 =	simm.s32 $0x400;
	s8 =	simm.s32 $0x500;
	v3 =	vimm.f32 $0.0e+00  }
.LBB2_49:
0x2f9: {  	[tilespmem:v4+s7+$0x0] =	vst.idx.msk vm1, v5  }
0x2fa: {  	[tilespmem:v4+s8+$0x0] =	vst.idx.msk vm1, v2  }
0x2fb: {  	v6 =	vld.idx.msk [tilespmem:v4+s7+$0x0], $0xffff  }
0x2fc: {  	v7 =	vld.idx.msk [tilespmem:v4+s8+$0x0], $0xffff;
	_ =	sdelay $0x4  }
0x2fd: {  	vm1 =	veq.f32 v5, v6;
	vm2 =	vlt.s32 v2, v7  }
0x2fe: {  	vm3 =	vgt.f32 v5, v6;
	vm1 =	vmand vm1, vm2  }
0x2ff: {  	vm1 =	vmor vm3, vm1  }
0x300: {  	vm1 =	vmand vm0, vm1  }
0x301: {  	v6 =	vsel vm1, $0x3F800000, v3  }
0x302: {  	(xrf0) =	vmax.scan.msk.f32 $0xffff, v6;
	_ =	sdelay $0x5  }
0x303: {  	v6, _, _ =	vpop (xrf0)  }
0x304: {  	(v2sf) =	vpush v6, $0xF;
	_ =	sdelay $0xe  }
0x305: {  	s9 =	spop (v2sf)  }
0x306: {  	p0 =	sgt.f32 s9, $0.0e+00  }
.Ltmp39:
0x307: {  	_ = 	snop;
	(pc) =	sbr.rel @p0 .LBB2_49-.Ltmp39, $1  }
0x308: {  	_ =	sdelay $0x3  }
.LBB2_50:
0x309: {  	v2 =	vld [tilespmem:$0x340];
	_ =	sdelay $0x4  }
0x30a: {  	vm0 =	vgt.s32 v2, $0x1  }
0x30b: {  	v3 =	vnsel vm0, $0x1, v2  }
0x30c: {  	v4 =	vadd.s32 $0xFFFFFFFF, v3;
	_ =	sdelay $0x3  }
0x30d: {  	v5 =	vld [tilespmem:$0x140];
	s7 =	simm.s32 $0x400  }
0x30e: {  	s8 =	simm.s32 $0x500;
	v3 =	vld.idx.msk [tilespmem:v4+s7+$0x0], $0xffff  }
0x30f: {  	v6 =	vld.idx.msk [tilespmem:v4+s8+$0x0], $0xffff;
	_ =	sdelay $0x4  }
0x310: {  	vm0 =	veq.f32 v5, v3;
	vm1 =	vlt.s32 v1, v6  }
0x311: {  	vm2 =	vgt.f32 v5, v3;
	vm1 =	vmand vm0, vm1  }
0x312: {  	vm0 =	vgt.s32 v2, $0x0;
	vm1 =	vmor vm2, vm1  }
0x313: {  	v3 =	vimm.f32 $0.0e+00;
	vm1 =	vmand vm0, vm1  }
0x314: {  	v2 =	vsel vm1, $0x3F800000, v3  }
0x315: {  	(xrf0) =	vmax.scan.msk.f32 $0xffff, v2;
	_ =	sdelay $0x5  }
0x316: {  	v2, _, _ =	vpop (xrf0)  }
0x317: {  	(v2sf) =	vpush v2, $0xF;
	_ =	sdelay $0xe  }
0x318: {  	s9 =	spop (v2sf)  }
0x319: {  	p0 =	sgt.f32 s9, $0.0e+00  }
.Ltmp40:
0x31a: {  	_ = 	snop;
	(pc) =	sbr.rel @!p0 .LBB2_52-.Ltmp40, $2  }
0x31b: {  	_ =	sdelay $0x2  }
0x31c: {  	v2 =	vor.u32 s6, v0;
	s9 =	sor.u32 $0x160, s5  }
.LBB2_51:
0x31d: {  	[tilespmem:v4+s7+$0x0] =	vst.idx.msk vm1, v5  }
0x31e: {  	[tilespmem:v4+s8+$0x0] =	vst.idx.msk vm1, v1  }
0x31f: {  	v6 =	vld.idx.msk [tilespmem:v4+s7+$0x0], $0xffff  }
0x320: {  	v7 =	vld.idx.msk [tilespmem:v4+s8+$0x0], $0xffff;
	_ =	sdelay $0x4  }
0x321: {  	vm1 =	veq.f32 v5, v6;
	vm2 =	vlt.s32 v1, v7  }
0x322: {  	vm3 =	vgt.f32 v5, v6;
	vm1 =	vmand vm1, vm2  }
0x323: {  	vm1 =	vmor vm3, vm1  }
0x324: {  	vm1 =	vmand vm0, vm1  }
0x325: {  	v6 =	vsel vm1, $0x3F800000, v3  }
0x326: {  	(xrf0) =	vmax.scan.msk.f32 $0xffff, v6;
	_ =	sdelay $0x5  }
0x327: {  	v6, _, _ =	vpop (xrf0)  }
0x328: {  	(v2sf) =	vpush v6, $0xF;
	_ =	sdelay $0xe  }
0x329: {  	s6 =	spop (v2sf)  }
0x32a: {  	p0 =	sgt.f32 s6, $0.0e+00  }
.Ltmp41:
0x32b: {  	_ = 	snop;
	(pc) =	sbr.rel @p0 .LBB2_51-.Ltmp41, $1  }
0x32c: {  	_ =	sdelay $0x3  }
.LBB2_52:
0x32d: {  	v1 =	vld [tilespmem:$0x350];
	_ =	sdelay $0x4  }
0x32e: {  	vm0 =	vgt.s32 v1, $0x1  }
0x32f: {  	v4 =	vnsel vm0, $0x1, v1  }
0x330: {  	v4 =	vadd.s32 $0xFFFFFFFF, v4;
	_ =	sdelay $0x3  }
0x331: {  	v5 =	vld [tilespmem:$0x150]  }
0x332: {  	v6 =	vld.idx.msk [tilespmem:v4+s7+$0x0], $0xffff  }
0x333: {  	v7 =	vld.idx.msk [tilespmem:v4+s8+$0x0], $0xffff;
	_ =	sdelay $0x4  }
0x334: {  	vm0 =	veq.f32 v5, v6;
	vm1 =	vlt.s32 v2, v7  }
0x335: {  	vm2 =	vgt.f32 v5, v6;
	vm1 =	vmand vm0, vm1  }
0x336: {  	vm0 =	vgt.s32 v1, $0x0;
	vm1 =	vmor vm2, vm1  }
0x337: {  	vm1 =	vmand vm0, vm1  }
0x338: {  	v1 =	vsel vm1, $0x3F800000, v3  }
0x339: {  	(xrf0) =	vmax.scan.msk.f32 $0xffff, v1;
	_ =	sdelay $0x5  }
0x33a: {  	v1, _, _ =	vpop (xrf0)  }
0x33b: {  	(v2sf) =	vpush v1, $0xF;
	_ =	sdelay $0xe  }
0x33c: {  	s6 =	spop (v2sf)  }
0x33d: {  	p0 =	sgt.f32 s6, $0.0e+00  }
.Ltmp42:
0x33e: {  	_ = 	snop;
	(pc) =	sbr.rel @!p0 .LBB2_55-.Ltmp42, $2  }
0x33f: {  	_ =	sdelay $0x2  }
0x340: {  	v1 =	vor.u32 s9, v0;
	s6 =	sor.u32 $0x170, s5  }
0x341: {  	s7 =	simm.s32 $0x400;
	s8 =	simm.s32 $0x500;
	v3 =	vimm.f32 $0.0e+00  }
.LBB2_54:
0x342: {  	[tilespmem:v4+s7+$0x0] =	vst.idx.msk vm1, v5  }
0x343: {  	[tilespmem:v4+s8+$0x0] =	vst.idx.msk vm1, v2  }
0x344: {  	v6 =	vld.idx.msk [tilespmem:v4+s7+$0x0], $0xffff  }
0x345: {  	v7 =	vld.idx.msk [tilespmem:v4+s8+$0x0], $0xffff;
	_ =	sdelay $0x4  }
0x346: {  	vm1 =	veq.f32 v5, v6;
	vm2 =	vlt.s32 v2, v7  }
0x347: {  	vm3 =	vgt.f32 v5, v6;
	vm1 =	vmand vm1, vm2  }
0x348: {  	vm1 =	vmor vm3, vm1  }
0x349: {  	vm1 =	vmand vm0, vm1  }
0x34a: {  	v6 =	vsel vm1, $0x3F800000, v3  }
0x34b: {  	(xrf0) =	vmax.scan.msk.f32 $0xffff, v6;
	_ =	sdelay $0x5  }
0x34c: {  	v6, _, _ =	vpop (xrf0)  }
0x34d: {  	(v2sf) =	vpush v6, $0xF;
	_ =	sdelay $0xe  }
0x34e: {  	s9 =	spop (v2sf)  }
0x34f: {  	p0 =	sgt.f32 s9, $0.0e+00  }
.Ltmp43:
0x350: {  	_ = 	snop;
	(pc) =	sbr.rel @p0 .LBB2_54-.Ltmp43, $1  }
0x351: {  	_ =	sdelay $0x3  }
.LBB2_55:
0x352: {  	v2 =	vld [tilespmem:$0x360];
	_ =	sdelay $0x4  }
0x353: {  	vm0 =	vgt.s32 v2, $0x1  }
0x354: {  	v3 =	vnsel vm0, $0x1, v2  }
0x355: {  	v4 =	vadd.s32 $0xFFFFFFFF, v3;
	_ =	sdelay $0x3  }
0x356: {  	v5 =	vld [tilespmem:$0x160];
	s7 =	simm.s32 $0x400  }
0x357: {  	s8 =	simm.s32 $0x500;
	v3 =	vld.idx.msk [tilespmem:v4+s7+$0x0], $0xffff  }
0x358: {  	v6 =	vld.idx.msk [tilespmem:v4+s8+$0x0], $0xffff;
	_ =	sdelay $0x4  }
0x359: {  	vm0 =	veq.f32 v5, v3;
	vm1 =	vlt.s32 v1, v6  }
0x35a: {  	vm2 =	vgt.f32 v5, v3;
	vm1 =	vmand vm0, vm1  }
0x35b: {  	vm0 =	vgt.s32 v2, $0x0;
	vm1 =	vmor vm2, vm1  }
0x35c: {  	v3 =	vimm.f32 $0.0e+00;
	vm1 =	vmand vm0, vm1  }
0x35d: {  	v2 =	vsel vm1, $0x3F800000, v3  }
0x35e: {  	(xrf0) =	vmax.scan.msk.f32 $0xffff, v2;
	_ =	sdelay $0x5  }
0x35f: {  	v2, _, _ =	vpop (xrf0)  }
0x360: {  	(v2sf) =	vpush v2, $0xF;
	_ =	sdelay $0xe  }
0x361: {  	s9 =	spop (v2sf)  }
0x362: {  	p0 =	sgt.f32 s9, $0.0e+00  }
.Ltmp44:
0x363: {  	_ = 	snop;
	(pc) =	sbr.rel @!p0 .LBB2_57-.Ltmp44, $2  }
0x364: {  	_ =	sdelay $0x2  }
0x365: {  	v2 =	vor.u32 s6, v0;
	s9 =	sor.u32 $0x180, s5  }
.LBB2_56:
0x366: {  	[tilespmem:v4+s7+$0x0] =	vst.idx.msk vm1, v5  }
0x367: {  	[tilespmem:v4+s8+$0x0] =	vst.idx.msk vm1, v1  }
0x368: {  	v6 =	vld.idx.msk [tilespmem:v4+s7+$0x0], $0xffff  }
0x369: {  	v7 =	vld.idx.msk [tilespmem:v4+s8+$0x0], $0xffff;
	_ =	sdelay $0x4  }
0x36a: {  	vm1 =	veq.f32 v5, v6;
	vm2 =	vlt.s32 v1, v7  }
0x36b: {  	vm3 =	vgt.f32 v5, v6;
	vm1 =	vmand vm1, vm2  }
0x36c: {  	vm1 =	vmor vm3, vm1  }
0x36d: {  	vm1 =	vmand vm0, vm1  }
0x36e: {  	v6 =	vsel vm1, $0x3F800000, v3  }
0x36f: {  	(xrf0) =	vmax.scan.msk.f32 $0xffff, v6;
	_ =	sdelay $0x5  }
0x370: {  	v6, _, _ =	vpop (xrf0)  }
0x371: {  	(v2sf) =	vpush v6, $0xF;
	_ =	sdelay $0xe  }
0x372: {  	s6 =	spop (v2sf)  }
0x373: {  	p0 =	sgt.f32 s6, $0.0e+00  }
.Ltmp45:
0x374: {  	_ = 	snop;
	(pc) =	sbr.rel @p0 .LBB2_56-.Ltmp45, $1  }
0x375: {  	_ =	sdelay $0x3  }
.LBB2_57:
0x376: {  	v1 =	vld [tilespmem:$0x370];
	_ =	sdelay $0x4  }
0x377: {  	vm0 =	vgt.s32 v1, $0x1  }
0x378: {  	v4 =	vnsel vm0, $0x1, v1  }
0x379: {  	v4 =	vadd.s32 $0xFFFFFFFF, v4;
	_ =	sdelay $0x3  }
0x37a: {  	v5 =	vld [tilespmem:$0x170]  }
0x37b: {  	v6 =	vld.idx.msk [tilespmem:v4+s7+$0x0], $0xffff  }
0x37c: {  	v7 =	vld.idx.msk [tilespmem:v4+s8+$0x0], $0xffff;
	_ =	sdelay $0x4  }
0x37d: {  	vm0 =	veq.f32 v5, v6;
	vm1 =	vlt.s32 v2, v7  }
0x37e: {  	vm2 =	vgt.f32 v5, v6;
	vm1 =	vmand vm0, vm1  }
0x37f: {  	vm0 =	vgt.s32 v1, $0x0;
	vm1 =	vmor vm2, vm1  }
0x380: {  	vm1 =	vmand vm0, vm1  }
0x381: {  	v1 =	vsel vm1, $0x3F800000, v3  }
0x382: {  	(xrf0) =	vmax.scan.msk.f32 $0xffff, v1;
	_ =	sdelay $0x5  }
0x383: {  	v1, _, _ =	vpop (xrf0)  }
0x384: {  	(v2sf) =	vpush v1, $0xF;
	_ =	sdelay $0xe  }
0x385: {  	s6 =	spop (v2sf)  }
0x386: {  	p0 =	sgt.f32 s6, $0.0e+00  }
.Ltmp46:
0x387: {  	_ = 	snop;
	(pc) =	sbr.rel @!p0 .LBB2_60-.Ltmp46, $2  }
0x388: {  	_ =	sdelay $0x2  }
0x389: {  	v1 =	vor.u32 s9, v0;
	s6 =	sor.u32 $0x190, s5  }
0x38a: {  	s7 =	simm.s32 $0x400;
	s8 =	simm.s32 $0x500;
	v3 =	vimm.f32 $0.0e+00  }
.LBB2_59:
0x38b: {  	[tilespmem:v4+s7+$0x0] =	vst.idx.msk vm1, v5  }
0x38c: {  	[tilespmem:v4+s8+$0x0] =	vst.idx.msk vm1, v2  }
0x38d: {  	v6 =	vld.idx.msk [tilespmem:v4+s7+$0x0], $0xffff  }
0x38e: {  	v7 =	vld.idx.msk [tilespmem:v4+s8+$0x0], $0xffff;
	_ =	sdelay $0x4  }
0x38f: {  	vm1 =	veq.f32 v5, v6;
	vm2 =	vlt.s32 v2, v7  }
0x390: {  	vm3 =	vgt.f32 v5, v6;
	vm1 =	vmand vm1, vm2  }
0x391: {  	vm1 =	vmor vm3, vm1  }
0x392: {  	vm1 =	vmand vm0, vm1  }
0x393: {  	v6 =	vsel vm1, $0x3F800000, v3  }
0x394: {  	(xrf0) =	vmax.scan.msk.f32 $0xffff, v6;
	_ =	sdelay $0x5  }
0x395: {  	v6, _, _ =	vpop (xrf0)  }
0x396: {  	(v2sf) =	vpush v6, $0xF;
	_ =	sdelay $0xe  }
0x397: {  	s9 =	spop (v2sf)  }
0x398: {  	p0 =	sgt.f32 s9, $0.0e+00  }
.Ltmp47:
0x399: {  	_ = 	snop;
	(pc) =	sbr.rel @p0 .LBB2_59-.Ltmp47, $1  }
0x39a: {  	_ =	sdelay $0x3  }
.LBB2_60:
0x39b: {  	v2 =	vld [tilespmem:$0x380];
	_ =	sdelay $0x4  }
0x39c: {  	vm0 =	vgt.s32 v2, $0x1  }
0x39d: {  	v3 =	vnsel vm0, $0x1, v2  }
0x39e: {  	v4 =	vadd.s32 $0xFFFFFFFF, v3;
	_ =	sdelay $0x3  }
0x39f: {  	v5 =	vld [tilespmem:$0x180];
	s7 =	simm.s32 $0x400  }
0x3a0: {  	s8 =	simm.s32 $0x500;
	v3 =	vld.idx.msk [tilespmem:v4+s7+$0x0], $0xffff  }
0x3a1: {  	v6 =	vld.idx.msk [tilespmem:v4+s8+$0x0], $0xffff;
	_ =	sdelay $0x4  }
0x3a2: {  	vm0 =	veq.f32 v5, v3;
	vm1 =	vlt.s32 v1, v6  }
0x3a3: {  	vm2 =	vgt.f32 v5, v3;
	vm1 =	vmand vm0, vm1  }
0x3a4: {  	vm0 =	vgt.s32 v2, $0x0;
	vm1 =	vmor vm2, vm1  }
0x3a5: {  	v3 =	vimm.f32 $0.0e+00;
	vm1 =	vmand vm0, vm1  }
0x3a6: {  	v2 =	vsel vm1, $0x3F800000, v3  }
0x3a7: {  	(xrf0) =	vmax.scan.msk.f32 $0xffff, v2;
	_ =	sdelay $0x5  }
0x3a8: {  	v2, _, _ =	vpop (xrf0)  }
0x3a9: {  	(v2sf) =	vpush v2, $0xF;
	_ =	sdelay $0xe  }
0x3aa: {  	s9 =	spop (v2sf)  }
0x3ab: {  	p0 =	sgt.f32 s9, $0.0e+00  }
.Ltmp48:
0x3ac: {  	_ = 	snop;
	(pc) =	sbr.rel @!p0 .LBB2_62-.Ltmp48, $2  }
0x3ad: {  	_ =	sdelay $0x2  }
0x3ae: {  	v2 =	vor.u32 s6, v0;
	s9 =	sor.u32 $0x1A0, s5  }
.LBB2_61:
0x3af: {  	[tilespmem:v4+s7+$0x0] =	vst.idx.msk vm1, v5  }
0x3b0: {  	[tilespmem:v4+s8+$0x0] =	vst.idx.msk vm1, v1  }
0x3b1: {  	v6 =	vld.idx.msk [tilespmem:v4+s7+$0x0], $0xffff  }
0x3b2: {  	v7 =	vld.idx.msk [tilespmem:v4+s8+$0x0], $0xffff;
	_ =	sdelay $0x4  }
0x3b3: {  	vm1 =	veq.f32 v5, v6;
	vm2 =	vlt.s32 v1, v7  }
0x3b4: {  	vm3 =	vgt.f32 v5, v6;
	vm1 =	vmand vm1, vm2  }
0x3b5: {  	vm1 =	vmor vm3, vm1  }
0x3b6: {  	vm1 =	vmand vm0, vm1  }
0x3b7: {  	v6 =	vsel vm1, $0x3F800000, v3  }
0x3b8: {  	(xrf0) =	vmax.scan.msk.f32 $0xffff, v6;
	_ =	sdelay $0x5  }
0x3b9: {  	v6, _, _ =	vpop (xrf0)  }
0x3ba: {  	(v2sf) =	vpush v6, $0xF;
	_ =	sdelay $0xe  }
0x3bb: {  	s6 =	spop (v2sf)  }
0x3bc: {  	p0 =	sgt.f32 s6, $0.0e+00  }
.Ltmp49:
0x3bd: {  	_ = 	snop;
	(pc) =	sbr.rel @p0 .LBB2_61-.Ltmp49, $1  }
0x3be: {  	_ =	sdelay $0x3  }
.LBB2_62:
0x3bf: {  	v1 =	vld [tilespmem:$0x390];
	_ =	sdelay $0x4  }
0x3c0: {  	vm0 =	vgt.s32 v1, $0x1  }
0x3c1: {  	v4 =	vnsel vm0, $0x1, v1  }
0x3c2: {  	v4 =	vadd.s32 $0xFFFFFFFF, v4;
	_ =	sdelay $0x3  }
0x3c3: {  	v5 =	vld [tilespmem:$0x190]  }
0x3c4: {  	v6 =	vld.idx.msk [tilespmem:v4+s7+$0x0], $0xffff  }
0x3c5: {  	v7 =	vld.idx.msk [tilespmem:v4+s8+$0x0], $0xffff;
	_ =	sdelay $0x4  }
0x3c6: {  	vm0 =	veq.f32 v5, v6;
	vm1 =	vlt.s32 v2, v7  }
0x3c7: {  	vm2 =	vgt.f32 v5, v6;
	vm1 =	vmand vm0, vm1  }
0x3c8: {  	vm0 =	vgt.s32 v1, $0x0;
	vm1 =	vmor vm2, vm1  }
0x3c9: {  	vm1 =	vmand vm0, vm1  }
0x3ca: {  	v1 =	vsel vm1, $0x3F800000, v3  }
0x3cb: {  	(xrf0) =	vmax.scan.msk.f32 $0xffff, v1;
	_ =	sdelay $0x5  }
0x3cc: {  	v1, _, _ =	vpop (xrf0)  }
0x3cd: {  	(v2sf) =	vpush v1, $0xF;
	_ =	sdelay $0xe  }
0x3ce: {  	s6 =	spop (v2sf)  }
0x3cf: {  	p0 =	sgt.f32 s6, $0.0e+00  }
.Ltmp50:
0x3d0: {  	_ = 	snop;
	(pc) =	sbr.rel @!p0 .LBB2_65-.Ltmp50, $2  }
0x3d1: {  	_ =	sdelay $0x2  }
0x3d2: {  	v1 =	vor.u32 s9, v0;
	s6 =	sor.u32 $0x1B0, s5  }
0x3d3: {  	s7 =	simm.s32 $0x400;
	s8 =	simm.s32 $0x500;
	v3 =	vimm.f32 $0.0e+00  }
.LBB2_64:
0x3d4: {  	[tilespmem:v4+s7+$0x0] =	vst.idx.msk vm1, v5  }
0x3d5: {  	[tilespmem:v4+s8+$0x0] =	vst.idx.msk vm1, v2  }
0x3d6: {  	v6 =	vld.idx.msk [tilespmem:v4+s7+$0x0], $0xffff  }
0x3d7: {  	v7 =	vld.idx.msk [tilespmem:v4+s8+$0x0], $0xffff;
	_ =	sdelay $0x4  }
0x3d8: {  	vm1 =	veq.f32 v5, v6;
	vm2 =	vlt.s32 v2, v7  }
0x3d9: {  	vm3 =	vgt.f32 v5, v6;
	vm1 =	vmand vm1, vm2  }
0x3da: {  	vm1 =	vmor vm3, vm1  }
0x3db: {  	vm1 =	vmand vm0, vm1  }
0x3dc: {  	v6 =	vsel vm1, $0x3F800000, v3  }
0x3dd: {  	(xrf0) =	vmax.scan.msk.f32 $0xffff, v6;
	_ =	sdelay $0x5  }
0x3de: {  	v6, _, _ =	vpop (xrf0)  }
0x3df: {  	(v2sf) =	vpush v6, $0xF;
	_ =	sdelay $0xe  }
0x3e0: {  	s9 =	spop (v2sf)  }
0x3e1: {  	p0 =	sgt.f32 s9, $0.0e+00  }
.Ltmp51:
0x3e2: {  	_ = 	snop;
	(pc) =	sbr.rel @p0 .LBB2_64-.Ltmp51, $1  }
0x3e3: {  	_ =	sdelay $0x3  }
.LBB2_65:
0x3e4: {  	v2 =	vld [tilespmem:$0x3A0];
	_ =	sdelay $0x4  }
0x3e5: {  	vm0 =	vgt.s32 v2, $0x1  }
0x3e6: {  	v3 =	vnsel vm0, $0x1, v2  }
0x3e7: {  	v4 =	vadd.s32 $0xFFFFFFFF, v3;
	_ =	sdelay $0x3  }
0x3e8: {  	v5 =	vld [tilespmem:$0x1A0];
	s7 =	simm.s32 $0x400  }
0x3e9: {  	s8 =	simm.s32 $0x500;
	v3 =	vld.idx.msk [tilespmem:v4+s7+$0x0], $0xffff  }
0x3ea: {  	v6 =	vld.idx.msk [tilespmem:v4+s8+$0x0], $0xffff;
	_ =	sdelay $0x4  }
0x3eb: {  	vm0 =	veq.f32 v5, v3;
	vm1 =	vlt.s32 v1, v6  }
0x3ec: {  	vm2 =	vgt.f32 v5, v3;
	vm1 =	vmand vm0, vm1  }
0x3ed: {  	vm0 =	vgt.s32 v2, $0x0;
	vm1 =	vmor vm2, vm1  }
0x3ee: {  	v3 =	vimm.f32 $0.0e+00;
	vm1 =	vmand vm0, vm1  }
0x3ef: {  	v2 =	vsel vm1, $0x3F800000, v3  }
0x3f0: {  	(xrf0) =	vmax.scan.msk.f32 $0xffff, v2;
	_ =	sdelay $0x5  }
0x3f1: {  	v2, _, _ =	vpop (xrf0)  }
0x3f2: {  	(v2sf) =	vpush v2, $0xF;
	_ =	sdelay $0xe  }
0x3f3: {  	s9 =	spop (v2sf)  }
0x3f4: {  	p0 =	sgt.f32 s9, $0.0e+00  }
.Ltmp52:
0x3f5: {  	_ = 	snop;
	(pc) =	sbr.rel @!p0 .LBB2_67-.Ltmp52, $2  }
0x3f6: {  	_ =	sdelay $0x2  }
0x3f7: {  	v2 =	vor.u32 s6, v0;
	s9 =	sor.u32 $0x1C0, s5  }
.LBB2_66:
0x3f8: {  	[tilespmem:v4+s7+$0x0] =	vst.idx.msk vm1, v5  }
0x3f9: {  	[tilespmem:v4+s8+$0x0] =	vst.idx.msk vm1, v1  }
0x3fa: {  	v6 =	vld.idx.msk [tilespmem:v4+s7+$0x0], $0xffff  }
0x3fb: {  	v7 =	vld.idx.msk [tilespmem:v4+s8+$0x0], $0xffff;
	_ =	sdelay $0x4  }
0x3fc: {  	vm1 =	veq.f32 v5, v6;
	vm2 =	vlt.s32 v1, v7  }
0x3fd: {  	vm3 =	vgt.f32 v5, v6;
	vm1 =	vmand vm1, vm2  }
0x3fe: {  	vm1 =	vmor vm3, vm1  }
0x3ff: {  	vm1 =	vmand vm0, vm1  }
0x400: {  	v6 =	vsel vm1, $0x3F800000, v3  }
0x401: {  	(xrf0) =	vmax.scan.msk.f32 $0xffff, v6;
	_ =	sdelay $0x5  }
0x402: {  	v6, _, _ =	vpop (xrf0)  }
0x403: {  	(v2sf) =	vpush v6, $0xF;
	_ =	sdelay $0xe  }
0x404: {  	s6 =	spop (v2sf)  }
0x405: {  	p0 =	sgt.f32 s6, $0.0e+00  }
.Ltmp53:
0x406: {  	_ = 	snop;
	(pc) =	sbr.rel @p0 .LBB2_66-.Ltmp53, $1  }
0x407: {  	_ =	sdelay $0x3  }
.LBB2_67:
0x408: {  	v1 =	vld [tilespmem:$0x3B0];
	_ =	sdelay $0x4  }
0x409: {  	vm0 =	vgt.s32 v1, $0x1  }
0x40a: {  	v4 =	vnsel vm0, $0x1, v1  }
0x40b: {  	v4 =	vadd.s32 $0xFFFFFFFF, v4;
	_ =	sdelay $0x3  }
0x40c: {  	v5 =	vld [tilespmem:$0x1B0]  }
0x40d: {  	v6 =	vld.idx.msk [tilespmem:v4+s7+$0x0], $0xffff  }
0x40e: {  	v7 =	vld.idx.msk [tilespmem:v4+s8+$0x0], $0xffff;
	_ =	sdelay $0x4  }
0x40f: {  	vm0 =	veq.f32 v5, v6;
	vm1 =	vlt.s32 v2, v7  }
0x410: {  	vm2 =	vgt.f32 v5, v6;
	vm1 =	vmand vm0, vm1  }
0x411: {  	vm0 =	vgt.s32 v1, $0x0;
	vm1 =	vmor vm2, vm1  }
0x412: {  	vm1 =	vmand vm0, vm1  }
0x413: {  	v1 =	vsel vm1, $0x3F800000, v3  }
0x414: {  	(xrf0) =	vmax.scan.msk.f32 $0xffff, v1;
	_ =	sdelay $0x5  }
0x415: {  	v1, _, _ =	vpop (xrf0)  }
0x416: {  	(v2sf) =	vpush v1, $0xF;
	_ =	sdelay $0xe  }
0x417: {  	s6 =	spop (v2sf)  }
0x418: {  	p0 =	sgt.f32 s6, $0.0e+00  }
.Ltmp54:
0x419: {  	_ = 	snop;
	(pc) =	sbr.rel @!p0 .LBB2_70-.Ltmp54, $2  }
0x41a: {  	_ =	sdelay $0x2  }
0x41b: {  	v1 =	vor.u32 s9, v0;
	s6 =	sor.u32 $0x1D0, s5  }
0x41c: {  	s7 =	simm.s32 $0x400;
	s8 =	simm.s32 $0x500;
	v3 =	vimm.f32 $0.0e+00  }
.LBB2_69:
0x41d: {  	[tilespmem:v4+s7+$0x0] =	vst.idx.msk vm1, v5  }
0x41e: {  	[tilespmem:v4+s8+$0x0] =	vst.idx.msk vm1, v2  }
0x41f: {  	v6 =	vld.idx.msk [tilespmem:v4+s7+$0x0], $0xffff  }
0x420: {  	v7 =	vld.idx.msk [tilespmem:v4+s8+$0x0], $0xffff;
	_ =	sdelay $0x4  }
0x421: {  	vm1 =	veq.f32 v5, v6;
	vm2 =	vlt.s32 v2, v7  }
0x422: {  	vm3 =	vgt.f32 v5, v6;
	vm1 =	vmand vm1, vm2  }
0x423: {  	vm1 =	vmor vm3, vm1  }
0x424: {  	vm1 =	vmand vm0, vm1  }
0x425: {  	v6 =	vsel vm1, $0x3F800000, v3  }
0x426: {  	(xrf0) =	vmax.scan.msk.f32 $0xffff, v6;
	_ =	sdelay $0x5  }
0x427: {  	v6, _, _ =	vpop (xrf0)  }
0x428: {  	(v2sf) =	vpush v6, $0xF;
	_ =	sdelay $0xe  }
0x429: {  	s9 =	spop (v2sf)  }
0x42a: {  	p0 =	sgt.f32 s9, $0.0e+00  }
.Ltmp55:
0x42b: {  	_ = 	snop;
	(pc) =	sbr.rel @p0 .LBB2_69-.Ltmp55, $1  }
0x42c: {  	_ =	sdelay $0x3  }
.LBB2_70:
0x42d: {  	v2 =	vld [tilespmem:$0x3C0];
	_ =	sdelay $0x4  }
0x42e: {  	vm0 =	vgt.s32 v2, $0x1  }
0x42f: {  	v3 =	vnsel vm0, $0x1, v2  }
0x430: {  	v4 =	vadd.s32 $0xFFFFFFFF, v3;
	_ =	sdelay $0x3  }
0x431: {  	v5 =	vld [tilespmem:$0x1C0];
	s7 =	simm.s32 $0x400  }
0x432: {  	s8 =	simm.s32 $0x500;
	v3 =	vld.idx.msk [tilespmem:v4+s7+$0x0], $0xffff  }
0x433: {  	v6 =	vld.idx.msk [tilespmem:v4+s8+$0x0], $0xffff;
	_ =	sdelay $0x4  }
0x434: {  	vm0 =	veq.f32 v5, v3;
	vm1 =	vlt.s32 v1, v6  }
0x435: {  	vm2 =	vgt.f32 v5, v3;
	vm1 =	vmand vm0, vm1  }
0x436: {  	vm0 =	vgt.s32 v2, $0x0;
	vm1 =	vmor vm2, vm1  }
0x437: {  	v3 =	vimm.f32 $0.0e+00;
	vm1 =	vmand vm0, vm1  }
0x438: {  	v2 =	vsel vm1, $0x3F800000, v3  }
0x439: {  	(xrf0) =	vmax.scan.msk.f32 $0xffff, v2;
	_ =	sdelay $0x5  }
0x43a: {  	v2, _, _ =	vpop (xrf0)  }
0x43b: {  	(v2sf) =	vpush v2, $0xF;
	_ =	sdelay $0xe  }
0x43c: {  	s9 =	spop (v2sf)  }
0x43d: {  	p0 =	sgt.f32 s9, $0.0e+00  }
.Ltmp56:
0x43e: {  	_ = 	snop;
	(pc) =	sbr.rel @!p0 .LBB2_72-.Ltmp56, $2  }
0x43f: {  	_ =	sdelay $0x2  }
0x440: {  	v2 =	vor.u32 s6, v0;
	s9 =	sor.u32 $0x1E0, s5  }
.LBB2_71:
0x441: {  	[tilespmem:v4+s7+$0x0] =	vst.idx.msk vm1, v5  }
0x442: {  	[tilespmem:v4+s8+$0x0] =	vst.idx.msk vm1, v1  }
0x443: {  	v6 =	vld.idx.msk [tilespmem:v4+s7+$0x0], $0xffff  }
0x444: {  	v7 =	vld.idx.msk [tilespmem:v4+s8+$0x0], $0xffff;
	_ =	sdelay $0x4  }
0x445: {  	vm1 =	veq.f32 v5, v6;
	vm2 =	vlt.s32 v1, v7  }
0x446: {  	vm3 =	vgt.f32 v5, v6;
	vm1 =	vmand vm1, vm2  }
0x447: {  	vm1 =	vmor vm3, vm1  }
0x448: {  	vm1 =	vmand vm0, vm1  }
0x449: {  	v6 =	vsel vm1, $0x3F800000, v3  }
0x44a: {  	(xrf0) =	vmax.scan.msk.f32 $0xffff, v6;
	_ =	sdelay $0x5  }
0x44b: {  	v6, _, _ =	vpop (xrf0)  }
0x44c: {  	(v2sf) =	vpush v6, $0xF;
	_ =	sdelay $0xe  }
0x44d: {  	s6 =	spop (v2sf)  }
0x44e: {  	p0 =	sgt.f32 s6, $0.0e+00  }
.Ltmp57:
0x44f: {  	_ = 	snop;
	(pc) =	sbr.rel @p0 .LBB2_71-.Ltmp57, $1  }
0x450: {  	_ =	sdelay $0x3  }
.LBB2_72:
0x451: {  	v1 =	vld [tilespmem:$0x3D0];
	_ =	sdelay $0x4  }
0x452: {  	vm0 =	vgt.s32 v1, $0x1  }
0x453: {  	v4 =	vnsel vm0, $0x1, v1  }
0x454: {  	v4 =	vadd.s32 $0xFFFFFFFF, v4;
	_ =	sdelay $0x3  }
0x455: {  	v5 =	vld [tilespmem:$0x1D0]  }
0x456: {  	v6 =	vld.idx.msk [tilespmem:v4+s7+$0x0], $0xffff  }
0x457: {  	v7 =	vld.idx.msk [tilespmem:v4+s8+$0x0], $0xffff;
	_ =	sdelay $0x4  }
0x458: {  	vm0 =	veq.f32 v5, v6;
	vm1 =	vlt.s32 v2, v7  }
0x459: {  	vm2 =	vgt.f32 v5, v6;
	vm1 =	vmand vm0, vm1  }
0x45a: {  	vm0 =	vgt.s32 v1, $0x0;
	vm1 =	vmor vm2, vm1  }
0x45b: {  	vm1 =	vmand vm0, vm1  }
0x45c: {  	v1 =	vsel vm1, $0x3F800000, v3  }
0x45d: {  	(xrf0) =	vmax.scan.msk.f32 $0xffff, v1;
	_ =	sdelay $0x5  }
0x45e: {  	v1, _, _ =	vpop (xrf0)  }
0x45f: {  	(v2sf) =	vpush v1, $0xF;
	_ =	sdelay $0xe  }
0x460: {  	s6 =	spop (v2sf)  }
0x461: {  	p0 =	sgt.f32 s6, $0.0e+00  }
.Ltmp58:
0x462: {  	_ = 	snop;
	(pc) =	sbr.rel @!p0 .LBB2_75-.Ltmp58, $2  }
0x463: {  	_ =	sdelay $0x2  }
0x464: {  	s7 =	sshll.u32 s1, $0x5;
	s8 =	sshll.u32 s1, $0x1;
	v1 =	vor.u32 s9, v0;
	s6 =	sor.u32 $0x1F0, s5  }
0x465: {  	s5 =	simm.s32 $0x400;
	s9 =	simm.s32 $0x500;
	v3 =	vimm.f32 $0.0e+00  }
.LBB2_74:
0x466: {  	[tilespmem:v4+s5+$0x0] =	vst.idx.msk vm1, v5  }
0x467: {  	[tilespmem:v4+s9+$0x0] =	vst.idx.msk vm1, v2  }
0x468: {  	v6 =	vld.idx.msk [tilespmem:v4+s5+$0x0], $0xffff  }
0x469: {  	v7 =	vld.idx.msk [tilespmem:v4+s9+$0x0], $0xffff;
	_ =	sdelay $0x4  }
0x46a: {  	vm1 =	veq.f32 v5, v6;
	vm2 =	vlt.s32 v2, v7  }
0x46b: {  	vm3 =	vgt.f32 v5, v6;
	vm1 =	vmand vm1, vm2  }
0x46c: {  	vm1 =	vmor vm3, vm1  }
0x46d: {  	vm1 =	vmand vm0, vm1  }
0x46e: {  	v6 =	vsel vm1, $0x3F800000, v3  }
0x46f: {  	(xrf0) =	vmax.scan.msk.f32 $0xffff, v6;
	_ =	sdelay $0x5  }
0x470: {  	v6, _, _ =	vpop (xrf0)  }
0x471: {  	(v2sf) =	vpush v6, $0xF;
	_ =	sdelay $0xe  }
0x472: {  	s10 =	spop (v2sf)  }
0x473: {  	p0 =	sgt.f32 s10, $0.0e+00  }
.Ltmp59:
0x474: {  	_ = 	snop;
	(pc) =	sbr.rel @p0 .LBB2_74-.Ltmp59, $1  }
0x475: {  	_ =	sdelay $0x3  }
.LBB2_75:
0x476: {  	v3 =	vld [tilespmem:$0x3E0];
	_ =	sdelay $0x4  }
0x477: {  	vm0 =	vgt.s32 v3, $0x1  }
0x478: {  	v2 =	vnsel vm0, $0x1, v3  }
0x479: {  	v2 =	vadd.s32 $0xFFFFFFFF, v2;
	_ =	sdelay $0x3  }
0x47a: {  	v4 =	vld [tilespmem:$0x1E0];
	s9 =	simm.s32 $0x400  }
0x47b: {  	s10 =	simm.s32 $0x500;
	v5 =	vld.idx.msk [tilespmem:v2+s9+$0x0], $0xffff  }
0x47c: {  	v6 =	vld.idx.msk [tilespmem:v2+s10+$0x0], $0xffff;
	_ =	sdelay $0x4  }
0x47d: {  	vm0 =	vlt.s32 v1, v6;
	vm1 =	veq.f32 v4, v5  }
0x47e: {  	vm2 =	vgt.f32 v4, v5;
	vm1 =	vmand vm1, vm0  }
0x47f: {  	vm0 =	vgt.s32 v3, $0x0;
	vm1 =	vmor vm2, vm1  }
0x480: {  	v3 =	vimm.f32 $0.0e+00;
	vm1 =	vmand vm0, vm1  }
0x481: {  	v5 =	vsel vm1, $0x3F800000, v3  }
0x482: {  	(xrf0) =	vmax.scan.msk.f32 $0xffff, v5;
	_ =	sdelay $0x5  }
0x483: {  	v5, _, _ =	vpop (xrf0)  }
0x484: {  	(v2sf) =	vpush v5, $0xF;
	_ =	sdelay $0xe  }
0x485: {  	s5 =	spop (v2sf)  }
0x486: {  	p0 =	sgt.f32 s5, $0.0e+00  }
.Ltmp60:
0x487: {  	_ = 	snop;
	(pc) =	sbr.rel @!p0 .LBB2_77-.Ltmp60, $3  }
0x488: {  	_ =	sdelay $0x1  }
0x489: {  	s17 =	sshll.u32 s1, $0x4  }
0x48a: {  	v0 =	vor.u32 s6, v0;
	s5 =	sadd.s32 s7, s4;
	s7 =	sadd.s32 s8, s4;
	s8 =	sshll.u32 s1, $0x8  }
.LBB2_76:
0x48b: {  	[tilespmem:v2+s9+$0x0] =	vst.idx.msk vm1, v4  }
0x48c: {  	[tilespmem:v2+s10+$0x0] =	vst.idx.msk vm1, v1  }
0x48d: {  	v5 =	vld.idx.msk [tilespmem:v2+s9+$0x0], $0xffff  }
0x48e: {  	v6 =	vld.idx.msk [tilespmem:v2+s10+$0x0], $0xffff;
	_ =	sdelay $0x4  }
0x48f: {  	vm1 =	veq.f32 v4, v5;
	vm2 =	vlt.s32 v1, v6  }
0x490: {  	vm3 =	vgt.f32 v4, v5;
	vm1 =	vmand vm1, vm2  }
0x491: {  	vm1 =	vmor vm3, vm1  }
0x492: {  	vm1 =	vmand vm0, vm1  }
0x493: {  	v5 =	vsel vm1, $0x3F800000, v3  }
0x494: {  	(xrf0) =	vmax.scan.msk.f32 $0xffff, v5;
	_ =	sdelay $0x5  }
0x495: {  	v5, _, _ =	vpop (xrf0)  }
0x496: {  	(v2sf) =	vpush v5, $0xF;
	_ =	sdelay $0xe  }
0x497: {  	s6 =	spop (v2sf)  }
0x498: {  	p0 =	sgt.f32 s6, $0.0e+00  }
.Ltmp61:
0x499: {  	_ = 	snop;
	(pc) =	sbr.rel @p0 .LBB2_76-.Ltmp61, $1  }
0x49a: {  	_ =	sdelay $0x3  }
.LBB2_77:
0x49b: {  	v4 =	vld [tilespmem:$0x3F0];
	_ =	sdelay $0x4  }
0x49c: {  	vm0 =	vgt.s32 v4, $0x1  }
0x49d: {  	v1 =	vnsel vm0, $0x1, v4  }
0x49e: {  	v1 =	vadd.s32 $0xFFFFFFFF, v1;
	_ =	sdelay $0x3  }
0x49f: {  	v2 =	vld [tilespmem:$0x1F0]  }
0x4a0: {  	v5 =	vld.idx.msk [tilespmem:v1+s9+$0x0], $0xffff  }
0x4a1: {  	v6 =	vld.idx.msk [tilespmem:v1+s10+$0x0], $0xffff;
	_ =	sdelay $0x4  }
0x4a2: {  	vm0 =	vlt.s32 v0, v6;
	vm1 =	veq.f32 v2, v5  }
0x4a3: {  	vm2 =	vgt.f32 v2, v5;
	vm1 =	vmand vm1, vm0  }
0x4a4: {  	vm0 =	vgt.s32 v4, $0x0;
	vm1 =	vmor vm2, vm1  }
0x4a5: {  	vm1 =	vmand vm0, vm1  }
0x4a6: {  	v3 =	vsel vm1, $0x3F800000, v3  }
0x4a7: {  	(xrf0) =	vmax.scan.msk.f32 $0xffff, v3;
	_ =	sdelay $0x5  }
0x4a8: {  	v3, _, _ =	vpop (xrf0)  }
0x4a9: {  	(v2sf) =	vpush v3, $0xF;
	_ =	sdelay $0xd  }
0x4aa: {  	s4 =	sadd.s32 $0xE00, s4;
	s25 =	sadd.s32 s8, s3  }
0x4ab: {  	s24 =	sadd.s32 s8, s2;
	s23 =	sor.u32 $0x100, s17;
	s6 =	spop (v2sf)  }
0x4ac: {  	s22 =	sor.u32 $0x200, s17;
	s21 =	sor.u32 $0x300, s17;
	p0 =	sgt.f32 s6, $0.0e+00  }
.Ltmp62:
0x4ad: {  	s20 =	sor.u32 $0x400, s17;
	s19 =	sor.u32 $0x500, s17;
	(pc) =	sbr.rel @!p0 .LBB2_80-.Ltmp62, $4  }
0x4ae: {  	s18 =	sor.u32 $0x600, s17;
	s16 =	sor.u32 $0x700, s17;
	s15 =	sor.u32 $0x800, s17  }
0x4af: {  	s14 =	sor.u32 $0x900, s17;
	s13 =	sor.u32 $0xA00, s17;
	s12 =	sor.u32 $0xB00, s17  }
0x4b0: {  	s11 =	sor.u32 $0xC00, s17;
	s8 =	sor.u32 $0xF00, s17;
	s10 =	sor.u32 $0xD00, s17  }
0x4b1: {  	s9 =	sor.u32 $0xE00, s17;
	s6 =	sadd.s32 $0x4E00, s5;
	s5 =	sadd.s32 $0x5000, s7  }
0x4b2: {  	s7 =	simm.s32 $0x400;
	s26 =	simm.s32 $0x500;
	v3 =	vimm.f32 $0.0e+00  }
.LBB2_79:
0x4b3: {  	[tilespmem:v1+s7+$0x0] =	vst.idx.msk vm1, v2  }
0x4b4: {  	[tilespmem:v1+s26+$0x0] =	vst.idx.msk vm1, v0  }
0x4b5: {  	v4 =	vld.idx.msk [tilespmem:v1+s7+$0x0], $0xffff  }
0x4b6: {  	v5 =	vld.idx.msk [tilespmem:v1+s26+$0x0], $0xffff;
	_ =	sdelay $0x4  }
0x4b7: {  	vm1 =	veq.f32 v2, v4;
	vm2 =	vlt.s32 v0, v5  }
0x4b8: {  	vm3 =	vgt.f32 v2, v4;
	vm1 =	vmand vm1, vm2  }
0x4b9: {  	vm1 =	vmor vm3, vm1  }
0x4ba: {  	vm1 =	vmand vm0, vm1  }
0x4bb: {  	v4 =	vsel vm1, $0x3F800000, v3  }
0x4bc: {  	(xrf0) =	vmax.scan.msk.f32 $0xffff, v4;
	_ =	sdelay $0x5  }
0x4bd: {  	v4, _, _ =	vpop (xrf0)  }
0x4be: {  	(v2sf) =	vpush v4, $0xF;
	_ =	sdelay $0xe  }
0x4bf: {  	s28 =	spop (v2sf)  }
0x4c0: {  	p0 =	sgt.f32 s28, $0.0e+00  }
.Ltmp63:
0x4c1: {  	_ = 	snop;
	(pc) =	sbr.rel @p0 .LBB2_79-.Ltmp63, $1  }
0x4c2: {  	_ =	sdelay $0x3  }
.LBB2_80:
0x4c3: {  	s7 =	simm.s32 $0x400  }
0x4c4: {  	[spmem:s25] =	stream.linear.scatter [tilespmem:s7], [sflag:$0x2], $0x100, $0x38;
	[tilespmem:$0x2920] =	vst v63  }
0x4c5: {  	s7 =	simm.s32 $0x2  }
0x4c6: {  	_ =	swait.ge [sflag:s7], $0x100  }
0x4c7: {  	[sflag:s7] =	ssyncset.done $0x0  }
0x4c8: {  	s30 =	simm.s32 $0x500;
	[sflag:s7] =	ssyncadd.s32 $0xFFFFFF00  }
0x4c9: {  	[spmem:s24] =	stream.linear.scatter [tilespmem:s30], [sflag:$0x2], $0x100, $0x38;
	[tilespmem:$0x2920] =	vst v63  }
0x4ca: {  	_ =	swait.ge [sflag:s7], $0x100  }
0x4cb: {  	[sflag:s7] =	ssyncset.done $0x0  }
0x4cc: {  	[sflag:s7] =	ssyncadd.s32 $0xFFFFFF00  }
0x4cd: {  	s31 =	simm.s32 $0x800;
	[bflag:$0x0] =	sbarrier.arrive $0xFFFF  }
0x4ce: {  	[tilespmem:s31], [sflag:$0x2] =	stream.linear.gather [spmem:s3], $0x1000, $0x38;
	[tilespmem:$0x2920] =	vst v63  }
0x4cf: {  	_ =	swait.ge [sflag:s7], $0x1000  }
0x4d0: {  	[sflag:s7] =	ssyncset.done $0x0  }
0x4d1: {  	s24 =	simm.s32 $0x1800;
	[sflag:s7] =	ssyncadd.s32 $0xFFFFF000  }
0x4d2: {  	[tilespmem:s24], [sflag:$0x2] =	stream.linear.gather [spmem:s2], $0x1000, $0x38;
	[tilespmem:$0x2920] =	vst v63  }
0x4d3: {  	_ =	swait.ge [sflag:s7], $0x1000  }
0x4d4: {  	[sflag:s7] =	ssyncset.done $0x0  }
0x4d5: {  	[sflag:s7] =	ssyncadd.s32 $0xFFFFF000  }
0x4d6: {  	v0 =	vld [tilespmem:s17+$0x800]  }
0x4d7: {  	v1 =	vld [tilespmem:s17+$0x1800];
	_ =	sdelay $0x2  }
0x4d8: {  	v2 =	vld [tilespmem:s23+$0x800]  }
0x4d9: {  	v3 =	vld [tilespmem:s23+$0x1800]  }
0x4da: {  	vm0 =	veq.f32 v0, $-1.000000000e+00;
	vm1 =	vlt.s32 v1, $0x40000000  }
0x4db: {  	vm2 =	vgt.f32 v0, $-1.000000000e+00;
	vm0 =	vmand vm0, vm1  }
0x4dc: {  	v4 =	vld [tilespmem:s22+$0x800];
	vm0 =	vmor vm2, vm0  }
0x4dd: {  	v5 =	vld [tilespmem:s22+$0x1800];
	v0 =	vnsel vm0, $0xBF800000, v0;
	v1 =	vnsel vm0, $0x40000000, v1  }
0x4de: {  	vm6 =	veq.f32 v2, v0;
	vm7 =	vlt.s32 v3, v1  }
0x4df: {  	vm8 =	vgt.f32 v2, v0;
	vm0 =	vmand vm6, vm7  }
0x4e0: {  	v6 =	vld [tilespmem:s21+$0x800];
	vm0 =	vmor vm8, vm0  }
0x4e1: {  	v39 =	vld [tilespmem:s21+$0x1800];
	v0 =	vsel vm0, v2, v0;
	v1 =	vsel vm0, v3, v1  }
0x4e2: {  	vm9 =	veq.f32 v4, v0;
	vm10 =	vlt.s32 v5, v1  }
0x4e3: {  	vm11 =	vgt.f32 v4, v0;
	vm0 =	vmand vm9, vm10  }
0x4e4: {  	v40 =	vld [tilespmem:s20+$0x800];
	vm0 =	vmor vm11, vm0  }
0x4e5: {  	v41 =	vld [tilespmem:s20+$0x1800];
	v0 =	vsel vm0, v4, v0;
	v1 =	vsel vm0, v5, v1  }
0x4e6: {  	vm12 =	veq.f32 v6, v0;
	vm13 =	vlt.s32 v39, v1  }
0x4e7: {  	vm14 =	vgt.f32 v6, v0;
	vm0 =	vmand vm12, vm13  }
0x4e8: {  	v42 =	vld [tilespmem:s19+$0x800];
	vm0 =	vmor vm14, vm0  }
0x4e9: {  	v43 =	vld [tilespmem:s19+$0x1800];
	v0 =	vsel vm0, v6, v0;
	v1 =	vsel vm0, v39, v1  }
0x4ea: {  	vm15 =	veq.f32 v40, v0;
	vm4 =	vlt.s32 v41, v1  }
0x4eb: {  	vm5 =	vgt.f32 v40, v0;
	vm0 =	vmand vm15, vm4  }
0x4ec: {  	v44 =	vld [tilespmem:s18+$0x800];
	vm0 =	vmor vm5, vm0  }
0x4ed: {  	v45 =	vld [tilespmem:s18+$0x1800];
	v0 =	vsel vm0, v40, v0;
	v1 =	vsel vm0, v41, v1  }
0x4ee: {  	vm6 =	veq.f32 v42, v0;
	vm7 =	vlt.s32 v43, v1  }
0x4ef: {  	vm8 =	vgt.f32 v42, v0;
	vm0 =	vmand vm6, vm7  }
0x4f0: {  	v46 =	vld [tilespmem:s16+$0x800];
	vm0 =	vmor vm8, vm0  }
0x4f1: {  	v47 =	vld [tilespmem:s16+$0x1800];
	v0 =	vsel vm0, v42, v0;
	v1 =	vsel vm0, v43, v1  }
0x4f2: {  	vm9 =	veq.f32 v44, v0;
	vm10 =	vlt.s32 v45, v1  }
0x4f3: {  	vm11 =	vgt.f32 v44, v0;
	vm0 =	vmand vm9, vm10  }
0x4f4: {  	v48 =	vld [tilespmem:s15+$0x800];
	vm0 =	vmor vm11, vm0  }
0x4f5: {  	v49 =	vld [tilespmem:s15+$0x1800];
	v0 =	vsel vm0, v44, v0;
	v1 =	vsel vm0, v45, v1  }
0x4f6: {  	vm12 =	veq.f32 v46, v0;
	vm13 =	vlt.s32 v47, v1  }
0x4f7: {  	vm14 =	vgt.f32 v46, v0;
	vm0 =	vmand vm12, vm13  }
0x4f8: {  	v50 =	vld [tilespmem:s14+$0x800];
	vm0 =	vmor vm14, vm0  }
0x4f9: {  	v51 =	vld [tilespmem:s14+$0x1800];
	v0 =	vsel vm0, v46, v0;
	v1 =	vsel vm0, v47, v1  }
0x4fa: {  	vm15 =	veq.f32 v48, v0;
	vm4 =	vlt.s32 v49, v1  }
0x4fb: {  	vm5 =	vgt.f32 v48, v0;
	vm0 =	vmand vm15, vm4  }
0x4fc: {  	v52 =	vld [tilespmem:s13+$0x800];
	vm0 =	vmor vm5, vm0  }
0x4fd: {  	v53 =	vld [tilespmem:s13+$0x1800];
	v0 =	vsel vm0, v48, v0;
	v1 =	vsel vm0, v49, v1  }
0x4fe: {  	vm6 =	veq.f32 v50, v0;
	vm7 =	vlt.s32 v51, v1  }
0x4ff: {  	vm8 =	vgt.f32 v50, v0;
	vm0 =	vmand vm6, vm7  }
0x500: {  	v54 =	vld [tilespmem:s12+$0x800];
	vm0 =	vmor vm8, vm0  }
0x501: {  	v55 =	vld [tilespmem:s12+$0x1800];
	v0 =	vsel vm0, v50, v0;
	v1 =	vsel vm0, v51, v1  }
0x502: {  	vm9 =	veq.f32 v52, v0;
	vm10 =	vlt.s32 v53, v1  }
0x503: {  	vm11 =	vgt.f32 v52, v0;
	vm0 =	vmand vm9, vm10  }
0x504: {  	v56 =	vld [tilespmem:s11+$0x800];
	vm0 =	vmor vm11, vm0  }
0x505: {  	v57 =	vld [tilespmem:s11+$0x1800];
	v0 =	vsel vm0, v52, v0;
	v1 =	vsel vm0, v53, v1  }
0x506: {  	vm12 =	veq.f32 v54, v0;
	vm13 =	vlt.s32 v55, v1  }
0x507: {  	vm14 =	vgt.f32 v54, v0;
	vm0 =	vmand vm12, vm13  }
0x508: {  	v58 =	vld [tilespmem:s10+$0x800];
	vm0 =	vmor vm14, vm0  }
0x509: {  	v59 =	vld [tilespmem:s10+$0x1800];
	v0 =	vsel vm0, v54, v0;
	v1 =	vsel vm0, v55, v1  }
0x50a: {  	vm15 =	veq.f32 v56, v0;
	vm4 =	vlt.s32 v57, v1  }
0x50b: {  	vm5 =	vgt.f32 v56, v0;
	vm0 =	vmand vm15, vm4  }
0x50c: {  	v60 =	vld [tilespmem:s9+$0x800];
	vm0 =	vmor vm5, vm0  }
0x50d: {  	v61 =	vld [tilespmem:s9+$0x1800];
	v0 =	vsel vm0, v56, v0;
	v1 =	vsel vm0, v57, v1  }
0x50e: {  	vm6 =	veq.f32 v58, v0;
	vm7 =	vlt.s32 v59, v1  }
0x50f: {  	vm8 =	vgt.f32 v58, v0;
	vm0 =	vmand vm6, vm7  }
0x510: {  	v62 =	vld [tilespmem:s8+$0x800];
	vm0 =	vmor vm8, vm0  }
0x511: {  	v63 =	vld [tilespmem:s8+$0x1800];
	v0 =	vsel vm0, v58, v0;
	v1 =	vsel vm0, v59, v1  }
0x512: {  	vm9 =	veq.f32 v60, v0;
	vm10 =	vlt.s32 v61, v1  }
0x513: {  	vm11 =	vgt.f32 v60, v0;
	vm0 =	vmand vm9, vm10  }
0x514: {  	vm0 =	vmor vm11, vm0  }
0x515: {  	v0 =	vsel vm0, v60, v0;
	v1 =	vsel vm0, v61, v1  }
0x516: {  	vm12 =	veq.f32 v62, v0;
	vm13 =	vlt.s32 v63, v1  }
0x517: {  	vm14 =	vgt.f32 v62, v0;
	vm0 =	vmand vm12, vm13  }
0x518: {  	vm0 =	vmor vm14, vm0  }
0x519: {  	v0 =	vsel vm0, v62, v0  }
0x51a: {  	v1 =	vsel vm0, v63, v1;
	vm15 =	vge.f32 v0, $0.0e+00  }
0x51b: {  	s26 =	simm.s32 $0x2800;
	[tilespmem:$0x2910] =	vst v0;
	v1 =	vnsel vm15, $0x0, v1  }
0x51c: {  	s28 =	simm.s32 $0x2810;
	s29 =	simm.s32 $0x1;
	s25 =	simm.s32 $0x10;
	[tilespmem:$0x2800] =	vst v1  }
0x51d: {  	[tilespmem:s28], [sflag:$0x1] =	stream.indirect.gather [hbm4b:s4+s25], $0x10, s26, s25, $0xb8;
	[tilespmem:$0x2920] =	vst v63  }
0x51e: {  	_ =	swait.ge [sflag:s29], $0x100  }
0x51f: {  	[sflag:s29] =	ssyncset.done $0x0  }
0x520: {  	s30 =	simm.s32 $0x0;
	[sflag:s29] =	ssyncadd.s32 $0xFFFFFF00  }
0x521: {  	[hbm4b:s6+s30] =	stream.linear.scatter [tilespmem:s28], [sflag:$0x2], $0x100, $0x38;
	[tilespmem:$0x2920] =	vst v63  }
0x522: {  	_ =	swait.ge [sflag:s7], $0x100  }
0x523: {  	[sflag:s7] =	ssyncset.done $0x0  }
0x524: {  	s31 =	simm.s32 $0x2910;
	[sflag:s7] =	ssyncadd.s32 $0xFFFFFF00  }
0x525: {  	[hbm4b:s5+s30] =	stream.linear.scatter [tilespmem:s31], [sflag:$0x2], $0x10, $0x38;
	[tilespmem:$0x2920] =	vst v63  }
0x526: {  	_ =	swait.ge [sflag:s7], $0x10  }
0x527: {  	[sflag:s7] =	ssyncset.done $0x0  }
0x528: {  	[sflag:s7] =	ssyncadd.s32 $0xFFFFFFF0  }
0x529: {  	_ =	sfence.sel $0x180000  }
0x52a: {  	[bflag:$0x0] =	sbarrier.arrive $0xFFFF  }
0x52b: {  	p0 =	sne.s32 s1, $0x0;
	_ =	strace $0x90000047  }
0x52c: {  	s0 =	sadd.s32 @!p0 $0x100000, s0;
	[bflag:$0x2] =	sbarrier.arrive $0xFFFF  }
0x52d: {  	[sflag:s0] =	ssyncadd.tile.s32 @!p0 $0x1;
	_ =	shalt  }
.Lfunc_end2:
_tile_overlayer_lowered:
.L_overlay_start_2:
0x52e: {  	(tag) =	ssettag $0x2  }
0x52f: {  	s0 =	rddreg [dreg:$0x0];
	s2 =	stileid.u32  }
0x530: {  	s1 =	rddreg [dreg:$0x1];
	p0 =	sne.s32 s2, $0x0  }
0x531: {  	s3 =	rddreg [dreg:$0x2];
	[bflag:$0x3] =	sbarrier.arrive $0xFFFF;
	s2 =	simm.s32 @!p0 $0x1C02  }
0x532: {  	[timem:s3], [sflag:s2] =	dma.local @!p0 [hbm:s0], s1  }
0x533: {  	s0 =	simm.s32 @!p0 $0x2  }
0x534: {  	_ =	swait.ge @!p0 [sflag:s0], s1  }
0x535: {  	s1 =	ssub.s32 @!p0 $0x0, s1;
	[sflag:s0] =	ssyncset.done @!p0 $0x0  }
0x536: {  	[sflag:s0] =	ssyncadd.s32 @!p0 s1  }
0x537: {  	[bflag:$0x3] =	sbarrier.arrive $0xFFFF  }
0x538: {  	_ =	shalt  }

</sc_bundles>
